<compile_context>
chip_gen: v7x
topology: tpu7x:2x2x1
jax: 0.10.2.dev20260603
libtpu: 0.0.44.dev20260713+nightly
codegen_flags: <defaults>
</compile_context>

<pallas_src>
import functools

import jax
import jax.numpy as jnp
from jax import lax
from jax.experimental import pallas as pl
from jax.experimental.pallas import tpu as pltpu
from jax.experimental.pallas import tpu_sc as plsc

NC = 2
NS = 16
NW = NC * NS

NBUF = 10
CHUNK = 64
PADW = 128


def _make_gather(n_total: int):
    assert n_total % (NW * CHUNK) == 0
    per_w = n_total // NW
    n_chunks = per_w // CHUNK
    assert n_chunks % NBUF == 0
    n_groups = n_chunks // NBUF

    mesh = plsc.VectorSubcoreMesh(
        core_axis_name="c", subcore_axis_name="s",
        num_cores=NC, num_subcores=NS)

    @functools.partial(
        pl.kernel,
        out_type=jax.ShapeDtypeStruct((n_total, PADW), jnp.float32),
        mesh=mesh,
        scratch_types=[
            pltpu.VMEM((per_w,), jnp.int32),
            pltpu.VMEM((NBUF, CHUNK, PADW), jnp.float32),
            pltpu.SemaphoreType.DMA((NBUF,)),
            pltpu.SemaphoreType.DMA((NBUF,)),
        ],
        compiler_params=pltpu.CompilerParams(use_tc_tiling_on_sc=True),
    )
    def gather_kernel(vocab_hbm, idx_hbm, out_hbm, idx_v, rows_v, gsem, wsem):
        wid = lax.axis_index("s") * NC + lax.axis_index("c")
        base = wid * per_w
        pltpu.sync_copy(idx_hbm.at[pl.ds(base, per_w)], idx_v)

        def start_gather(k, j):
            pltpu.async_copy(
                vocab_hbm.at[idx_v.at[pl.ds(k * CHUNK, CHUNK)]],
                rows_v.at[j], gsem.at[j])

        def start_write(k, j):
            pltpu.async_copy(
                rows_v.at[j],
                out_hbm.at[pl.ds(base + k * CHUNK, CHUNK)], wsem.at[j])

        def wait_gather(j):
            pltpu.make_async_copy(
                vocab_hbm.at[idx_v.at[pl.ds(0, CHUNK)]],
                rows_v.at[j], gsem.at[j]).wait()

        def wait_write(j):
            pltpu.make_async_copy(
                rows_v.at[j],
                out_hbm.at[pl.ds(base, CHUNK)], wsem.at[j]).wait()

        for j in range(NBUF):
            start_gather(j, j)

        def body(g, carry):
            for j in range(NBUF):
                wait_gather(j)
                start_write(g * NBUF + j, j)
            for j in range(NBUF):
                wait_write(j)
                start_gather((g + 1) * NBUF + j, j)
            return carry

        lax.fori_loop(0, n_groups - 1, body, 0, unroll=False)

        last = (n_groups - 1) * NBUF
        for j in range(NBUF):
            wait_gather(j)
            start_write(last + j, j)
        for j in range(NBUF):
            wait_write(j)

    return gather_kernel


def kernel(s, vocab):
    b, t = s.shape
    dim = vocab.shape[1]
    vocab_p = jnp.pad(vocab, ((0, 0), (0, PADW - dim)))
    idx = s.reshape(-1).astype(jnp.int32)
    out_p = _make_gather(b * t)(vocab_p, idx)
    return out_p.reshape(b, t, PADW)[:, :, :dim]

# --- scband reference (transcript-rebuilt; emitter-appended) ---
"""Pipeline reference for scband-pretrained-word-embedding-16879221473806 (READ-ONLY COPY).

The authoritative reference and input builder live on the scoring server;
editing this copy changes nothing except your own understanding.
"""

import jax, jax.numpy as jnp
import numpy as np

VOCAB_LEN = 1000000
VOCAB_DIM = 64
BATCH = 4096
S_LEN = 200

def setup_inputs(seed: int = 0) -> dict:
    key = jax.random.key(seed)
    k1, k2 = jax.random.split(key)
    s = jax.random.randint(k1, (BATCH, S_LEN), 0, VOCAB_LEN, dtype=jnp.int64 if jax.config.jax_enable_x64 else jnp.int32)
    vocab = jax.random.normal(k2, (VOCAB_LEN, VOCAB_DIM), dtype=jnp.float32)
    return {"s": s, "vocab": vocab}

def reference(s, vocab):
    # PretrainedWordEmbedding.forward: per-batch gather of rows from vocab table.
    # output[i, :, :] = vocab[s[i, :]]  -> vectorized as a single gather.
    output = jnp.take(vocab, s, axis=0)  # [batch, s_len, vocab_dim]
    return output

if __name__ == "__main__":
    import jax
    _d = setup_inputs()
    print(jax.jit(kernel)(*tuple(_d.values())))

</pallas_src>

<mosaic_0001>
#map = affine_map<(d0, d1) -> (0, 0)>
#map1 = affine_map<(d0, d1) -> (0)>
module attributes {stable_mosaic.version = 14 : i64} {
  func.func @gather_kernel(%arg0: i32, %arg1: i32, %arg2: memref<1000000x128xf32, #tpu.memory_space<hbm>>, %arg3: memref<819200xi32, #tpu.memory_space<hbm>>, %arg4: memref<819200x128xf32, #tpu.memory_space<hbm>>, %arg5: memref<25600xi32, #tpu.memory_space<vmem>>, %arg6: memref<10x64x128xf32, #tpu.memory_space<vmem>>, %arg7: memref<10x!tpu.dma_semaphore, #tpu.memory_space<semaphore_mem>>, %arg8: memref<10x!tpu.dma_semaphore, #tpu.memory_space<semaphore_mem>>) attributes {dimension_semantics = [#tpu.dimension_semantics<core_parallel>, #tpu.dimension_semantics<subcore_parallel>], iteration_bounds = array<i64: 2, 16>, scalar_prefetch = 0 : i64, scratch_operands = 4 : i64, tpu.core_type = #tpu.core_type<sc_vector_subcore>, window_params = [{transform_indices = #map}, {transform_indices = #map1}, {transform_indices = #map}]} {
    %mul3A = arith.constant 2 : i32
    %mul3A_0 = arith.muli %arg1, %mul3A : i32
    %add3A = arith.addi %mul3A_0, %arg0 : i32
    %mul3A_1 = arith.constant 25600 : i32
    %mul3A_2 = arith.muli %add3A, %mul3A_1 : i32
    "tpu.region"() ({
      %run_scoped3A = tpu.sem_alloc : memref<!tpu.dma_semaphore, #tpu.memory_space<semaphore_mem>>
      %dma_start3A_606 = tpu.memref_slice %arg3[%mul3A_2] : memref<819200xi32, #tpu.memory_space<hbm>> -> memref<25600xi32, #tpu.memory_space<hbm>>
      %dma_start3A_607 = tpu.memref_slice %arg3[%mul3A_2] : memref<819200xi32, #tpu.memory_space<hbm>> -> memref<25600xi32, #tpu.memory_space<hbm>>
      tpu.enqueue_dma source(%dma_start3A_607 : memref<25600xi32, #tpu.memory_space<hbm>>) target(%arg5 : memref<25600xi32, #tpu.memory_space<vmem>>) target_semaphore(%run_scoped3A : memref<!tpu.dma_semaphore, #tpu.memory_space<semaphore_mem>>)
      %dma_wait3A_608 = tpu.memref_slice %arg3[%mul3A_2] : memref<819200xi32, #tpu.memory_space<hbm>> -> memref<25600xi32, #tpu.memory_space<hbm>>
      %dma_wait3A_609 = tpu.memref_slice %arg3[%mul3A_2] : memref<819200xi32, #tpu.memory_space<hbm>> -> memref<25600xi32, #tpu.memory_space<hbm>>
      tpu.wait_dma2 semaphore(%run_scoped3A : memref<!tpu.dma_semaphore, #tpu.memory_space<semaphore_mem>>) src(%dma_wait3A_609 : memref<25600xi32, #tpu.memory_space<hbm>>) dst(%arg5 : memref<25600xi32, #tpu.memory_space<vmem>>)
      tpu.yield
    }) : () -> ()
    %dma_start3A = arith.constant 0 : i32
    %dma_start3A_3 = arith.constant 0 : i32
    %dma_start3A_4 = arith.constant 0 : i32
    %dma_start3A_5 = arith.constant 0 : i32
    %dma_start3A_6 = tpu.memref_slice %arg6[%dma_start3A, %dma_start3A_4, %dma_start3A_5] : memref<10x64x128xf32, #tpu.memory_space<vmem>> -> memref<1x64x128xf32, #tpu.memory_space<vmem>>
    %dma_start3A_7 = tpu.memref_squeeze %dma_start3A_6 : memref<1x64x128xf32, #tpu.memory_space<vmem>> -> memref<64x128xf32, #tpu.memory_space<vmem>>
    %dma_start3A_8 = arith.constant 0 : i32
    %dma_start3A_9 = tpu.memref_slice %arg5[%dma_start3A_8] : memref<25600xi32, #tpu.memory_space<vmem>> -> memref<64xi32, #tpu.memory_space<vmem>>
    %dma_start3A_10 = arith.constant 0 : i32
    %dma_start3A_11 = arith.constant 0 : i32
    %dma_start3A_12 = tpu.memref_slice %arg2[%dma_start3A_10, %dma_start3A_11] : memref<1000000x128xf32, #tpu.memory_space<hbm>> -> memref<1000000x128xf32, #tpu.memory_space<hbm>>
    %dma_start3A_13 = tpu.memref_slice %arg7[%dma_start3A_3] : memref<10x!tpu.dma_semaphore, #tpu.memory_space<semaphore_mem>> -> memref<1x!tpu.dma_semaphore, #tpu.memory_space<semaphore_mem>>
    %dma_start3A_14 = tpu.memref_squeeze %dma_start3A_13 : memref<1x!tpu.dma_semaphore, #tpu.memory_space<semaphore_mem>> -> memref<!tpu.dma_semaphore, #tpu.memory_space<semaphore_mem>>
    tpu.enqueue_indirect_dma source(%dma_start3A_12 : memref<1000000x128xf32, #tpu.memory_space<hbm>>) target(%dma_start3A_7 : memref<64x128xf32, #tpu.memory_space<vmem>>) offsets(%dma_start3A_9 : memref<64xi32, #tpu.memory_space<vmem>>) semaphore(%dma_start3A_14 : memref<!tpu.dma_semaphore, #tpu.memory_space<semaphore_mem>>)
    %dma_start3A_15 = arith.constant 1 : i32
    %dma_start3A_16 = arith.constant 1 : i32
    %dma_start3A_17 = arith.constant 0 : i32
    %dma_start3A_18 = arith.constant 0 : i32
    %dma_start3A_19 = tpu.memref_slice %arg6[%dma_start3A_15, %dma_start3A_17, %dma_start3A_18] : memref<10x64x128xf32, #tpu.memory_space<vmem>> -> memref<1x64x128xf32, #tpu.memory_space<vmem>>
    %dma_start3A_20 = tpu.memref_squeeze %dma_start3A_19 : memref<1x64x128xf32, #tpu.memory_space<vmem>> -> memref<64x128xf32, #tpu.memory_space<vmem>>
    %dma_start3A_21 = arith.constant 64 : i32
    %dma_start3A_22 = tpu.memref_slice %arg5[%dma_start3A_21] : memref<25600xi32, #tpu.memory_space<vmem>> -> memref<64xi32, #tpu.memory_space<vmem>>
    %dma_start3A_23 = arith.constant 0 : i32
    %dma_start3A_24 = arith.constant 0 : i32
    %dma_start3A_25 = tpu.memref_slice %arg2[%dma_start3A_23, %dma_start3A_24] : memref<1000000x128xf32, #tpu.memory_space<hbm>> -> memref<1000000x128xf32, #tpu.memory_space<hbm>>
    %dma_start3A_26 = tpu.memref_slice %arg7[%dma_start3A_16] : memref<10x!tpu.dma_semaphore, #tpu.memory_space<semaphore_mem>> -> memref<1x!tpu.dma_semaphore, #tpu.memory_space<semaphore_mem>>
    %dma_start3A_27 = tpu.memref_squeeze %dma_start3A_26 : memref<1x!tpu.dma_semaphore, #tpu.memory_space<semaphore_mem>> -> memref<!tpu.dma_semaphore, #tpu.memory_space<semaphore_mem>>
    tpu.enqueue_indirect_dma source(%dma_start3A_25 : memref<1000000x128xf32, #tpu.memory_space<hbm>>) target(%dma_start3A_20 : memref<64x128xf32, #tpu.memory_space<vmem>>) offsets(%dma_start3A_22 : memref<64xi32, #tpu.memory_space<vmem>>) semaphore(%dma_start3A_27 : memref<!tpu.dma_semaphore, #tpu.memory_space<semaphore_mem>>)
    %dma_start3A_28 = arith.constant 2 : i32
    %dma_start3A_29 = arith.constant 2 : i32
    %dma_start3A_30 = arith.constant 0 : i32
    %dma_start3A_31 = arith.constant 0 : i32
    %dma_start3A_32 = tpu.memref_slice %arg6[%dma_start3A_28, %dma_start3A_30, %dma_start3A_31] : memref<10x64x128xf32, #tpu.memory_space<vmem>> -> memref<1x64x128xf32, #tpu.memory_space<vmem>>
    %dma_start3A_33 = tpu.memref_squeeze %dma_start3A_32 : memref<1x64x128xf32, #tpu.memory_space<vmem>> -> memref<64x128xf32, #tpu.memory_space<vmem>>
    %dma_start3A_34 = arith.constant 128 : i32
    %dma_start3A_35 = tpu.memref_slice %arg5[%dma_start3A_34] : memref<25600xi32, #tpu.memory_space<vmem>> -> memref<64xi32, #tpu.memory_space<vmem>>
    %dma_start3A_36 = arith.constant 0 : i32
    %dma_start3A_37 = arith.constant 0 : i32
    %dma_start3A_38 = tpu.memref_slice %arg2[%dma_start3A_36, %dma_start3A_37] : memref<1000000x128xf32, #tpu.memory_space<hbm>> -> memref<1000000x128xf32, #tpu.memory_space<hbm>>
    %dma_start3A_39 = tpu.memref_slice %arg7[%dma_start3A_29] : memref<10x!tpu.dma_semaphore, #tpu.memory_space<semaphore_mem>> -> memref<1x!tpu.dma_semaphore, #tpu.memory_space<semaphore_mem>>
    %dma_start3A_40 = tpu.memref_squeeze %dma_start3A_39 : memref<1x!tpu.dma_semaphore, #tpu.memory_space<semaphore_mem>> -> memref<!tpu.dma_semaphore, #tpu.memory_space<semaphore_mem>>
    tpu.enqueue_indirect_dma source(%dma_start3A_38 : memref<1000000x128xf32, #tpu.memory_space<hbm>>) target(%dma_start3A_33 : memref<64x128xf32, #tpu.memory_space<vmem>>) offsets(%dma_start3A_35 : memref<64xi32, #tpu.memory_space<vmem>>) semaphore(%dma_start3A_40 : memref<!tpu.dma_semaphore, #tpu.memory_space<semaphore_mem>>)
    %dma_start3A_41 = arith.constant 3 : i32
    %dma_start3A_42 = arith.constant 3 : i32
    %dma_start3A_43 = arith.constant 0 : i32
    %dma_start3A_44 = arith.constant 0 : i32
    %dma_start3A_45 = tpu.memref_slice %arg6[%dma_start3A_41, %dma_start3A_43, %dma_start3A_44] : memref<10x64x128xf32, #tpu.memory_space<vmem>> -> memref<1x64x128xf32, #tpu.memory_space<vmem>>
    %dma_start3A_46 = tpu.memref_squeeze %dma_start3A_45 : memref<1x64x128xf32, #tpu.memory_space<vmem>> -> memref<64x128xf32, #tpu.memory_space<vmem>>
    %dma_start3A_47 = arith.constant 192 : i32
    %dma_start3A_48 = tpu.memref_slice %arg5[%dma_start3A_47] : memref<25600xi32, #tpu.memory_space<vmem>> -> memref<64xi32, #tpu.memory_space<vmem>>
    %dma_start3A_49 = arith.constant 0 : i32
    %dma_start3A_50 = arith.constant 0 : i32
    %dma_start3A_51 = tpu.memref_slice %arg2[%dma_start3A_49, %dma_start3A_50] : memref<1000000x128xf32, #tpu.memory_space<hbm>> -> memref<1000000x128xf32, #tpu.memory_space<hbm>>
    %dma_start3A_52 = tpu.memref_slice %arg7[%dma_start3A_42] : memref<10x!tpu.dma_semaphore, #tpu.memory_space<semaphore_mem>> -> memref<1x!tpu.dma_semaphore, #tpu.memory_space<semaphore_mem>>
    %dma_start3A_53 = tpu.memref_squeeze %dma_start3A_52 : memref<1x!tpu.dma_semaphore, #tpu.memory_space<semaphore_mem>> -> memref<!tpu.dma_semaphore, #tpu.memory_space<semaphore_mem>>
    tpu.enqueue_indirect_dma source(%dma_start3A_51 : memref<1000000x128xf32, #tpu.memory_space<hbm>>) target(%dma_start3A_46 : memref<64x128xf32, #tpu.memory_space<vmem>>) offsets(%dma_start3A_48 : memref<64xi32, #tpu.memory_space<vmem>>) semaphore(%dma_start3A_53 : memref<!tpu.dma_semaphore, #tpu.memory_space<semaphore_mem>>)
    %dma_start3A_54 = arith.constant 4 : i32
    %dma_start3A_55 = arith.constant 4 : i32
    %dma_start3A_56 = arith.constant 0 : i32
    %dma_start3A_57 = arith.constant 0 : i32
    %dma_start3A_58 = tpu.memref_slice %arg6[%dma_start3A_54, %dma_start3A_56, %dma_start3A_57] : memref<10x64x128xf32, #tpu.memory_space<vmem>> -> memref<1x64x128xf32, #tpu.memory_space<vmem>>
    %dma_start3A_59 = tpu.memref_squeeze %dma_start3A_58 : memref<1x64x128xf32, #tpu.memory_space<vmem>> -> memref<64x128xf32, #tpu.memory_space<vmem>>
    %dma_start3A_60 = arith.constant 256 : i32
    %dma_start3A_61 = tpu.memref_slice %arg5[%dma_start3A_60] : memref<25600xi32, #tpu.memory_space<vmem>> -> memref<64xi32, #tpu.memory_space<vmem>>
    %dma_start3A_62 = arith.constant 0 : i32
    %dma_start3A_63 = arith.constant 0 : i32
    %dma_start3A_64 = tpu.memref_slice %arg2[%dma_start3A_62, %dma_start3A_63] : memref<1000000x128xf32, #tpu.memory_space<hbm>> -> memref<1000000x128xf32, #tpu.memory_space<hbm>>
    %dma_start3A_65 = tpu.memref_slice %arg7[%dma_start3A_55] : memref<10x!tpu.dma_semaphore, #tpu.memory_space<semaphore_mem>> -> memref<1x!tpu.dma_semaphore, #tpu.memory_space<semaphore_mem>>
    %dma_start3A_66 = tpu.memref_squeeze %dma_start3A_65 : memref<1x!tpu.dma_semaphore, #tpu.memory_space<semaphore_mem>> -> memref<!tpu.dma_semaphore, #tpu.memory_space<semaphore_mem>>
    tpu.enqueue_indirect_dma source(%dma_start3A_64 : memref<1000000x128xf32, #tpu.memory_space<hbm>>) target(%dma_start3A_59 : memref<64x128xf32, #tpu.memory_space<vmem>>) offsets(%dma_start3A_61 : memref<64xi32, #tpu.memory_space<vmem>>) semaphore(%dma_start3A_66 : memref<!tpu.dma_semaphore, #tpu.memory_space<semaphore_mem>>)
    %dma_start3A_67 = arith.constant 5 : i32
    %dma_start3A_68 = arith.constant 5 : i32
    %dma_start3A_69 = arith.constant 0 : i32
    %dma_start3A_70 = arith.constant 0 : i32
    %dma_start3A_71 = tpu.memref_slice %arg6[%dma_start3A_67, %dma_start3A_69, %dma_start3A_70] : memref<10x64x128xf32, #tpu.memory_space<vmem>> -> memref<1x64x128xf32, #tpu.memory_space<vmem>>
    %dma_start3A_72 = tpu.memref_squeeze %dma_start3A_71 : memref<1x64x128xf32, #tpu.memory_space<vmem>> -> memref<64x128xf32, #tpu.memory_space<vmem>>
    %dma_start3A_73 = arith.constant 320 : i32
    %dma_start3A_74 = tpu.memref_slice %arg5[%dma_start3A_73] : memref<25600xi32, #tpu.memory_space<vmem>> -> memref<64xi32, #tpu.memory_space<vmem>>
    %dma_start3A_75 = arith.constant 0 : i32
    %dma_start3A_76 = arith.constant 0 : i32
    %dma_start3A_77 = tpu.memref_slice %arg2[%dma_start3A_75, %dma_start3A_76] : memref<1000000x128xf32, #tpu.memory_space<hbm>> -> memref<1000000x128xf32, #tpu.memory_space<hbm>>
    %dma_start3A_78 = tpu.memref_slice %arg7[%dma_start3A_68] : memref<10x!tpu.dma_semaphore, #tpu.memory_space<semaphore_mem>> -> memref<1x!tpu.dma_semaphore, #tpu.memory_space<semaphore_mem>>
    %dma_start3A_79 = tpu.memref_squeeze %dma_start3A_78 : memref<1x!tpu.dma_semaphore, #tpu.memory_space<semaphore_mem>> -> memref<!tpu.dma_semaphore, #tpu.memory_space<semaphore_mem>>
    tpu.enqueue_indirect_dma source(%dma_start3A_77 : memref<1000000x128xf32, #tpu.memory_space<hbm>>) target(%dma_start3A_72 : memref<64x128xf32, #tpu.memory_space<vmem>>) offsets(%dma_start3A_74 : memref<64xi32, #tpu.memory_space<vmem>>) semaphore(%dma_start3A_79 : memref<!tpu.dma_semaphore, #tpu.memory_space<semaphore_mem>>)
    %dma_start3A_80 = arith.constant 6 : i32
    %dma_start3A_81 = arith.constant 6 : i32
    %dma_start3A_82 = arith.constant 0 : i32
    %dma_start3A_83 = arith.constant 0 : i32
    %dma_start3A_84 = tpu.memref_slice %arg6[%dma_start3A_80, %dma_start3A_82, %dma_start3A_83] : memref<10x64x128xf32, #tpu.memory_space<vmem>> -> memref<1x64x128xf32, #tpu.memory_space<vmem>>
    %dma_start3A_85 = tpu.memref_squeeze %dma_start3A_84 : memref<1x64x128xf32, #tpu.memory_space<vmem>> -> memref<64x128xf32, #tpu.memory_space<vmem>>
    %dma_start3A_86 = arith.constant 384 : i32
    %dma_start3A_87 = tpu.memref_slice %arg5[%dma_start3A_86] : memref<25600xi32, #tpu.memory_space<vmem>> -> memref<64xi32, #tpu.memory_space<vmem>>
    %dma_start3A_88 = arith.constant 0 : i32
    %dma_start3A_89 = arith.constant 0 : i32
    %dma_start3A_90 = tpu.memref_slice %arg2[%dma_start3A_88, %dma_start3A_89] : memref<1000000x128xf32, #tpu.memory_space<hbm>> -> memref<1000000x128xf32, #tpu.memory_space<hbm>>
    %dma_start3A_91 = tpu.memref_slice %arg7[%dma_start3A_81] : memref<10x!tpu.dma_semaphore, #tpu.memory_space<semaphore_mem>> -> memref<1x!tpu.dma_semaphore, #tpu.memory_space<semaphore_mem>>
    %dma_start3A_92 = tpu.memref_squeeze %dma_start3A_91 : memref<1x!tpu.dma_semaphore, #tpu.memory_space<semaphore_mem>> -> memref<!tpu.dma_semaphore, #tpu.memory_space<semaphore_mem>>
    tpu.enqueue_indirect_dma source(%dma_start3A_90 : memref<1000000x128xf32, #tpu.memory_space<hbm>>) target(%dma_start3A_85 : memref<64x128xf32, #tpu.memory_space<vmem>>) offsets(%dma_start3A_87 : memref<64xi32, #tpu.memory_space<vmem>>) semaphore(%dma_start3A_92 : memref<!tpu.dma_semaphore, #tpu.memory_space<semaphore_mem>>)
    %dma_start3A_93 = arith.constant 7 : i32
    %dma_start3A_94 = arith.constant 7 : i32
    %dma_start3A_95 = arith.constant 0 : i32
    %dma_start3A_96 = arith.constant 0 : i32
    %dma_start3A_97 = tpu.memref_slice %arg6[%dma_start3A_93, %dma_start3A_95, %dma_start3A_96] : memref<10x64x128xf32, #tpu.memory_space<vmem>> -> memref<1x64x128xf32, #tpu.memory_space<vmem>>
    %dma_start3A_98 = tpu.memref_squeeze %dma_start3A_97 : memref<1x64x128xf32, #tpu.memory_space<vmem>> -> memref<64x128xf32, #tpu.memory_space<vmem>>
    %dma_start3A_99 = arith.constant 448 : i32
    %dma_start3A_100 = tpu.memref_slice %arg5[%dma_start3A_99] : memref<25600xi32, #tpu.memory_space<vmem>> -> memref<64xi32, #tpu.memory_space<vmem>>
    %dma_start3A_101 = arith.constant 0 : i32
    %dma_start3A_102 = arith.constant 0 : i32
    %dma_start3A_103 = tpu.memref_slice %arg2[%dma_start3A_101, %dma_start3A_102] : memref<1000000x128xf32, #tpu.memory_space<hbm>> -> memref<1000000x128xf32, #tpu.memory_space<hbm>>
    %dma_start3A_104 = tpu.memref_slice %arg7[%dma_start3A_94] : memref<10x!tpu.dma_semaphore, #tpu.memory_space<semaphore_mem>> -> memref<1x!tpu.dma_semaphore, #tpu.memory_space<semaphore_mem>>
    %dma_start3A_105 = tpu.memref_squeeze %dma_start3A_104 : memref<1x!tpu.dma_semaphore, #tpu.memory_space<semaphore_mem>> -> memref<!tpu.dma_semaphore, #tpu.memory_space<semaphore_mem>>
    tpu.enqueue_indirect_dma source(%dma_start3A_103 : memref<1000000x128xf32, #tpu.memory_space<hbm>>) target(%dma_start3A_98 : memref<64x128xf32, #tpu.memory_space<vmem>>) offsets(%dma_start3A_100 : memref<64xi32, #tpu.memory_space<vmem>>) semaphore(%dma_start3A_105 : memref<!tpu.dma_semaphore, #tpu.memory_space<semaphore_mem>>)
    %dma_start3A_106 = arith.constant 8 : i32
    %dma_start3A_107 = arith.constant 8 : i32
    %dma_start3A_108 = arith.constant 0 : i32
    %dma_start3A_109 = arith.constant 0 : i32
    %dma_start3A_110 = tpu.memref_slice %arg6[%dma_start3A_106, %dma_start3A_108, %dma_start3A_109] : memref<10x64x128xf32, #tpu.memory_space<vmem>> -> memref<1x64x128xf32, #tpu.memory_space<vmem>>
    %dma_start3A_111 = tpu.memref_squeeze %dma_start3A_110 : memref<1x64x128xf32, #tpu.memory_space<vmem>> -> memref<64x128xf32, #tpu.memory_space<vmem>>
    %dma_start3A_112 = arith.constant 512 : i32
    %dma_start3A_113 = tpu.memref_slice %arg5[%dma_start3A_112] : memref<25600xi32, #tpu.memory_space<vmem>> -> memref<64xi32, #tpu.memory_space<vmem>>
    %dma_start3A_114 = arith.constant 0 : i32
    %dma_start3A_115 = arith.constant 0 : i32
    %dma_start3A_116 = tpu.memref_slice %arg2[%dma_start3A_114, %dma_start3A_115] : memref<1000000x128xf32, #tpu.memory_space<hbm>> -> memref<1000000x128xf32, #tpu.memory_space<hbm>>
    %dma_start3A_117 = tpu.memref_slice %arg7[%dma_start3A_107] : memref<10x!tpu.dma_semaphore, #tpu.memory_space<semaphore_mem>> -> memref<1x!tpu.dma_semaphore, #tpu.memory_space<semaphore_mem>>
    %dma_start3A_118 = tpu.memref_squeeze %dma_start3A_117 : memref<1x!tpu.dma_semaphore, #tpu.memory_space<semaphore_mem>> -> memref<!tpu.dma_semaphore, #tpu.memory_space<semaphore_mem>>
    tpu.enqueue_indirect_dma source(%dma_start3A_116 : memref<1000000x128xf32, #tpu.memory_space<hbm>>) target(%dma_start3A_111 : memref<64x128xf32, #tpu.memory_space<vmem>>) offsets(%dma_start3A_113 : memref<64xi32, #tpu.memory_space<vmem>>) semaphore(%dma_start3A_118 : memref<!tpu.dma_semaphore, #tpu.memory_space<semaphore_mem>>)
    %dma_start3A_119 = arith.constant 9 : i32
    %dma_start3A_120 = arith.constant 9 : i32
    %dma_start3A_121 = arith.constant 0 : i32
    %dma_start3A_122 = arith.constant 0 : i32
    %dma_start3A_123 = tpu.memref_slice %arg6[%dma_start3A_119, %dma_start3A_121, %dma_start3A_122] : memref<10x64x128xf32, #tpu.memory_space<vmem>> -> memref<1x64x128xf32, #tpu.memory_space<vmem>>
    %dma_start3A_124 = tpu.memref_squeeze %dma_start3A_123 : memref<1x64x128xf32, #tpu.memory_space<vmem>> -> memref<64x128xf32, #tpu.memory_space<vmem>>
    %dma_start3A_125 = arith.constant 576 : i32
    %dma_start3A_126 = tpu.memref_slice %arg5[%dma_start3A_125] : memref<25600xi32, #tpu.memory_space<vmem>> -> memref<64xi32, #tpu.memory_space<vmem>>
    %dma_start3A_127 = arith.constant 0 : i32
    %dma_start3A_128 = arith.constant 0 : i32
    %dma_start3A_129 = tpu.memref_slice %arg2[%dma_start3A_127, %dma_start3A_128] : memref<1000000x128xf32, #tpu.memory_space<hbm>> -> memref<1000000x128xf32, #tpu.memory_space<hbm>>
    %dma_start3A_130 = tpu.memref_slice %arg7[%dma_start3A_120] : memref<10x!tpu.dma_semaphore, #tpu.memory_space<semaphore_mem>> -> memref<1x!tpu.dma_semaphore, #tpu.memory_space<semaphore_mem>>
    %dma_start3A_131 = tpu.memref_squeeze %dma_start3A_130 : memref<1x!tpu.dma_semaphore, #tpu.memory_space<semaphore_mem>> -> memref<!tpu.dma_semaphore, #tpu.memory_space<semaphore_mem>>
    tpu.enqueue_indirect_dma source(%dma_start3A_129 : memref<1000000x128xf32, #tpu.memory_space<hbm>>) target(%dma_start3A_124 : memref<64x128xf32, #tpu.memory_space<vmem>>) offsets(%dma_start3A_126 : memref<64xi32, #tpu.memory_space<vmem>>) semaphore(%dma_start3A_131 : memref<!tpu.dma_semaphore, #tpu.memory_space<semaphore_mem>>)
    %scan3A = arith.constant 0 : i32
    %scan3A_132 = arith.constant 0 : i32
    %scan3A_133 = arith.constant 39 : i32
    %scan3A_134 = arith.addi %scan3A_132, %scan3A_133 : i32
    %scan3A_135 = arith.constant 1 : i32
    scf.for %scan3A_606 = %scan3A_132 to %scan3A_134 step %scan3A_135  : i32 {
      %dma_wait3A_607 = arith.constant 0 : i32
      %dma_wait3A_608 = arith.constant 0 : i32
      %dma_wait3A_609 = arith.constant 0 : i32
      %dma_wait3A_610 = arith.constant 0 : i32
      %dma_wait3A_611 = tpu.memref_slice %arg6[%dma_wait3A_607, %dma_wait3A_609, %dma_wait3A_610] : memref<10x64x128xf32, #tpu.memory_space<vmem>> -> memref<1x64x128xf32, #tpu.memory_space<vmem>>
      %dma_wait3A_612 = tpu.memref_squeeze %dma_wait3A_611 : memref<1x64x128xf32, #tpu.memory_space<vmem>> -> memref<64x128xf32, #tpu.memory_space<vmem>>
      %dma_wait3A_613 = arith.constant 0 : i32
      %dma_wait3A_614 = tpu.memref_slice %arg5[%dma_wait3A_613] : memref<25600xi32, #tpu.memory_space<vmem>> -> memref<64xi32, #tpu.memory_space<vmem>>
      %dma_wait3A_615 = arith.constant 0 : i32
      %dma_wait3A_616 = arith.constant 0 : i32
      %dma_wait3A_617 = tpu.memref_slice %arg2[%dma_wait3A_615, %dma_wait3A_616] : memref<1000000x128xf32, #tpu.memory_space<hbm>> -> memref<1000000x128xf32, #tpu.memory_space<hbm>>
      %dma_wait3A_618 = tpu.memref_slice %arg7[%dma_wait3A_608] : memref<10x!tpu.dma_semaphore, #tpu.memory_space<semaphore_mem>> -> memref<1x!tpu.dma_semaphore, #tpu.memory_space<semaphore_mem>>
      %dma_wait3A_619 = tpu.memref_squeeze %dma_wait3A_618 : memref<1x!tpu.dma_semaphore, #tpu.memory_space<semaphore_mem>> -> memref<!tpu.dma_semaphore, #tpu.memory_space<semaphore_mem>>
      tpu.wait_indirect_dma semaphore(%dma_wait3A_619 : memref<!tpu.dma_semaphore, #tpu.memory_space<semaphore_mem>>) src(%dma_wait3A_617 : memref<1000000x128xf32, #tpu.memory_space<hbm>>) dst(%dma_wait3A_612 : memref<64x128xf32, #tpu.memory_space<vmem>>)
      %mul3A_620 = arith.constant 10 : i32
      %mul3A_621 = arith.muli %scan3A_606, %mul3A_620 : i32
      %add3A_622 = arith.constant 0 : i32
      %add3A_623 = arith.addi %mul3A_621, %add3A_622 : i32
      %mul3A_624 = arith.constant 64 : i32
      %mul3A_625 = arith.muli %add3A_623, %mul3A_624 : i32
      %add3A_626 = arith.addi %mul3A_2, %mul3A_625 : i32
      %dma_start3A_627 = arith.constant 0 : i32
      %dma_start3A_628 = arith.constant 0 : i32
      %dma_start3A_629 = arith.constant 0 : i32
      %dma_start3A_630 = arith.constant 0 : i32
      %dma_start3A_631 = tpu.memref_slice %arg6[%dma_start3A_627, %dma_start3A_629, %dma_start3A_630] : memref<10x64x128xf32, #tpu.memory_space<vmem>> -> memref<1x64x128xf32, #tpu.memory_space<vmem>>
      %dma_start3A_632 = tpu.memref_squeeze %dma_start3A_631 : memref<1x64x128xf32, #tpu.memory_space<vmem>> -> memref<64x128xf32, #tpu.memory_space<vmem>>
      %dma_start3A_633 = arith.constant 0 : i32
      %dma_start3A_634 = tpu.memref_slice %arg4[%add3A_626, %dma_start3A_633] : memref<819200x128xf32, #tpu.memory_space<hbm>> -> memref<64x128xf32, #tpu.memory_space<hbm>>
      %dma_start3A_635 = tpu.memref_slice %arg8[%dma_start3A_628] : memref<10x!tpu.dma_semaphore, #tpu.memory_space<semaphore_mem>> -> memref<1x!tpu.dma_semaphore, #tpu.memory_space<semaphore_mem>>
      %dma_start3A_636 = tpu.memref_squeeze %dma_start3A_635 : memref<1x!tpu.dma_semaphore, #tpu.memory_space<semaphore_mem>> -> memref<!tpu.dma_semaphore, #tpu.memory_space<semaphore_mem>>
      %dma_start3A_637 = arith.constant 0 : i32
      %dma_start3A_638 = tpu.memref_slice %arg4[%add3A_626, %dma_start3A_637] : memref<819200x128xf32, #tpu.memory_space<hbm>> -> memref<64x128xf32, #tpu.memory_space<hbm>>
      %dma_start3A_639 = arith.constant 0 : i32
      %dma_start3A_640 = arith.constant 0 : i32
      %dma_start3A_641 = tpu.memref_slice %arg6[%dma_start3A_627, %dma_start3A_639, %dma_start3A_640] : memref<10x64x128xf32, #tpu.memory_space<vmem>> -> memref<1x64x128xf32, #tpu.memory_space<vmem>>
      %dma_start3A_642 = tpu.memref_squeeze %dma_start3A_641 : memref<1x64x128xf32, #tpu.memory_space<vmem>> -> memref<64x128xf32, #tpu.memory_space<vmem>>
      tpu.enqueue_dma source(%dma_start3A_642 : memref<64x128xf32, #tpu.memory_space<vmem>>) target(%dma_start3A_638 : memref<64x128xf32, #tpu.memory_space<hbm>>) target_semaphore(%dma_start3A_636 : memref<!tpu.dma_semaphore, #tpu.memory_space<semaphore_mem>>)
      %dma_wait3A_643 = arith.constant 1 : i32
      %dma_wait3A_644 = arith.constant 1 : i32
      %dma_wait3A_645 = arith.constant 0 : i32
      %dma_wait3A_646 = arith.constant 0 : i32
      %dma_wait3A_647 = tpu.memref_slice %arg6[%dma_wait3A_643, %dma_wait3A_645, %dma_wait3A_646] : memref<10x64x128xf32, #tpu.memory_space<vmem>> -> memref<1x64x128xf32, #tpu.memory_space<vmem>>
      %dma_wait3A_648 = tpu.memref_squeeze %dma_wait3A_647 : memref<1x64x128xf32, #tpu.memory_space<vmem>> -> memref<64x128xf32, #tpu.memory_space<vmem>>
      %dma_wait3A_649 = arith.constant 0 : i32
      %dma_wait3A_650 = tpu.memref_slice %arg5[%dma_wait3A_649] : memref<25600xi32, #tpu.memory_space<vmem>> -> memref<64xi32, #tpu.memory_space<vmem>>
      %dma_wait3A_651 = arith.constant 0 : i32
      %dma_wait3A_652 = arith.constant 0 : i32
      %dma_wait3A_653 = tpu.memref_slice %arg2[%dma_wait3A_651, %dma_wait3A_652] : memref<1000000x128xf32, #tpu.memory_space<hbm>> -> memref<1000000x128xf32, #tpu.memory_space<hbm>>
      %dma_wait3A_654 = tpu.memref_slice %arg7[%dma_wait3A_644] : memref<10x!tpu.dma_semaphore, #tpu.memory_space<semaphore_mem>> -> memref<1x!tpu.dma_semaphore, #tpu.memory_space<semaphore_mem>>
      %dma_wait3A_655 = tpu.memref_squeeze %dma_wait3A_654 : memref<1x!tpu.dma_semaphore, #tpu.memory_space<semaphore_mem>> -> memref<!tpu.dma_semaphore, #tpu.memory_space<semaphore_mem>>
      tpu.wait_indirect_dma semaphore(%dma_wait3A_655 : memref<!tpu.dma_semaphore, #tpu.memory_space<semaphore_mem>>) src(%dma_wait3A_653 : memref<1000000x128xf32, #tpu.memory_space<hbm>>) dst(%dma_wait3A_648 : memref<64x128xf32, #tpu.memory_space<vmem>>)
      %mul3A_656 = arith.constant 10 : i32
      %mul3A_657 = arith.muli %scan3A_606, %mul3A_656 : i32
      %add3A_658 = arith.constant 1 : i32
      %add3A_659 = arith.addi %mul3A_657, %add3A_658 : i32
      %mul3A_660 = arith.constant 64 : i32
      %mul3A_661 = arith.muli %add3A_659, %mul3A_660 : i32
      %add3A_662 = arith.addi %mul3A_2, %mul3A_661 : i32
      %dma_start3A_663 = arith.constant 1 : i32
      %dma_start3A_664 = arith.constant 1 : i32
      %dma_start3A_665 = arith.constant 0 : i32
      %dma_start3A_666 = arith.constant 0 : i32
      %dma_start3A_667 = tpu.memref_slice %arg6[%dma_start3A_663, %dma_start3A_665, %dma_start3A_666] : memref<10x64x128xf32, #tpu.memory_space<vmem>> -> memref<1x64x128xf32, #tpu.memory_space<vmem>>
      %dma_start3A_668 = tpu.memref_squeeze %dma_start3A_667 : memref<1x64x128xf32, #tpu.memory_space<vmem>> -> memref<64x128xf32, #tpu.memory_space<vmem>>
      %dma_start3A_669 = arith.constant 0 : i32
      %dma_start3A_670 = tpu.memref_slice %arg4[%add3A_662, %dma_start3A_669] : memref<819200x128xf32, #tpu.memory_space<hbm>> -> memref<64x128xf32, #tpu.memory_space<hbm>>
      %dma_start3A_671 = tpu.memref_slice %arg8[%dma_start3A_664] : memref<10x!tpu.dma_semaphore, #tpu.memory_space<semaphore_mem>> -> memref<1x!tpu.dma_semaphore, #tpu.memory_space<semaphore_mem>>
      %dma_start3A_672 = tpu.memref_squeeze %dma_start3A_671 : memref<1x!tpu.dma_semaphore, #tpu.memory_space<semaphore_mem>> -> memref<!tpu.dma_semaphore, #tpu.memory_space<semaphore_mem>>
      %dma_start3A_673 = arith.constant 0 : i32
      %dma_start3A_674 = tpu.memref_slice %arg4[%add3A_662, %dma_start3A_673] : memref<819200x128xf32, #tpu.memory_space<hbm>> -> memref<64x128xf32, #tpu.memory_space<hbm>>
      %dma_start3A_675 = arith.constant 0 : i32
      %dma_start3A_676 = arith.constant 0 : i32
      %dma_start3A_677 = tpu.memref_slice %arg6[%dma_start3A_663, %dma_start3A_675, %dma_start3A_676] : memref<10x64x128xf32, #tpu.memory_space<vmem>> -> memref<1x64x128xf32, #tpu.memory_space<vmem>>
      %dma_start3A_678 = tpu.memref_squeeze %dma_start3A_677 : memref<1x64x128xf32, #tpu.memory_space<vmem>> -> memref<64x128xf32, #tpu.memory_space<vmem>>
      tpu.enqueue_dma source(%dma_start3A_678 : memref<64x128xf32, #tpu.memory_space<vmem>>) target(%dma_start3A_674 : memref<64x128xf32, #tpu.memory_space<hbm>>) target_semaphore(%dma_start3A_672 : memref<!tpu.dma_semaphore, #tpu.memory_space<semaphore_mem>>)
      %dma_wait3A_679 = arith.constant 2 : i32
      %dma_wait3A_680 = arith.constant 2 : i32
      %dma_wait3A_681 = arith.constant 0 : i32
      %dma_wait3A_682 = arith.constant 0 : i32
      %dma_wait3A_683 = tpu.memref_slice %arg6[%dma_wait3A_679, %dma_wait3A_681, %dma_wait3A_682] : memref<10x64x128xf32, #tpu.memory_space<vmem>> -> memref<1x64x128xf32, #tpu.memory_space<vmem>>
      %dma_wait3A_684 = tpu.memref_squeeze %dma_wait3A_683 : memref<1x64x128xf32, #tpu.memory_space<vmem>> -> memref<64x128xf32, #tpu.memory_space<vmem>>
      %dma_wait3A_685 = arith.constant 0 : i32
      %dma_wait3A_686 = tpu.memref_slice %arg5[%dma_wait3A_685] : memref<25600xi32, #tpu.memory_space<vmem>> -> memref<64xi32, #tpu.memory_space<vmem>>
      %dma_wait3A_687 = arith.constant 0 : i32
      %dma_wait3A_688 = arith.constant 0 : i32
      %dma_wait3A_689 = tpu.memref_slice %arg2[%dma_wait3A_687, %dma_wait3A_688] : memref<1000000x128xf32, #tpu.memory_space<hbm>> -> memref<1000000x128xf32, #tpu.memory_space<hbm>>
      %dma_wait3A_690 = tpu.memref_slice %arg7[%dma_wait3A_680] : memref<10x!tpu.dma_semaphore, #tpu.memory_space<semaphore_mem>> -> memref<1x!tpu.dma_semaphore, #tpu.memory_space<semaphore_mem>>
      %dma_wait3A_691 = tpu.memref_squeeze %dma_wait3A_690 : memref<1x!tpu.dma_semaphore, #tpu.memory_space<semaphore_mem>> -> memref<!tpu.dma_semaphore, #tpu.memory_space<semaphore_mem>>
      tpu.wait_indirect_dma semaphore(%dma_wait3A_691 : memref<!tpu.dma_semaphore, #tpu.memory_space<semaphore_mem>>) src(%dma_wait3A_689 : memref<1000000x128xf32, #tpu.memory_space<hbm>>) dst(%dma_wait3A_684 : memref<64x128xf32, #tpu.memory_space<vmem>>)
      %mul3A_692 = arith.constant 10 : i32
      %mul3A_693 = arith.muli %scan3A_606, %mul3A_692 : i32
      %add3A_694 = arith.constant 2 : i32
      %add3A_695 = arith.addi %mul3A_693, %add3A_694 : i32
      %mul3A_696 = arith.constant 64 : i32
      %mul3A_697 = arith.muli %add3A_695, %mul3A_696 : i32
      %add3A_698 = arith.addi %mul3A_2, %mul3A_697 : i32
      %dma_start3A_699 = arith.constant 2 : i32
      %dma_start3A_700 = arith.constant 2 : i32
      %dma_start3A_701 = arith.constant 0 : i32
      %dma_start3A_702 = arith.constant 0 : i32
      %dma_start3A_703 = tpu.memref_slice %arg6[%dma_start3A_699, %dma_start3A_701, %dma_start3A_702] : memref<10x64x128xf32, #tpu.memory_space<vmem>> -> memref<1x64x128xf32, #tpu.memory_space<vmem>>
      %dma_start3A_704 = tpu.memref_squeeze %dma_start3A_703 : memref<1x64x128xf32, #tpu.memory_space<vmem>> -> memref<64x128xf32, #tpu.memory_space<vmem>>
      %dma_start3A_705 = arith.constant 0 : i32
      %dma_start3A_706 = tpu.memref_slice %arg4[%add3A_698, %dma_start3A_705] : memref<819200x128xf32, #tpu.memory_space<hbm>> -> memref<64x128xf32, #tpu.memory_space<hbm>>
      %dma_start3A_707 = tpu.memref_slice %arg8[%dma_start3A_700] : memref<10x!tpu.dma_semaphore, #tpu.memory_space<semaphore_mem>> -> memref<1x!tpu.dma_semaphore, #tpu.memory_space<semaphore_mem>>
      %dma_start3A_708 = tpu.memref_squeeze %dma_start3A_707 : memref<1x!tpu.dma_semaphore, #tpu.memory_space<semaphore_mem>> -> memref<!tpu.dma_semaphore, #tpu.memory_space<semaphore_mem>>
      %dma_start3A_709 = arith.constant 0 : i32
      %dma_start3A_710 = tpu.memref_slice %arg4[%add3A_698, %dma_start3A_709] : memref<819200x128xf32, #tpu.memory_space<hbm>> -> memref<64x128xf32, #tpu.memory_space<hbm>>
      %dma_start3A_711 = arith.constant 0 : i32
      %dma_start3A_712 = arith.constant 0 : i32
      %dma_start3A_713 = tpu.memref_slice %arg6[%dma_start3A_699, %dma_start3A_711, %dma_start3A_712] : memref<10x64x128xf32, #tpu.memory_space<vmem>> -> memref<1x64x128xf32, #tpu.memory_space<vmem>>
      %dma_start3A_714 = tpu.memref_squeeze %dma_start3A_713 : memref<1x64x128xf32, #tpu.memory_space<vmem>> -> memref<64x128xf32, #tpu.memory_space<vmem>>
      tpu.enqueue_dma source(%dma_start3A_714 : memref<64x128xf32, #tpu.memory_space<vmem>>) target(%dma_start3A_710 : memref<64x128xf32, #tpu.memory_space<hbm>>) target_semaphore(%dma_start3A_708 : memref<!tpu.dma_semaphore, #tpu.memory_space<semaphore_mem>>)
      %dma_wait3A_715 = arith.constant 3 : i32
      %dma_wait3A_716 = arith.constant 3 : i32
      %dma_wait3A_717 = arith.constant 0 : i32
      %dma_wait3A_718 = arith.constant 0 : i32
      %dma_wait3A_719 = tpu.memref_slice %arg6[%dma_wait3A_715, %dma_wait3A_717, %dma_wait3A_718] : memref<10x64x128xf32, #tpu.memory_space<vmem>> -> memref<1x64x128xf32, #tpu.memory_space<vmem>>
      %dma_wait3A_720 = tpu.memref_squeeze %dma_wait3A_719 : memref<1x64x128xf32, #tpu.memory_space<vmem>> -> memref<64x128xf32, #tpu.memory_space<vmem>>
      %dma_wait3A_721 = arith.constant 0 : i32
      %dma_wait3A_722 = tpu.memref_slice %arg5[%dma_wait3A_721] : memref<25600xi32, #tpu.memory_space<vmem>> -> memref<64xi32, #tpu.memory_space<vmem>>
      %dma_wait3A_723 = arith.constant 0 : i32
      %dma_wait3A_724 = arith.constant 0 : i32
      %dma_wait3A_725 = tpu.memref_slice %arg2[%dma_wait3A_723, %dma_wait3A_724] : memref<1000000x128xf32, #tpu.memory_space<hbm>> -> memref<1000000x128xf32, #tpu.memory_space<hbm>>
      %dma_wait3A_726 = tpu.memref_slice %arg7[%dma_wait3A_716] : memref<10x!tpu.dma_semaphore, #tpu.memory_space<semaphore_mem>> -> memref<1x!tpu.dma_semaphore, #tpu.memory_space<semaphore_mem>>
      %dma_wait3A_727 = tpu.memref_squeeze %dma_wait3A_726 : memref<1x!tpu.dma_semaphore, #tpu.memory_space<semaphore_mem>> -> memref<!tpu.dma_semaphore, #tpu.memory_space<semaphore_mem>>
      tpu.wait_indirect_dma semaphore(%dma_wait3A_727 : memref<!tpu.dma_semaphore, #tpu.memory_space<semaphore_mem>>) src(%dma_wait3A_725 : memref<1000000x128xf32, #tpu.memory_space<hbm>>) dst(%dma_wait3A_720 : memref<64x128xf32, #tpu.memory_space<vmem>>)
      %mul3A_728 = arith.constant 10 : i32
      %mul3A_729 = arith.muli %scan3A_606, %mul3A_728 : i32
      %add3A_730 = arith.constant 3 : i32
      %add3A_731 = arith.addi %mul3A_729, %add3A_730 : i32
      %mul3A_732 = arith.constant 64 : i32
      %mul3A_733 = arith.muli %add3A_731, %mul3A_732 : i32
      %add3A_734 = arith.addi %mul3A_2, %mul3A_733 : i32
      %dma_start3A_735 = arith.constant 3 : i32
      %dma_start3A_736 = arith.constant 3 : i32
      %dma_start3A_737 = arith.constant 0 : i32
      %dma_start3A_738 = arith.constant 0 : i32
      %dma_start3A_739 = tpu.memref_slice %arg6[%dma_start3A_735, %dma_start3A_737, %dma_start3A_738] : memref<10x64x128xf32, #tpu.memory_space<vmem>> -> memref<1x64x128xf32, #tpu.memory_space<vmem>>
      %dma_start3A_740 = tpu.memref_squeeze %dma_start3A_739 : memref<1x64x128xf32, #tpu.memory_space<vmem>> -> memref<64x128xf32, #tpu.memory_space<vmem>>
      %dma_start3A_741 = arith.constant 0 : i32
      %dma_start3A_742 = tpu.memref_slice %arg4[%add3A_734, %dma_start3A_741] : memref<819200x128xf32, #tpu.memory_space<hbm>> -> memref<64x128xf32, #tpu.memory_space<hbm>>
      %dma_start3A_743 = tpu.memref_slice %arg8[%dma_start3A_736] : memref<10x!tpu.dma_semaphore, #tpu.memory_space<semaphore_mem>> -> memref<1x!tpu.dma_semaphore, #tpu.memory_space<semaphore_mem>>
      %dma_start3A_744 = tpu.memref_squeeze %dma_start3A_743 : memref<1x!tpu.dma_semaphore, #tpu.memory_space<semaphore_mem>> -> memref<!tpu.dma_semaphore, #tpu.memory_space<semaphore_mem>>
      %dma_start3A_745 = arith.constant 0 : i32
      %dma_start3A_746 = tpu.memref_slice %arg4[%add3A_734, %dma_start3A_745] : memref<819200x128xf32, #tpu.memory_space<hbm>> -> memref<64x128xf32, #tpu.memory_space<hbm>>
      %dma_start3A_747 = arith.constant 0 : i32
      %dma_start3A_748 = arith.constant 0 : i32
      %dma_start3A_749 = tpu.memref_slice %arg6[%dma_start3A_735, %dma_start3A_747, %dma_start3A_748] : memref<10x64x128xf32, #tpu.memory_space<vmem>> -> memref<1x64x128xf32, #tpu.memory_space<vmem>>
      %dma_start3A_750 = tpu.memref_squeeze %dma_start3A_749 : memref<1x64x128xf32, #tpu.memory_space<vmem>> -> memref<64x128xf32, #tpu.memory_space<vmem>>
      tpu.enqueue_dma source(%dma_start3A_750 : memref<64x128xf32, #tpu.memory_space<vmem>>) target(%dma_start3A_746 : memref<64x128xf32, #tpu.memory_space<hbm>>) target_semaphore(%dma_start3A_744 : memref<!tpu.dma_semaphore, #tpu.memory_space<semaphore_mem>>)
      %dma_wait3A_751 = arith.constant 4 : i32
      %dma_wait3A_752 = arith.constant 4 : i32
      %dma_wait3A_753 = arith.constant 0 : i32
      %dma_wait3A_754 = arith.constant 0 : i32
      %dma_wait3A_755 = tpu.memref_slice %arg6[%dma_wait3A_751, %dma_wait3A_753, %dma_wait3A_754] : memref<10x64x128xf32, #tpu.memory_space<vmem>> -> memref<1x64x128xf32, #tpu.memory_space<vmem>>
      %dma_wait3A_756 = tpu.memref_squeeze %dma_wait3A_755 : memref<1x64x128xf32, #tpu.memory_space<vmem>> -> memref<64x128xf32, #tpu.memory_space<vmem>>
      %dma_wait3A_757 = arith.constant 0 : i32
      %dma_wait3A_758 = tpu.memref_slice %arg5[%dma_wait3A_757] : memref<25600xi32, #tpu.memory_space<vmem>> -> memref<64xi32, #tpu.memory_space<vmem>>
      %dma_wait3A_759 = arith.constant 0 : i32
      %dma_wait3A_760 = arith.constant 0 : i32
      %dma_wait3A_761 = tpu.memref_slice %arg2[%dma_wait3A_759, %dma_wait3A_760] : memref<1000000x128xf32, #tpu.memory_space<hbm>> -> memref<1000000x128xf32, #tpu.memory_space<hbm>>
      %dma_wait3A_762 = tpu.memref_slice %arg7[%dma_wait3A_752] : memref<10x!tpu.dma_semaphore, #tpu.memory_space<semaphore_mem>> -> memref<1x!tpu.dma_semaphore, #tpu.memory_space<semaphore_mem>>
      %dma_wait3A_763 = tpu.memref_squeeze %dma_wait3A_762 : memref<1x!tpu.dma_semaphore, #tpu.memory_space<semaphore_mem>> -> memref<!tpu.dma_semaphore, #tpu.memory_space<semaphore_mem>>
      tpu.wait_indirect_dma semaphore(%dma_wait3A_763 : memref<!tpu.dma_semaphore, #tpu.memory_space<semaphore_mem>>) src(%dma_wait3A_761 : memref<1000000x128xf32, #tpu.memory_space<hbm>>) dst(%dma_wait3A_756 : memref<64x128xf32, #tpu.memory_space<vmem>>)
      %mul3A_764 = arith.constant 10 : i32
      %mul3A_765 = arith.muli %scan3A_606, %mul3A_764 : i32
      %add3A_766 = arith.constant 4 : i32
      %add3A_767 = arith.addi %mul3A_765, %add3A_766 : i32
      %mul3A_768 = arith.constant 64 : i32
      %mul3A_769 = arith.muli %add3A_767, %mul3A_768 : i32
      %add3A_770 = arith.addi %mul3A_2, %mul3A_769 : i32
      %dma_start3A_771 = arith.constant 4 : i32
      %dma_start3A_772 = arith.constant 4 : i32
      %dma_start3A_773 = arith.constant 0 : i32
      %dma_start3A_774 = arith.constant 0 : i32
      %dma_start3A_775 = tpu.memref_slice %arg6[%dma_start3A_771, %dma_start3A_773, %dma_start3A_774] : memref<10x64x128xf32, #tpu.memory_space<vmem>> -> memref<1x64x128xf32, #tpu.memory_space<vmem>>
      %dma_start3A_776 = tpu.memref_squeeze %dma_start3A_775 : memref<1x64x128xf32, #tpu.memory_space<vmem>> -> memref<64x128xf32, #tpu.memory_space<vmem>>
      %dma_start3A_777 = arith.constant 0 : i32
      %dma_start3A_778 = tpu.memref_slice %arg4[%add3A_770, %dma_start3A_777] : memref<819200x128xf32, #tpu.memory_space<hbm>> -> memref<64x128xf32, #tpu.memory_space<hbm>>
      %dma_start3A_779 = tpu.memref_slice %arg8[%dma_start3A_772] : memref<10x!tpu.dma_semaphore, #tpu.memory_space<semaphore_mem>> -> memref<1x!tpu.dma_semaphore, #tpu.memory_space<semaphore_mem>>
      %dma_start3A_780 = tpu.memref_squeeze %dma_start3A_779 : memref<1x!tpu.dma_semaphore, #tpu.memory_space<semaphore_mem>> -> memref<!tpu.dma_semaphore, #tpu.memory_space<semaphore_mem>>
      %dma_start3A_781 = arith.constant 0 : i32
      %dma_start3A_782 = tpu.memref_slice %arg4[%add3A_770, %dma_start3A_781] : memref<819200x128xf32, #tpu.memory_space<hbm>> -> memref<64x128xf32, #tpu.memory_space<hbm>>
      %dma_start3A_783 = arith.constant 0 : i32
      %dma_start3A_784 = arith.constant 0 : i32
      %dma_start3A_785 = tpu.memref_slice %arg6[%dma_start3A_771, %dma_start3A_783, %dma_start3A_784] : memref<10x64x128xf32, #tpu.memory_space<vmem>> -> memref<1x64x128xf32, #tpu.memory_space<vmem>>
      %dma_start3A_786 = tpu.memref_squeeze %dma_start3A_785 : memref<1x64x128xf32, #tpu.memory_space<vmem>> -> memref<64x128xf32, #tpu.memory_space<vmem>>
      tpu.enqueue_dma source(%dma_start3A_786 : memref<64x128xf32, #tpu.memory_space<vmem>>) target(%dma_start3A_782 : memref<64x128xf32, #tpu.memory_space<hbm>>) target_semaphore(%dma_start3A_780 : memref<!tpu.dma_semaphore, #tpu.memory_space<semaphore_mem>>)
      %dma_wait3A_787 = arith.constant 5 : i32
      %dma_wait3A_788 = arith.constant 5 : i32
      %dma_wait3A_789 = arith.constant 0 : i32
      %dma_wait3A_790 = arith.constant 0 : i32
      %dma_wait3A_791 = tpu.memref_slice %arg6[%dma_wait3A_787, %dma_wait3A_789, %dma_wait3A_790] : memref<10x64x128xf32, #tpu.memory_space<vmem>> -> memref<1x64x128xf32, #tpu.memory_space<vmem>>
      %dma_wait3A_792 = tpu.memref_squeeze %dma_wait3A_791 : memref<1x64x128xf32, #tpu.memory_space<vmem>> -> memref<64x128xf32, #tpu.memory_space<vmem>>
      %dma_wait3A_793 = arith.constant 0 : i32
      %dma_wait3A_794 = tpu.memref_slice %arg5[%dma_wait3A_793] : memref<25600xi32, #tpu.memory_space<vmem>> -> memref<64xi32, #tpu.memory_space<vmem>>
      %dma_wait3A_795 = arith.constant 0 : i32
      %dma_wait3A_796 = arith.constant 0 : i32
      %dma_wait3A_797 = tpu.memref_slice %arg2[%dma_wait3A_795, %dma_wait3A_796] : memref<1000000x128xf32, #tpu.memory_space<hbm>> -> memref<1000000x128xf32, #tpu.memory_space<hbm>>
      %dma_wait3A_798 = tpu.memref_slice %arg7[%dma_wait3A_788] : memref<10x!tpu.dma_semaphore, #tpu.memory_space<semaphore_mem>> -> memref<1x!tpu.dma_semaphore, #tpu.memory_space<semaphore_mem>>
      %dma_wait3A_799 = tpu.memref_squeeze %dma_wait3A_798 : memref<1x!tpu.dma_semaphore, #tpu.memory_space<semaphore_mem>> -> memref<!tpu.dma_semaphore, #tpu.memory_space<semaphore_mem>>
      tpu.wait_indirect_dma semaphore(%dma_wait3A_799 : memref<!tpu.dma_semaphore, #tpu.memory_space<semaphore_mem>>) src(%dma_wait3A_797 : memref<1000000x128xf32, #tpu.memory_space<hbm>>) dst(%dma_wait3A_792 : memref<64x128xf32, #tpu.memory_space<vmem>>)
      %mul3A_800 = arith.constant 10 : i32
      %mul3A_801 = arith.muli %scan3A_606, %mul3A_800 : i32
      %add3A_802 = arith.constant 5 : i32
      %add3A_803 = arith.addi %mul3A_801, %add3A_802 : i32
      %mul3A_804 = arith.constant 64 : i32
      %mul3A_805 = arith.muli %add3A_803, %mul3A_804 : i32
      %add3A_806 = arith.addi %mul3A_2, %mul3A_805 : i32
      %dma_start3A_807 = arith.constant 5 : i32
      %dma_start3A_808 = arith.constant 5 : i32
      %dma_start3A_809 = arith.constant 0 : i32
      %dma_start3A_810 = arith.constant 0 : i32
      %dma_start3A_811 = tpu.memref_slice %arg6[%dma_start3A_807, %dma_start3A_809, %dma_start3A_810] : memref<10x64x128xf32, #tpu.memory_space<vmem>> -> memref<1x64x128xf32, #tpu.memory_space<vmem>>
      %dma_start3A_812 = tpu.memref_squeeze %dma_start3A_811 : memref<1x64x128xf32, #tpu.memory_space<vmem>> -> memref<64x128xf32, #tpu.memory_space<vmem>>
      %dma_start3A_813 = arith.constant 0 : i32
      %dma_start3A_814 = tpu.memref_slice %arg4[%add3A_806, %dma_start3A_813] : memref<819200x128xf32, #tpu.memory_space<hbm>> -> memref<64x128xf32, #tpu.memory_space<hbm>>
      %dma_start3A_815 = tpu.memref_slice %arg8[%dma_start3A_808] : memref<10x!tpu.dma_semaphore, #tpu.memory_space<semaphore_mem>> -> memref<1x!tpu.dma_semaphore, #tpu.memory_space<semaphore_mem>>
      %dma_start3A_816 = tpu.memref_squeeze %dma_start3A_815 : memref<1x!tpu.dma_semaphore, #tpu.memory_space<semaphore_mem>> -> memref<!tpu.dma_semaphore, #tpu.memory_space<semaphore_mem>>
      %dma_start3A_817 = arith.constant 0 : i32
      %dma_start3A_818 = tpu.memref_slice %arg4[%add3A_806, %dma_start3A_817] : memref<819200x128xf32, #tpu.memory_space<hbm>> -> memref<64x128xf32, #tpu.memory_space<hbm>>
      %dma_start3A_819 = arith.constant 0 : i32
      %dma_start3A_820 = arith.constant 0 : i32
      %dma_start3A_821 = tpu.memref_slice %arg6[%dma_start3A_807, %dma_start3A_819, %dma_start3A_820] : memref<10x64x128xf32, #tpu.memory_space<vmem>> -> memref<1x64x128xf32, #tpu.memory_space<vmem>>
      %dma_start3A_822 = tpu.memref_squeeze %dma_start3A_821 : memref<1x64x128xf32, #tpu.memory_space<vmem>> -> memref<64x128xf32, #tpu.memory_space<vmem>>
      tpu.enqueue_dma source(%dma_start3A_822 : memref<64x128xf32, #tpu.memory_space<vmem>>) target(%dma_start3A_818 : memref<64x128xf32, #tpu.memory_space<hbm>>) target_semaphore(%dma_start3A_816 : memref<!tpu.dma_semaphore, #tpu.memory_space<semaphore_mem>>)
      %dma_wait3A_823 = arith.constant 6 : i32
      %dma_wait3A_824 = arith.constant 6 : i32
      %dma_wait3A_825 = arith.constant 0 : i32
      %dma_wait3A_826 = arith.constant 0 : i32
      %dma_wait3A_827 = tpu.memref_slice %arg6[%dma_wait3A_823, %dma_wait3A_825, %dma_wait3A_826] : memref<10x64x128xf32, #tpu.memory_space<vmem>> -> memref<1x64x128xf32, #tpu.memory_space<vmem>>
      %dma_wait3A_828 = tpu.memref_squeeze %dma_wait3A_827 : memref<1x64x128xf32, #tpu.memory_space<vmem>> -> memref<64x128xf32, #tpu.memory_space<vmem>>
      %dma_wait3A_829 = arith.constant 0 : i32
      %dma_wait3A_830 = tpu.memref_slice %arg5[%dma_wait3A_829] : memref<25600xi32, #tpu.memory_space<vmem>> -> memref<64xi32, #tpu.memory_space<vmem>>
      %dma_wait3A_831 = arith.constant 0 : i32
      %dma_wait3A_832 = arith.constant 0 : i32
      %dma_wait3A_833 = tpu.memref_slice %arg2[%dma_wait3A_831, %dma_wait3A_832] : memref<1000000x128xf32, #tpu.memory_space<hbm>> -> memref<1000000x128xf32, #tpu.memory_space<hbm>>
      %dma_wait3A_834 = tpu.memref_slice %arg7[%dma_wait3A_824] : memref<10x!tpu.dma_semaphore, #tpu.memory_space<semaphore_mem>> -> memref<1x!tpu.dma_semaphore, #tpu.memory_space<semaphore_mem>>
      %dma_wait3A_835 = tpu.memref_squeeze %dma_wait3A_834 : memref<1x!tpu.dma_semaphore, #tpu.memory_space<semaphore_mem>> -> memref<!tpu.dma_semaphore, #tpu.memory_space<semaphore_mem>>
      tpu.wait_indirect_dma semaphore(%dma_wait3A_835 : memref<!tpu.dma_semaphore, #tpu.memory_space<semaphore_mem>>) src(%dma_wait3A_833 : memref<1000000x128xf32, #tpu.memory_space<hbm>>) dst(%dma_wait3A_828 : memref<64x128xf32, #tpu.memory_space<vmem>>)
      %mul3A_836 = arith.constant 10 : i32
      %mul3A_837 = arith.muli %scan3A_606, %mul3A_836 : i32
      %add3A_838 = arith.constant 6 : i32
      %add3A_839 = arith.addi %mul3A_837, %add3A_838 : i32
      %mul3A_840 = arith.constant 64 : i32
      %mul3A_841 = arith.muli %add3A_839, %mul3A_840 : i32
      %add3A_842 = arith.addi %mul3A_2, %mul3A_841 : i32
      %dma_start3A_843 = arith.constant 6 : i32
      %dma_start3A_844 = arith.constant 6 : i32
      %dma_start3A_845 = arith.constant 0 : i32
      %dma_start3A_846 = arith.constant 0 : i32
      %dma_start3A_847 = tpu.memref_slice %arg6[%dma_start3A_843, %dma_start3A_845, %dma_start3A_846] : memref<10x64x128xf32, #tpu.memory_space<vmem>> -> memref<1x64x128xf32, #tpu.memory_space<vmem>>
      %dma_start3A_848 = tpu.memref_squeeze %dma_start3A_847 : memref<1x64x128xf32, #tpu.memory_space<vmem>> -> memref<64x128xf32, #tpu.memory_space<vmem>>
      %dma_start3A_849 = arith.constant 0 : i32
      %dma_start3A_850 = tpu.memref_slice %arg4[%add3A_842, %dma_start3A_849] : memref<819200x128xf32, #tpu.memory_space<hbm>> -> memref<64x128xf32, #tpu.memory_space<hbm>>
      %dma_start3A_851 = tpu.memref_slice %arg8[%dma_start3A_844] : memref<10x!tpu.dma_semaphore, #tpu.memory_space<semaphore_mem>> -> memref<1x!tpu.dma_semaphore, #tpu.memory_space<semaphore_mem>>
      %dma_start3A_852 = tpu.memref_squeeze %dma_start3A_851 : memref<1x!tpu.dma_semaphore, #tpu.memory_space<semaphore_mem>> -> memref<!tpu.dma_semaphore, #tpu.memory_space<semaphore_mem>>
      %dma_start3A_853 = arith.constant 0 : i32
      %dma_start3A_854 = tpu.memref_slice %arg4[%add3A_842, %dma_start3A_853] : memref<819200x128xf32, #tpu.memory_space<hbm>> -> memref<64x128xf32, #tpu.memory_space<hbm>>
      %dma_start3A_855 = arith.constant 0 : i32
      %dma_start3A_856 = arith.constant 0 : i32
      %dma_start3A_857 = tpu.memref_slice %arg6[%dma_start3A_843, %dma_start3A_855, %dma_start3A_856] : memref<10x64x128xf32, #tpu.memory_space<vmem>> -> memref<1x64x128xf32, #tpu.memory_space<vmem>>
      %dma_start3A_858 = tpu.memref_squeeze %dma_start3A_857 : memref<1x64x128xf32, #tpu.memory_space<vmem>> -> memref<64x128xf32, #tpu.memory_space<vmem>>
      tpu.enqueue_dma source(%dma_start3A_858 : memref<64x128xf32, #tpu.memory_space<vmem>>) target(%dma_start3A_854 : memref<64x128xf32, #tpu.memory_space<hbm>>) target_semaphore(%dma_start3A_852 : memref<!tpu.dma_semaphore, #tpu.memory_space<semaphore_mem>>)
      %dma_wait3A_859 = arith.constant 7 : i32
      %dma_wait3A_860 = arith.constant 7 : i32
      %dma_wait3A_861 = arith.constant 0 : i32
      %dma_wait3A_862 = arith.constant 0 : i32
      %dma_wait3A_863 = tpu.memref_slice %arg6[%dma_wait3A_859, %dma_wait3A_861, %dma_wait3A_862] : memref<10x64x128xf32, #tpu.memory_space<vmem>> -> memref<1x64x128xf32, #tpu.memory_space<vmem>>
      %dma_wait3A_864 = tpu.memref_squeeze %dma_wait3A_863 : memref<1x64x128xf32, #tpu.memory_space<vmem>> -> memref<64x128xf32, #tpu.memory_space<vmem>>
      %dma_wait3A_865 = arith.constant 0 : i32
      %dma_wait3A_866 = tpu.memref_slice %arg5[%dma_wait3A_865] : memref<25600xi32, #tpu.memory_space<vmem>> -> memref<64xi32, #tpu.memory_space<vmem>>
      %dma_wait3A_867 = arith.constant 0 : i32
      %dma_wait3A_868 = arith.constant 0 : i32
      %dma_wait3A_869 = tpu.memref_slice %arg2[%dma_wait3A_867, %dma_wait3A_868] : memref<1000000x128xf32, #tpu.memory_space<hbm>> -> memref<1000000x128xf32, #tpu.memory_space<hbm>>
      %dma_wait3A_870 = tpu.memref_slice %arg7[%dma_wait3A_860] : memref<10x!tpu.dma_semaphore, #tpu.memory_space<semaphore_mem>> -> memref<1x!tpu.dma_semaphore, #tpu.memory_space<semaphore_mem>>
      %dma_wait3A_871 = tpu.memref_squeeze %dma_wait3A_870 : memref<1x!tpu.dma_semaphore, #tpu.memory_space<semaphore_mem>> -> memref<!tpu.dma_semaphore, #tpu.memory_space<semaphore_mem>>
      tpu.wait_indirect_dma semaphore(%dma_wait3A_871 : memref<!tpu.dma_semaphore, #tpu.memory_space<semaphore_mem>>) src(%dma_wait3A_869 : memref<1000000x128xf32, #tpu.memory_space<hbm>>) dst(%dma_wait3A_864 : memref<64x128xf32, #tpu.memory_space<vmem>>)
      %mul3A_872 = arith.constant 10 : i32
      %mul3A_873 = arith.muli %scan3A_606, %mul3A_872 : i32
      %add3A_874 = arith.constant 7 : i32
      %add3A_875 = arith.addi %mul3A_873, %add3A_874 : i32
      %mul3A_876 = arith.constant 64 : i32
      %mul3A_877 = arith.muli %add3A_875, %mul3A_876 : i32
      %add3A_878 = arith.addi %mul3A_2, %mul3A_877 : i32
      %dma_start3A_879 = arith.constant 7 : i32
      %dma_start3A_880 = arith.constant 7 : i32
      %dma_start3A_881 = arith.constant 0 : i32
      %dma_start3A_882 = arith.constant 0 : i32
      %dma_start3A_883 = tpu.memref_slice %arg6[%dma_start3A_879, %dma_start3A_881, %dma_start3A_882] : memref<10x64x128xf32, #tpu.memory_space<vmem>> -> memref<1x64x128xf32, #tpu.memory_space<vmem>>
      %dma_start3A_884 = tpu.memref_squeeze %dma_start3A_883 : memref<1x64x128xf32, #tpu.memory_space<vmem>> -> memref<64x128xf32, #tpu.memory_space<vmem>>
      %dma_start3A_885 = arith.constant 0 : i32
      %dma_start3A_886 = tpu.memref_slice %arg4[%add3A_878, %dma_start3A_885] : memref<819200x128xf32, #tpu.memory_space<hbm>> -> memref<64x128xf32, #tpu.memory_space<hbm>>
      %dma_start3A_887 = tpu.memref_slice %arg8[%dma_start3A_880] : memref<10x!tpu.dma_semaphore, #tpu.memory_space<semaphore_mem>> -> memref<1x!tpu.dma_semaphore, #tpu.memory_space<semaphore_mem>>
      %dma_start3A_888 = tpu.memref_squeeze %dma_start3A_887 : memref<1x!tpu.dma_semaphore, #tpu.memory_space<semaphore_mem>> -> memref<!tpu.dma_semaphore, #tpu.memory_space<semaphore_mem>>
      %dma_start3A_889 = arith.constant 0 : i32
      %dma_start3A_890 = tpu.memref_slice %arg4[%add3A_878, %dma_start3A_889] : memref<819200x128xf32, #tpu.memory_space<hbm>> -> memref<64x128xf32, #tpu.memory_space<hbm>>
      %dma_start3A_891 = arith.constant 0 : i32
      %dma_start3A_892 = arith.constant 0 : i32
      %dma_start3A_893 = tpu.memref_slice %arg6[%dma_start3A_879, %dma_start3A_891, %dma_start3A_892] : memref<10x64x128xf32, #tpu.memory_space<vmem>> -> memref<1x64x128xf32, #tpu.memory_space<vmem>>
      %dma_start3A_894 = tpu.memref_squeeze %dma_start3A_893 : memref<1x64x128xf32, #tpu.memory_space<vmem>> -> memref<64x128xf32, #tpu.memory_space<vmem>>
      tpu.enqueue_dma source(%dma_start3A_894 : memref<64x128xf32, #tpu.memory_space<vmem>>) target(%dma_start3A_890 : memref<64x128xf32, #tpu.memory_space<hbm>>) target_semaphore(%dma_start3A_888 : memref<!tpu.dma_semaphore, #tpu.memory_space<semaphore_mem>>)
      %dma_wait3A_895 = arith.constant 8 : i32
      %dma_wait3A_896 = arith.constant 8 : i32
      %dma_wait3A_897 = arith.constant 0 : i32
      %dma_wait3A_898 = arith.constant 0 : i32
      %dma_wait3A_899 = tpu.memref_slice %arg6[%dma_wait3A_895, %dma_wait3A_897, %dma_wait3A_898] : memref<10x64x128xf32, #tpu.memory_space<vmem>> -> memref<1x64x128xf32, #tpu.memory_space<vmem>>
      %dma_wait3A_900 = tpu.memref_squeeze %dma_wait3A_899 : memref<1x64x128xf32, #tpu.memory_space<vmem>> -> memref<64x128xf32, #tpu.memory_space<vmem>>
      %dma_wait3A_901 = arith.constant 0 : i32
      %dma_wait3A_902 = tpu.memref_slice %arg5[%dma_wait3A_901] : memref<25600xi32, #tpu.memory_space<vmem>> -> memref<64xi32, #tpu.memory_space<vmem>>
      %dma_wait3A_903 = arith.constant 0 : i32
      %dma_wait3A_904 = arith.constant 0 : i32
      %dma_wait3A_905 = tpu.memref_slice %arg2[%dma_wait3A_903, %dma_wait3A_904] : memref<1000000x128xf32, #tpu.memory_space<hbm>> -> memref<1000000x128xf32, #tpu.memory_space<hbm>>
      %dma_wait3A_906 = tpu.memref_slice %arg7[%dma_wait3A_896] : memref<10x!tpu.dma_semaphore, #tpu.memory_space<semaphore_mem>> -> memref<1x!tpu.dma_semaphore, #tpu.memory_space<semaphore_mem>>
      %dma_wait3A_907 = tpu.memref_squeeze %dma_wait3A_906 : memref<1x!tpu.dma_semaphore, #tpu.memory_space<semaphore_mem>> -> memref<!tpu.dma_semaphore, #tpu.memory_space<semaphore_mem>>
      tpu.wait_indirect_dma semaphore(%dma_wait3A_907 : memref<!tpu.dma_semaphore, #tpu.memory_space<semaphore_mem>>) src(%dma_wait3A_905 : memref<1000000x128xf32, #tpu.memory_space<hbm>>) dst(%dma_wait3A_900 : memref<64x128xf32, #tpu.memory_space<vmem>>)
      %mul3A_908 = arith.constant 10 : i32
      %mul3A_909 = arith.muli %scan3A_606, %mul3A_908 : i32
      %add3A_910 = arith.constant 8 : i32
      %add3A_911 = arith.addi %mul3A_909, %add3A_910 : i32
      %mul3A_912 = arith.constant 64 : i32
      %mul3A_913 = arith.muli %add3A_911, %mul3A_912 : i32
      %add3A_914 = arith.addi %mul3A_2, %mul3A_913 : i32
      %dma_start3A_915 = arith.constant 8 : i32
      %dma_start3A_916 = arith.constant 8 : i32
      %dma_start3A_917 = arith.constant 0 : i32
      %dma_start3A_918 = arith.constant 0 : i32
      %dma_start3A_919 = tpu.memref_slice %arg6[%dma_start3A_915, %dma_start3A_917, %dma_start3A_918] : memref<10x64x128xf32, #tpu.memory_space<vmem>> -> memref<1x64x128xf32, #tpu.memory_space<vmem>>
      %dma_start3A_920 = tpu.memref_squeeze %dma_start3A_919 : memref<1x64x128xf32, #tpu.memory_space<vmem>> -> memref<64x128xf32, #tpu.memory_space<vmem>>
      %dma_start3A_921 = arith.constant 0 : i32
      %dma_start3A_922 = tpu.memref_slice %arg4[%add3A_914, %dma_start3A_921] : memref<819200x128xf32, #tpu.memory_space<hbm>> -> memref<64x128xf32, #tpu.memory_space<hbm>>
      %dma_start3A_923 = tpu.memref_slice %arg8[%dma_start3A_916] : memref<10x!tpu.dma_semaphore, #tpu.memory_space<semaphore_mem>> -> memref<1x!tpu.dma_semaphore, #tpu.memory_space<semaphore_mem>>
      %dma_start3A_924 = tpu.memref_squeeze %dma_start3A_923 : memref<1x!tpu.dma_semaphore, #tpu.memory_space<semaphore_mem>> -> memref<!tpu.dma_semaphore, #tpu.memory_space<semaphore_mem>>
      %dma_start3A_925 = arith.constant 0 : i32
      %dma_start3A_926 = tpu.memref_slice %arg4[%add3A_914, %dma_start3A_925] : memref<819200x128xf32, #tpu.memory_space<hbm>> -> memref<64x128xf32, #tpu.memory_space<hbm>>
      %dma_start3A_927 = arith.constant 0 : i32
      %dma_start3A_928 = arith.constant 0 : i32
      %dma_start3A_929 = tpu.memref_slice %arg6[%dma_start3A_915, %dma_start3A_927, %dma_start3A_928] : memref<10x64x128xf32, #tpu.memory_space<vmem>> -> memref<1x64x128xf32, #tpu.memory_space<vmem>>
      %dma_start3A_930 = tpu.memref_squeeze %dma_start3A_929 : memref<1x64x128xf32, #tpu.memory_space<vmem>> -> memref<64x128xf32, #tpu.memory_space<vmem>>
      tpu.enqueue_dma source(%dma_start3A_930 : memref<64x128xf32, #tpu.memory_space<vmem>>) target(%dma_start3A_926 : memref<64x128xf32, #tpu.memory_space<hbm>>) target_semaphore(%dma_start3A_924 : memref<!tpu.dma_semaphore, #tpu.memory_space<semaphore_mem>>)
      %dma_wait3A_931 = arith.constant 9 : i32
      %dma_wait3A_932 = arith.constant 9 : i32
      %dma_wait3A_933 = arith.constant 0 : i32
      %dma_wait3A_934 = arith.constant 0 : i32
      %dma_wait3A_935 = tpu.memref_slice %arg6[%dma_wait3A_931, %dma_wait3A_933, %dma_wait3A_934] : memref<10x64x128xf32, #tpu.memory_space<vmem>> -> memref<1x64x128xf32, #tpu.memory_space<vmem>>
      %dma_wait3A_936 = tpu.memref_squeeze %dma_wait3A_935 : memref<1x64x128xf32, #tpu.memory_space<vmem>> -> memref<64x128xf32, #tpu.memory_space<vmem>>
      %dma_wait3A_937 = arith.constant 0 : i32
      %dma_wait3A_938 = tpu.memref_slice %arg5[%dma_wait3A_937] : memref<25600xi32, #tpu.memory_space<vmem>> -> memref<64xi32, #tpu.memory_space<vmem>>
      %dma_wait3A_939 = arith.constant 0 : i32
      %dma_wait3A_940 = arith.constant 0 : i32
      %dma_wait3A_941 = tpu.memref_slice %arg2[%dma_wait3A_939, %dma_wait3A_940] : memref<1000000x128xf32, #tpu.memory_space<hbm>> -> memref<1000000x128xf32, #tpu.memory_space<hbm>>
      %dma_wait3A_942 = tpu.memref_slice %arg7[%dma_wait3A_932] : memref<10x!tpu.dma_semaphore, #tpu.memory_space<semaphore_mem>> -> memref<1x!tpu.dma_semaphore, #tpu.memory_space<semaphore_mem>>
      %dma_wait3A_943 = tpu.memref_squeeze %dma_wait3A_942 : memref<1x!tpu.dma_semaphore, #tpu.memory_space<semaphore_mem>> -> memref<!tpu.dma_semaphore, #tpu.memory_space<semaphore_mem>>
      tpu.wait_indirect_dma semaphore(%dma_wait3A_943 : memref<!tpu.dma_semaphore, #tpu.memory_space<semaphore_mem>>) src(%dma_wait3A_941 : memref<1000000x128xf32, #tpu.memory_space<hbm>>) dst(%dma_wait3A_936 : memref<64x128xf32, #tpu.memory_space<vmem>>)
      %mul3A_944 = arith.constant 10 : i32
      %mul3A_945 = arith.muli %scan3A_606, %mul3A_944 : i32
      %add3A_946 = arith.constant 9 : i32
      %add3A_947 = arith.addi %mul3A_945, %add3A_946 : i32
      %mul3A_948 = arith.constant 64 : i32
      %mul3A_949 = arith.muli %add3A_947, %mul3A_948 : i32
      %add3A_950 = arith.addi %mul3A_2, %mul3A_949 : i32
      %dma_start3A_951 = arith.constant 9 : i32
      %dma_start3A_952 = arith.constant 9 : i32
      %dma_start3A_953 = arith.constant 0 : i32
      %dma_start3A_954 = arith.constant 0 : i32
      %dma_start3A_955 = tpu.memref_slice %arg6[%dma_start3A_951, %dma_start3A_953, %dma_start3A_954] : memref<10x64x128xf32, #tpu.memory_space<vmem>> -> memref<1x64x128xf32, #tpu.memory_space<vmem>>
      %dma_start3A_956 = tpu.memref_squeeze %dma_start3A_955 : memref<1x64x128xf32, #tpu.memory_space<vmem>> -> memref<64x128xf32, #tpu.memory_space<vmem>>
      %dma_start3A_957 = arith.constant 0 : i32
      %dma_start3A_958 = tpu.memref_slice %arg4[%add3A_950, %dma_start3A_957] : memref<819200x128xf32, #tpu.memory_space<hbm>> -> memref<64x128xf32, #tpu.memory_space<hbm>>
      %dma_start3A_959 = tpu.memref_slice %arg8[%dma_start3A_952] : memref<10x!tpu.dma_semaphore, #tpu.memory_space<semaphore_mem>> -> memref<1x!tpu.dma_semaphore, #tpu.memory_space<semaphore_mem>>
      %dma_start3A_960 = tpu.memref_squeeze %dma_start3A_959 : memref<1x!tpu.dma_semaphore, #tpu.memory_space<semaphore_mem>> -> memref<!tpu.dma_semaphore, #tpu.memory_space<semaphore_mem>>
      %dma_start3A_961 = arith.constant 0 : i32
      %dma_start3A_962 = tpu.memref_slice %arg4[%add3A_950, %dma_start3A_961] : memref<819200x128xf32, #tpu.memory_space<hbm>> -> memref<64x128xf32, #tpu.memory_space<hbm>>
      %dma_start3A_963 = arith.constant 0 : i32
      %dma_start3A_964 = arith.constant 0 : i32
      %dma_start3A_965 = tpu.memref_slice %arg6[%dma_start3A_951, %dma_start3A_963, %dma_start3A_964] : memref<10x64x128xf32, #tpu.memory_space<vmem>> -> memref<1x64x128xf32, #tpu.memory_space<vmem>>
      %dma_start3A_966 = tpu.memref_squeeze %dma_start3A_965 : memref<1x64x128xf32, #tpu.memory_space<vmem>> -> memref<64x128xf32, #tpu.memory_space<vmem>>
      tpu.enqueue_dma source(%dma_start3A_966 : memref<64x128xf32, #tpu.memory_space<vmem>>) target(%dma_start3A_962 : memref<64x128xf32, #tpu.memory_space<hbm>>) target_semaphore(%dma_start3A_960 : memref<!tpu.dma_semaphore, #tpu.memory_space<semaphore_mem>>)
      %dma_wait3A_967 = arith.constant 0 : i32
      %dma_wait3A_968 = arith.constant 0 : i32
      %dma_wait3A_969 = arith.constant 0 : i32
      %dma_wait3A_970 = arith.constant 0 : i32
      %dma_wait3A_971 = tpu.memref_slice %arg6[%dma_wait3A_967, %dma_wait3A_969, %dma_wait3A_970] : memref<10x64x128xf32, #tpu.memory_space<vmem>> -> memref<1x64x128xf32, #tpu.memory_space<vmem>>
      %dma_wait3A_972 = tpu.memref_squeeze %dma_wait3A_971 : memref<1x64x128xf32, #tpu.memory_space<vmem>> -> memref<64x128xf32, #tpu.memory_space<vmem>>
      %dma_wait3A_973 = arith.constant 0 : i32
      %dma_wait3A_974 = tpu.memref_slice %arg4[%mul3A_2, %dma_wait3A_973] : memref<819200x128xf32, #tpu.memory_space<hbm>> -> memref<64x128xf32, #tpu.memory_space<hbm>>
      %dma_wait3A_975 = tpu.memref_slice %arg8[%dma_wait3A_968] : memref<10x!tpu.dma_semaphore, #tpu.memory_space<semaphore_mem>> -> memref<1x!tpu.dma_semaphore, #tpu.memory_space<semaphore_mem>>
      %dma_wait3A_976 = tpu.memref_squeeze %dma_wait3A_975 : memref<1x!tpu.dma_semaphore, #tpu.memory_space<semaphore_mem>> -> memref<!tpu.dma_semaphore, #tpu.memory_space<semaphore_mem>>
      %dma_wait3A_977 = arith.constant 0 : i32
      %dma_wait3A_978 = tpu.memref_slice %arg4[%mul3A_2, %dma_wait3A_977] : memref<819200x128xf32, #tpu.memory_space<hbm>> -> memref<64x128xf32, #tpu.memory_space<hbm>>
      %dma_wait3A_979 = arith.constant 0 : i32
      %dma_wait3A_980 = arith.constant 0 : i32
      %dma_wait3A_981 = tpu.memref_slice %arg6[%dma_wait3A_967, %dma_wait3A_979, %dma_wait3A_980] : memref<10x64x128xf32, #tpu.memory_space<vmem>> -> memref<1x64x128xf32, #tpu.memory_space<vmem>>
      %dma_wait3A_982 = tpu.memref_squeeze %dma_wait3A_981 : memref<1x64x128xf32, #tpu.memory_space<vmem>> -> memref<64x128xf32, #tpu.memory_space<vmem>>
      tpu.wait_dma2 semaphore(%dma_wait3A_976 : memref<!tpu.dma_semaphore, #tpu.memory_space<semaphore_mem>>) src(%dma_wait3A_982 : memref<64x128xf32, #tpu.memory_space<vmem>>) dst(%dma_wait3A_978 : memref<64x128xf32, #tpu.memory_space<hbm>>)
      %add3A_983 = arith.constant 1 : i32
      %add3A_984 = arith.addi %scan3A_606, %add3A_983 : i32
      %mul3A_985 = arith.constant 10 : i32
      %mul3A_986 = arith.muli %add3A_984, %mul3A_985 : i32
      %add3A_987 = arith.constant 0 : i32
      %add3A_988 = arith.addi %mul3A_986, %add3A_987 : i32
      %mul3A_989 = arith.constant 64 : i32
      %mul3A_990 = arith.muli %add3A_988, %mul3A_989 : i32
      %dma_start3A_991 = arith.constant 0 : i32
      %dma_start3A_992 = arith.constant 0 : i32
      %dma_start3A_993 = arith.constant 0 : i32
      %dma_start3A_994 = arith.constant 0 : i32
      %dma_start3A_995 = tpu.memref_slice %arg6[%dma_start3A_991, %dma_start3A_993, %dma_start3A_994] : memref<10x64x128xf32, #tpu.memory_space<vmem>> -> memref<1x64x128xf32, #tpu.memory_space<vmem>>
      %dma_start3A_996 = tpu.memref_squeeze %dma_start3A_995 : memref<1x64x128xf32, #tpu.memory_space<vmem>> -> memref<64x128xf32, #tpu.memory_space<vmem>>
      %dma_start3A_997 = tpu.memref_slice %arg5[%mul3A_990] : memref<25600xi32, #tpu.memory_space<vmem>> -> memref<64xi32, #tpu.memory_space<vmem>>
      %dma_start3A_998 = arith.constant 0 : i32
      %dma_start3A_999 = arith.constant 0 : i32
      %dma_start3A_1000 = tpu.memref_slice %arg2[%dma_start3A_998, %dma_start3A_999] : memref<1000000x128xf32, #tpu.memory_space<hbm>> -> memref<1000000x128xf32, #tpu.memory_space<hbm>>
      %dma_start3A_1001 = tpu.memref_slice %arg7[%dma_start3A_992] : memref<10x!tpu.dma_semaphore, #tpu.memory_space<semaphore_mem>> -> memref<1x!tpu.dma_semaphore, #tpu.memory_space<semaphore_mem>>
      %dma_start3A_1002 = tpu.memref_squeeze %dma_start3A_1001 : memref<1x!tpu.dma_semaphore, #tpu.memory_space<semaphore_mem>> -> memref<!tpu.dma_semaphore, #tpu.memory_space<semaphore_mem>>
      tpu.enqueue_indirect_dma source(%dma_start3A_1000 : memref<1000000x128xf32, #tpu.memory_space<hbm>>) target(%dma_start3A_996 : memref<64x128xf32, #tpu.memory_space<vmem>>) offsets(%dma_start3A_997 : memref<64xi32, #tpu.memory_space<vmem>>) semaphore(%dma_start3A_1002 : memref<!tpu.dma_semaphore, #tpu.memory_space<semaphore_mem>>)
      %dma_wait3A_1003 = arith.constant 1 : i32
      %dma_wait3A_1004 = arith.constant 1 : i32
      %dma_wait3A_1005 = arith.constant 0 : i32
      %dma_wait3A_1006 = arith.constant 0 : i32
      %dma_wait3A_1007 = tpu.memref_slice %arg6[%dma_wait3A_1003, %dma_wait3A_1005, %dma_wait3A_1006] : memref<10x64x128xf32, #tpu.memory_space<vmem>> -> memref<1x64x128xf32, #tpu.memory_space<vmem>>
      %dma_wait3A_1008 = tpu.memref_squeeze %dma_wait3A_1007 : memref<1x64x128xf32, #tpu.memory_space<vmem>> -> memref<64x128xf32, #tpu.memory_space<vmem>>
      %dma_wait3A_1009 = arith.constant 0 : i32
      %dma_wait3A_1010 = tpu.memref_slice %arg4[%mul3A_2, %dma_wait3A_1009] : memref<819200x128xf32, #tpu.memory_space<hbm>> -> memref<64x128xf32, #tpu.memory_space<hbm>>
      %dma_wait3A_1011 = tpu.memref_slice %arg8[%dma_wait3A_1004] : memref<10x!tpu.dma_semaphore, #tpu.memory_space<semaphore_mem>> -> memref<1x!tpu.dma_semaphore, #tpu.memory_space<semaphore_mem>>
      %dma_wait3A_1012 = tpu.memref_squeeze %dma_wait3A_1011 : memref<1x!tpu.dma_semaphore, #tpu.memory_space<semaphore_mem>> -> memref<!tpu.dma_semaphore, #tpu.memory_space<semaphore_mem>>
      %dma_wait3A_1013 = arith.constant 0 : i32
      %dma_wait3A_1014 = tpu.memref_slice %arg4[%mul3A_2, %dma_wait3A_1013] : memref<819200x128xf32, #tpu.memory_space<hbm>> -> memref<64x128xf32, #tpu.memory_space<hbm>>
      %dma_wait3A_1015 = arith.constant 0 : i32
      %dma_wait3A_1016 = arith.constant 0 : i32
      %dma_wait3A_1017 = tpu.memref_slice %arg6[%dma_wait3A_1003, %dma_wait3A_1015, %dma_wait3A_1016] : memref<10x64x128xf32, #tpu.memory_space<vmem>> -> memref<1x64x128xf32, #tpu.memory_space<vmem>>
      %dma_wait3A_1018 = tpu.memref_squeeze %dma_wait3A_1017 : memref<1x64x128xf32, #tpu.memory_space<vmem>> -> memref<64x128xf32, #tpu.memory_space<vmem>>
      tpu.wait_dma2 semaphore(%dma_wait3A_1012 : memref<!tpu.dma_semaphore, #tpu.memory_space<semaphore_mem>>) src(%dma_wait3A_1018 : memref<64x128xf32, #tpu.memory_space<vmem>>) dst(%dma_wait3A_1014 : memref<64x128xf32, #tpu.memory_space<hbm>>)
      %add3A_1019 = arith.constant 1 : i32
      %add3A_1020 = arith.addi %scan3A_606, %add3A_1019 : i32
      %mul3A_1021 = arith.constant 10 : i32
      %mul3A_1022 = arith.muli %add3A_1020, %mul3A_1021 : i32
      %add3A_1023 = arith.constant 1 : i32
      %add3A_1024 = arith.addi %mul3A_1022, %add3A_1023 : i32
      %mul3A_1025 = arith.constant 64 : i32
      %mul3A_1026 = arith.muli %add3A_1024, %mul3A_1025 : i32
      %dma_start3A_1027 = arith.constant 1 : i32
      %dma_start3A_1028 = arith.constant 1 : i32
      %dma_start3A_1029 = arith.constant 0 : i32
      %dma_start3A_1030 = arith.constant 0 : i32
      %dma_start3A_1031 = tpu.memref_slice %arg6[%dma_start3A_1027, %dma_start3A_1029, %dma_start3A_1030] : memref<10x64x128xf32, #tpu.memory_space<vmem>> -> memref<1x64x128xf32, #tpu.memory_space<vmem>>
      %dma_start3A_1032 = tpu.memref_squeeze %dma_start3A_1031 : memref<1x64x128xf32, #tpu.memory_space<vmem>> -> memref<64x128xf32, #tpu.memory_space<vmem>>
      %dma_start3A_1033 = tpu.memref_slice %arg5[%mul3A_1026] : memref<25600xi32, #tpu.memory_space<vmem>> -> memref<64xi32, #tpu.memory_space<vmem>>
      %dma_start3A_1034 = arith.constant 0 : i32
      %dma_start3A_1035 = arith.constant 0 : i32
      %dma_start3A_1036 = tpu.memref_slice %arg2[%dma_start3A_1034, %dma_start3A_1035] : memref<1000000x128xf32, #tpu.memory_space<hbm>> -> memref<1000000x128xf32, #tpu.memory_space<hbm>>
      %dma_start3A_1037 = tpu.memref_slice %arg7[%dma_start3A_1028] : memref<10x!tpu.dma_semaphore, #tpu.memory_space<semaphore_mem>> -> memref<1x!tpu.dma_semaphore, #tpu.memory_space<semaphore_mem>>
      %dma_start3A_1038 = tpu.memref_squeeze %dma_start3A_1037 : memref<1x!tpu.dma_semaphore, #tpu.memory_space<semaphore_mem>> -> memref<!tpu.dma_semaphore, #tpu.memory_space<semaphore_mem>>
      tpu.enqueue_indirect_dma source(%dma_start3A_1036 : memref<1000000x128xf32, #tpu.memory_space<hbm>>) target(%dma_start3A_1032 : memref<64x128xf32, #tpu.memory_space<vmem>>) offsets(%dma_start3A_1033 : memref<64xi32, #tpu.memory_space<vmem>>) semaphore(%dma_start3A_1038 : memref<!tpu.dma_semaphore, #tpu.memory_space<semaphore_mem>>)
      %dma_wait3A_1039 = arith.constant 2 : i32
      %dma_wait3A_1040 = arith.constant 2 : i32
      %dma_wait3A_1041 = arith.constant 0 : i32
      %dma_wait3A_1042 = arith.constant 0 : i32
      %dma_wait3A_1043 = tpu.memref_slice %arg6[%dma_wait3A_1039, %dma_wait3A_1041, %dma_wait3A_1042] : memref<10x64x128xf32, #tpu.memory_space<vmem>> -> memref<1x64x128xf32, #tpu.memory_space<vmem>>
      %dma_wait3A_1044 = tpu.memref_squeeze %dma_wait3A_1043 : memref<1x64x128xf32, #tpu.memory_space<vmem>> -> memref<64x128xf32, #tpu.memory_space<vmem>>
      %dma_wait3A_1045 = arith.constant 0 : i32
      %dma_wait3A_1046 = tpu.memref_slice %arg4[%mul3A_2, %dma_wait3A_1045] : memref<819200x128xf32, #tpu.memory_space<hbm>> -> memref<64x128xf32, #tpu.memory_space<hbm>>
      %dma_wait3A_1047 = tpu.memref_slice %arg8[%dma_wait3A_1040] : memref<10x!tpu.dma_semaphore, #tpu.memory_space<semaphore_mem>> -> memref<1x!tpu.dma_semaphore, #tpu.memory_space<semaphore_mem>>
      %dma_wait3A_1048 = tpu.memref_squeeze %dma_wait3A_1047 : memref<1x!tpu.dma_semaphore, #tpu.memory_space<semaphore_mem>> -> memref<!tpu.dma_semaphore, #tpu.memory_space<semaphore_mem>>
      %dma_wait3A_1049 = arith.constant 0 : i32
      %dma_wait3A_1050 = tpu.memref_slice %arg4[%mul3A_2, %dma_wait3A_1049] : memref<819200x128xf32, #tpu.memory_space<hbm>> -> memref<64x128xf32, #tpu.memory_space<hbm>>
      %dma_wait3A_1051 = arith.constant 0 : i32
      %dma_wait3A_1052 = arith.constant 0 : i32
      %dma_wait3A_1053 = tpu.memref_slice %arg6[%dma_wait3A_1039, %dma_wait3A_1051, %dma_wait3A_1052] : memref<10x64x128xf32, #tpu.memory_space<vmem>> -> memref<1x64x128xf32, #tpu.memory_space<vmem>>
      %dma_wait3A_1054 = tpu.memref_squeeze %dma_wait3A_1053 : memref<1x64x128xf32, #tpu.memory_space<vmem>> -> memref<64x128xf32, #tpu.memory_space<vmem>>
      tpu.wait_dma2 semaphore(%dma_wait3A_1048 : memref<!tpu.dma_semaphore, #tpu.memory_space<semaphore_mem>>) src(%dma_wait3A_1054 : memref<64x128xf32, #tpu.memory_space<vmem>>) dst(%dma_wait3A_1050 : memref<64x128xf32, #tpu.memory_space<hbm>>)
      %add3A_1055 = arith.constant 1 : i32
      %add3A_1056 = arith.addi %scan3A_606, %add3A_1055 : i32
      %mul3A_1057 = arith.constant 10 : i32
      %mul3A_1058 = arith.muli %add3A_1056, %mul3A_1057 : i32
      %add3A_1059 = arith.constant 2 : i32
      %add3A_1060 = arith.addi %mul3A_1058, %add3A_1059 : i32
      %mul3A_1061 = arith.constant 64 : i32
      %mul3A_1062 = arith.muli %add3A_1060, %mul3A_1061 : i32
      %dma_start3A_1063 = arith.constant 2 : i32
      %dma_start3A_1064 = arith.constant 2 : i32
      %dma_start3A_1065 = arith.constant 0 : i32
      %dma_start3A_1066 = arith.constant 0 : i32
      %dma_start3A_1067 = tpu.memref_slice %arg6[%dma_start3A_1063, %dma_start3A_1065, %dma_start3A_1066] : memref<10x64x128xf32, #tpu.memory_space<vmem>> -> memref<1x64x128xf32, #tpu.memory_space<vmem>>
      %dma_start3A_1068 = tpu.memref_squeeze %dma_start3A_1067 : memref<1x64x128xf32, #tpu.memory_space<vmem>> -> memref<64x128xf32, #tpu.memory_space<vmem>>
      %dma_start3A_1069 = tpu.memref_slice %arg5[%mul3A_1062] : memref<25600xi32, #tpu.memory_space<vmem>> -> memref<64xi32, #tpu.memory_space<vmem>>
      %dma_start3A_1070 = arith.constant 0 : i32
      %dma_start3A_1071 = arith.constant 0 : i32
      %dma_start3A_1072 = tpu.memref_slice %arg2[%dma_start3A_1070, %dma_start3A_1071] : memref<1000000x128xf32, #tpu.memory_space<hbm>> -> memref<1000000x128xf32, #tpu.memory_space<hbm>>
      %dma_start3A_1073 = tpu.memref_slice %arg7[%dma_start3A_1064] : memref<10x!tpu.dma_semaphore, #tpu.memory_space<semaphore_mem>> -> memref<1x!tpu.dma_semaphore, #tpu.memory_space<semaphore_mem>>
      %dma_start3A_1074 = tpu.memref_squeeze %dma_start3A_1073 : memref<1x!tpu.dma_semaphore, #tpu.memory_space<semaphore_mem>> -> memref<!tpu.dma_semaphore, #tpu.memory_space<semaphore_mem>>
      tpu.enqueue_indirect_dma source(%dma_start3A_1072 : memref<1000000x128xf32, #tpu.memory_space<hbm>>) target(%dma_start3A_1068 : memref<64x128xf32, #tpu.memory_space<vmem>>) offsets(%dma_start3A_1069 : memref<64xi32, #tpu.memory_space<vmem>>) semaphore(%dma_start3A_1074 : memref<!tpu.dma_semaphore, #tpu.memory_space<semaphore_mem>>)
      %dma_wait3A_1075 = arith.constant 3 : i32
      %dma_wait3A_1076 = arith.constant 3 : i32
      %dma_wait3A_1077 = arith.constant 0 : i32
      %dma_wait3A_1078 = arith.constant 0 : i32
      %dma_wait3A_1079 = tpu.memref_slice %arg6[%dma_wait3A_1075, %dma_wait3A_1077, %dma_wait3A_1078] : memref<10x64x128xf32, #tpu.memory_space<vmem>> -> memref<1x64x128xf32, #tpu.memory_space<vmem>>
      %dma_wait3A_1080 = tpu.memref_squeeze %dma_wait3A_1079 : memref<1x64x128xf32, #tpu.memory_space<vmem>> -> memref<64x128xf32, #tpu.memory_space<vmem>>
      %dma_wait3A_1081 = arith.constant 0 : i32
      %dma_wait3A_1082 = tpu.memref_slice %arg4[%mul3A_2, %dma_wait3A_1081] : memref<819200x128xf32, #tpu.memory_space<hbm>> -> memref<64x128xf32, #tpu.memory_space<hbm>>
      %dma_wait3A_1083 = tpu.memref_slice %arg8[%dma_wait3A_1076] : memref<10x!tpu.dma_semaphore, #tpu.memory_space<semaphore_mem>> -> memref<1x!tpu.dma_semaphore, #tpu.memory_space<semaphore_mem>>
      %dma_wait3A_1084 = tpu.memref_squeeze %dma_wait3A_1083 : memref<1x!tpu.dma_semaphore, #tpu.memory_space<semaphore_mem>> -> memref<!tpu.dma_semaphore, #tpu.memory_space<semaphore_mem>>
      %dma_wait3A_1085 = arith.constant 0 : i32
      %dma_wait3A_1086 = tpu.memref_slice %arg4[%mul3A_2, %dma_wait3A_1085] : memref<819200x128xf32, #tpu.memory_space<hbm>> -> memref<64x128xf32, #tpu.memory_space<hbm>>
      %dma_wait3A_1087 = arith.constant 0 : i32
      %dma_wait3A_1088 = arith.constant 0 : i32
      %dma_wait3A_1089 = tpu.memref_slice %arg6[%dma_wait3A_1075, %dma_wait3A_1087, %dma_wait3A_1088] : memref<10x64x128xf32, #tpu.memory_space<vmem>> -> memref<1x64x128xf32, #tpu.memory_space<vmem>>
      %dma_wait3A_1090 = tpu.memref_squeeze %dma_wait3A_1089 : memref<1x64x128xf32, #tpu.memory_space<vmem>> -> memref<64x128xf32, #tpu.memory_space<vmem>>
      tpu.wait_dma2 semaphore(%dma_wait3A_1084 : memref<!tpu.dma_semaphore, #tpu.memory_space<semaphore_mem>>) src(%dma_wait3A_1090 : memref<64x128xf32, #tpu.memory_space<vmem>>) dst(%dma_wait3A_1086 : memref<64x128xf32, #tpu.memory_space<hbm>>)
      %add3A_1091 = arith.constant 1 : i32
      %add3A_1092 = arith.addi %scan3A_606, %add3A_1091 : i32
      %mul3A_1093 = arith.constant 10 : i32
      %mul3A_1094 = arith.muli %add3A_1092, %mul3A_1093 : i32
      %add3A_1095 = arith.constant 3 : i32
      %add3A_1096 = arith.addi %mul3A_1094, %add3A_1095 : i32
      %mul3A_1097 = arith.constant 64 : i32
      %mul3A_1098 = arith.muli %add3A_1096, %mul3A_1097 : i32
      %dma_start3A_1099 = arith.constant 3 : i32
      %dma_start3A_1100 = arith.constant 3 : i32
      %dma_start3A_1101 = arith.constant 0 : i32
      %dma_start3A_1102 = arith.constant 0 : i32
      %dma_start3A_1103 = tpu.memref_slice %arg6[%dma_start3A_1099, %dma_start3A_1101, %dma_start3A_1102] : memref<10x64x128xf32, #tpu.memory_space<vmem>> -> memref<1x64x128xf32, #tpu.memory_space<vmem>>
      %dma_start3A_1104 = tpu.memref_squeeze %dma_start3A_1103 : memref<1x64x128xf32, #tpu.memory_space<vmem>> -> memref<64x128xf32, #tpu.memory_space<vmem>>
      %dma_start3A_1105 = tpu.memref_slice %arg5[%mul3A_1098] : memref<25600xi32, #tpu.memory_space<vmem>> -> memref<64xi32, #tpu.memory_space<vmem>>
      %dma_start3A_1106 = arith.constant 0 : i32
      %dma_start3A_1107 = arith.constant 0 : i32
      %dma_start3A_1108 = tpu.memref_slice %arg2[%dma_start3A_1106, %dma_start3A_1107] : memref<1000000x128xf32, #tpu.memory_space<hbm>> -> memref<1000000x128xf32, #tpu.memory_space<hbm>>
      %dma_start3A_1109 = tpu.memref_slice %arg7[%dma_start3A_1100] : memref<10x!tpu.dma_semaphore, #tpu.memory_space<semaphore_mem>> -> memref<1x!tpu.dma_semaphore, #tpu.memory_space<semaphore_mem>>
      %dma_start3A_1110 = tpu.memref_squeeze %dma_start3A_1109 : memref<1x!tpu.dma_semaphore, #tpu.memory_space<semaphore_mem>> -> memref<!tpu.dma_semaphore, #tpu.memory_space<semaphore_mem>>
      tpu.enqueue_indirect_dma source(%dma_start3A_1108 : memref<1000000x128xf32, #tpu.memory_space<hbm>>) target(%dma_start3A_1104 : memref<64x128xf32, #tpu.memory_space<vmem>>) offsets(%dma_start3A_1105 : memref<64xi32, #tpu.memory_space<vmem>>) semaphore(%dma_start3A_1110 : memref<!tpu.dma_semaphore, #tpu.memory_space<semaphore_mem>>)
      %dma_wait3A_1111 = arith.constant 4 : i32
      %dma_wait3A_1112 = arith.constant 4 : i32
      %dma_wait3A_1113 = arith.constant 0 : i32
      %dma_wait3A_1114 = arith.constant 0 : i32
      %dma_wait3A_1115 = tpu.memref_slice %arg6[%dma_wait3A_1111, %dma_wait3A_1113, %dma_wait3A_1114] : memref<10x64x128xf32, #tpu.memory_space<vmem>> -> memref<1x64x128xf32, #tpu.memory_space<vmem>>
      %dma_wait3A_1116 = tpu.memref_squeeze %dma_wait3A_1115 : memref<1x64x128xf32, #tpu.memory_space<vmem>> -> memref<64x128xf32, #tpu.memory_space<vmem>>
      %dma_wait3A_1117 = arith.constant 0 : i32
      %dma_wait3A_1118 = tpu.memref_slice %arg4[%mul3A_2, %dma_wait3A_1117] : memref<819200x128xf32, #tpu.memory_space<hbm>> -> memref<64x128xf32, #tpu.memory_space<hbm>>
      %dma_wait3A_1119 = tpu.memref_slice %arg8[%dma_wait3A_1112] : memref<10x!tpu.dma_semaphore, #tpu.memory_space<semaphore_mem>> -> memref<1x!tpu.dma_semaphore, #tpu.memory_space<semaphore_mem>>
      %dma_wait3A_1120 = tpu.memref_squeeze %dma_wait3A_1119 : memref<1x!tpu.dma_semaphore, #tpu.memory_space<semaphore_mem>> -> memref<!tpu.dma_semaphore, #tpu.memory_space<semaphore_mem>>
      %dma_wait3A_1121 = arith.constant 0 : i32
      %dma_wait3A_1122 = tpu.memref_slice %arg4[%mul3A_2, %dma_wait3A_1121] : memref<819200x128xf32, #tpu.memory_space<hbm>> -> memref<64x128xf32, #tpu.memory_space<hbm>>
      %dma_wait3A_1123 = arith.constant 0 : i32
      %dma_wait3A_1124 = arith.constant 0 : i32
      %dma_wait3A_1125 = tpu.memref_slice %arg6[%dma_wait3A_1111, %dma_wait3A_1123, %dma_wait3A_1124] : memref<10x64x128xf32, #tpu.memory_space<vmem>> -> memref<1x64x128xf32, #tpu.memory_space<vmem>>
      %dma_wait3A_1126 = tpu.memref_squeeze %dma_wait3A_1125 : memref<1x64x128xf32, #tpu.memory_space<vmem>> -> memref<64x128xf32, #tpu.memory_space<vmem>>
      tpu.wait_dma2 semaphore(%dma_wait3A_1120 : memref<!tpu.dma_semaphore, #tpu.memory_space<semaphore_mem>>) src(%dma_wait3A_1126 : memref<64x128xf32, #tpu.memory_space<vmem>>) dst(%dma_wait3A_1122 : memref<64x128xf32, #tpu.memory_space<hbm>>)
      %add3A_1127 = arith.constant 1 : i32
      %add3A_1128 = arith.addi %scan3A_606, %add3A_1127 : i32
      %mul3A_1129 = arith.constant 10 : i32
      %mul3A_1130 = arith.muli %add3A_1128, %mul3A_1129 : i32
      %add3A_1131 = arith.constant 4 : i32
      %add3A_1132 = arith.addi %mul3A_1130, %add3A_1131 : i32
      %mul3A_1133 = arith.constant 64 : i32
      %mul3A_1134 = arith.muli %add3A_1132, %mul3A_1133 : i32
      %dma_start3A_1135 = arith.constant 4 : i32
      %dma_start3A_1136 = arith.constant 4 : i32
      %dma_start3A_1137 = arith.constant 0 : i32
      %dma_start3A_1138 = arith.constant 0 : i32
      %dma_start3A_1139 = tpu.memref_slice %arg6[%dma_start3A_1135, %dma_start3A_1137, %dma_start3A_1138] : memref<10x64x128xf32, #tpu.memory_space<vmem>> -> memref<1x64x128xf32, #tpu.memory_space<vmem>>
      %dma_start3A_1140 = tpu.memref_squeeze %dma_start3A_1139 : memref<1x64x128xf32, #tpu.memory_space<vmem>> -> memref<64x128xf32, #tpu.memory_space<vmem>>
      %dma_start3A_1141 = tpu.memref_slice %arg5[%mul3A_1134] : memref<25600xi32, #tpu.memory_space<vmem>> -> memref<64xi32, #tpu.memory_space<vmem>>
      %dma_start3A_1142 = arith.constant 0 : i32
      %dma_start3A_1143 = arith.constant 0 : i32
      %dma_start3A_1144 = tpu.memref_slice %arg2[%dma_start3A_1142, %dma_start3A_1143] : memref<1000000x128xf32, #tpu.memory_space<hbm>> -> memref<1000000x128xf32, #tpu.memory_space<hbm>>
      %dma_start3A_1145 = tpu.memref_slice %arg7[%dma_start3A_1136] : memref<10x!tpu.dma_semaphore, #tpu.memory_space<semaphore_mem>> -> memref<1x!tpu.dma_semaphore, #tpu.memory_space<semaphore_mem>>
      %dma_start3A_1146 = tpu.memref_squeeze %dma_start3A_1145 : memref<1x!tpu.dma_semaphore, #tpu.memory_space<semaphore_mem>> -> memref<!tpu.dma_semaphore, #tpu.memory_space<semaphore_mem>>
      tpu.enqueue_indirect_dma source(%dma_start3A_1144 : memref<1000000x128xf32, #tpu.memory_space<hbm>>) target(%dma_start3A_1140 : memref<64x128xf32, #tpu.memory_space<vmem>>) offsets(%dma_start3A_1141 : memref<64xi32, #tpu.memory_space<vmem>>) semaphore(%dma_start3A_1146 : memref<!tpu.dma_semaphore, #tpu.memory_space<semaphore_mem>>)
      %dma_wait3A_1147 = arith.constant 5 : i32
      %dma_wait3A_1148 = arith.constant 5 : i32
      %dma_wait3A_1149 = arith.constant 0 : i32
      %dma_wait3A_1150 = arith.constant 0 : i32
      %dma_wait3A_1151 = tpu.memref_slice %arg6[%dma_wait3A_1147, %dma_wait3A_1149, %dma_wait3A_1150] : memref<10x64x128xf32, #tpu.memory_space<vmem>> -> memref<1x64x128xf32, #tpu.memory_space<vmem>>
      %dma_wait3A_1152 = tpu.memref_squeeze %dma_wait3A_1151 : memref<1x64x128xf32, #tpu.memory_space<vmem>> -> memref<64x128xf32, #tpu.memory_space<vmem>>
      %dma_wait3A_1153 = arith.constant 0 : i32
      %dma_wait3A_1154 = tpu.memref_slice %arg4[%mul3A_2, %dma_wait3A_1153] : memref<819200x128xf32, #tpu.memory_space<hbm>> -> memref<64x128xf32, #tpu.memory_space<hbm>>
      %dma_wait3A_1155 = tpu.memref_slice %arg8[%dma_wait3A_1148] : memref<10x!tpu.dma_semaphore, #tpu.memory_space<semaphore_mem>> -> memref<1x!tpu.dma_semaphore, #tpu.memory_space<semaphore_mem>>
      %dma_wait3A_1156 = tpu.memref_squeeze %dma_wait3A_1155 : memref<1x!tpu.dma_semaphore, #tpu.memory_space<semaphore_mem>> -> memref<!tpu.dma_semaphore, #tpu.memory_space<semaphore_mem>>
      %dma_wait3A_1157 = arith.constant 0 : i32
      %dma_wait3A_1158 = tpu.memref_slice %arg4[%mul3A_2, %dma_wait3A_1157] : memref<819200x128xf32, #tpu.memory_space<hbm>> -> memref<64x128xf32, #tpu.memory_space<hbm>>
      %dma_wait3A_1159 = arith.constant 0 : i32
      %dma_wait3A_1160 = arith.constant 0 : i32
      %dma_wait3A_1161 = tpu.memref_slice %arg6[%dma_wait3A_1147, %dma_wait3A_1159, %dma_wait3A_1160] : memref<10x64x128xf32, #tpu.memory_space<vmem>> -> memref<1x64x128xf32, #tpu.memory_space<vmem>>
      %dma_wait3A_1162 = tpu.memref_squeeze %dma_wait3A_1161 : memref<1x64x128xf32, #tpu.memory_space<vmem>> -> memref<64x128xf32, #tpu.memory_space<vmem>>
      tpu.wait_dma2 semaphore(%dma_wait3A_1156 : memref<!tpu.dma_semaphore, #tpu.memory_space<semaphore_mem>>) src(%dma_wait3A_1162 : memref<64x128xf32, #tpu.memory_space<vmem>>) dst(%dma_wait3A_1158 : memref<64x128xf32, #tpu.memory_space<hbm>>)
      %add3A_1163 = arith.constant 1 : i32
      %add3A_1164 = arith.addi %scan3A_606, %add3A_1163 : i32
      %mul3A_1165 = arith.constant 10 : i32
      %mul3A_1166 = arith.muli %add3A_1164, %mul3A_1165 : i32
      %add3A_1167 = arith.constant 5 : i32
      %add3A_1168 = arith.addi %mul3A_1166, %add3A_1167 : i32
      %mul3A_1169 = arith.constant 64 : i32
      %mul3A_1170 = arith.muli %add3A_1168, %mul3A_1169 : i32
      %dma_start3A_1171 = arith.constant 5 : i32
      %dma_start3A_1172 = arith.constant 5 : i32
      %dma_start3A_1173 = arith.constant 0 : i32
      %dma_start3A_1174 = arith.constant 0 : i32
      %dma_start3A_1175 = tpu.memref_slice %arg6[%dma_start3A_1171, %dma_start3A_1173, %dma_start3A_1174] : memref<10x64x128xf32, #tpu.memory_space<vmem>> -> memref<1x64x128xf32, #tpu.memory_space<vmem>>
      %dma_start3A_1176 = tpu.memref_squeeze %dma_start3A_1175 : memref<1x64x128xf32, #tpu.memory_space<vmem>> -> memref<64x128xf32, #tpu.memory_space<vmem>>
      %dma_start3A_1177 = tpu.memref_slice %arg5[%mul3A_1170] : memref<25600xi32, #tpu.memory_space<vmem>> -> memref<64xi32, #tpu.memory_space<vmem>>
      %dma_start3A_1178 = arith.constant 0 : i32
      %dma_start3A_1179 = arith.constant 0 : i32
      %dma_start3A_1180 = tpu.memref_slice %arg2[%dma_start3A_1178, %dma_start3A_1179] : memref<1000000x128xf32, #tpu.memory_space<hbm>> -> memref<1000000x128xf32, #tpu.memory_space<hbm>>
      %dma_start3A_1181 = tpu.memref_slice %arg7[%dma_start3A_1172] : memref<10x!tpu.dma_semaphore, #tpu.memory_space<semaphore_mem>> -> memref<1x!tpu.dma_semaphore, #tpu.memory_space<semaphore_mem>>
      %dma_start3A_1182 = tpu.memref_squeeze %dma_start3A_1181 : memref<1x!tpu.dma_semaphore, #tpu.memory_space<semaphore_mem>> -> memref<!tpu.dma_semaphore, #tpu.memory_space<semaphore_mem>>
      tpu.enqueue_indirect_dma source(%dma_start3A_1180 : memref<1000000x128xf32, #tpu.memory_space<hbm>>) target(%dma_start3A_1176 : memref<64x128xf32, #tpu.memory_space<vmem>>) offsets(%dma_start3A_1177 : memref<64xi32, #tpu.memory_space<vmem>>) semaphore(%dma_start3A_1182 : memref<!tpu.dma_semaphore, #tpu.memory_space<semaphore_mem>>)
      %dma_wait3A_1183 = arith.constant 6 : i32
      %dma_wait3A_1184 = arith.constant 6 : i32
      %dma_wait3A_1185 = arith.constant 0 : i32
      %dma_wait3A_1186 = arith.constant 0 : i32
      %dma_wait3A_1187 = tpu.memref_slice %arg6[%dma_wait3A_1183, %dma_wait3A_1185, %dma_wait3A_1186] : memref<10x64x128xf32, #tpu.memory_space<vmem>> -> memref<1x64x128xf32, #tpu.memory_space<vmem>>
      %dma_wait3A_1188 = tpu.memref_squeeze %dma_wait3A_1187 : memref<1x64x128xf32, #tpu.memory_space<vmem>> -> memref<64x128xf32, #tpu.memory_space<vmem>>
      %dma_wait3A_1189 = arith.constant 0 : i32
      %dma_wait3A_1190 = tpu.memref_slice %arg4[%mul3A_2, %dma_wait3A_1189] : memref<819200x128xf32, #tpu.memory_space<hbm>> -> memref<64x128xf32, #tpu.memory_space<hbm>>
      %dma_wait3A_1191 = tpu.memref_slice %arg8[%dma_wait3A_1184] : memref<10x!tpu.dma_semaphore, #tpu.memory_space<semaphore_mem>> -> memref<1x!tpu.dma_semaphore, #tpu.memory_space<semaphore_mem>>
      %dma_wait3A_1192 = tpu.memref_squeeze %dma_wait3A_1191 : memref<1x!tpu.dma_semaphore, #tpu.memory_space<semaphore_mem>> -> memref<!tpu.dma_semaphore, #tpu.memory_space<semaphore_mem>>
      %dma_wait3A_1193 = arith.constant 0 : i32
      %dma_wait3A_1194 = tpu.memref_slice %arg4[%mul3A_2, %dma_wait3A_1193] : memref<819200x128xf32, #tpu.memory_space<hbm>> -> memref<64x128xf32, #tpu.memory_space<hbm>>
      %dma_wait3A_1195 = arith.constant 0 : i32
      %dma_wait3A_1196 = arith.constant 0 : i32
      %dma_wait3A_1197 = tpu.memref_slice %arg6[%dma_wait3A_1183, %dma_wait3A_1195, %dma_wait3A_1196] : memref<10x64x128xf32, #tpu.memory_space<vmem>> -> memref<1x64x128xf32, #tpu.memory_space<vmem>>
      %dma_wait3A_1198 = tpu.memref_squeeze %dma_wait3A_1197 : memref<1x64x128xf32, #tpu.memory_space<vmem>> -> memref<64x128xf32, #tpu.memory_space<vmem>>
      tpu.wait_dma2 semaphore(%dma_wait3A_1192 : memref<!tpu.dma_semaphore, #tpu.memory_space<semaphore_mem>>) src(%dma_wait3A_1198 : memref<64x128xf32, #tpu.memory_space<vmem>>) dst(%dma_wait3A_1194 : memref<64x128xf32, #tpu.memory_space<hbm>>)
      %add3A_1199 = arith.constant 1 : i32
      %add3A_1200 = arith.addi %scan3A_606, %add3A_1199 : i32
      %mul3A_1201 = arith.constant 10 : i32
      %mul3A_1202 = arith.muli %add3A_1200, %mul3A_1201 : i32
      %add3A_1203 = arith.constant 6 : i32
      %add3A_1204 = arith.addi %mul3A_1202, %add3A_1203 : i32
      %mul3A_1205 = arith.constant 64 : i32
      %mul3A_1206 = arith.muli %add3A_1204, %mul3A_1205 : i32
      %dma_start3A_1207 = arith.constant 6 : i32
      %dma_start3A_1208 = arith.constant 6 : i32
      %dma_start3A_1209 = arith.constant 0 : i32
      %dma_start3A_1210 = arith.constant 0 : i32
      %dma_start3A_1211 = tpu.memref_slice %arg6[%dma_start3A_1207, %dma_start3A_1209, %dma_start3A_1210] : memref<10x64x128xf32, #tpu.memory_space<vmem>> -> memref<1x64x128xf32, #tpu.memory_space<vmem>>
      %dma_start3A_1212 = tpu.memref_squeeze %dma_start3A_1211 : memref<1x64x128xf32, #tpu.memory_space<vmem>> -> memref<64x128xf32, #tpu.memory_space<vmem>>
      %dma_start3A_1213 = tpu.memref_slice %arg5[%mul3A_1206] : memref<25600xi32, #tpu.memory_space<vmem>> -> memref<64xi32, #tpu.memory_space<vmem>>
      %dma_start3A_1214 = arith.constant 0 : i32
      %dma_start3A_1215 = arith.constant 0 : i32
      %dma_start3A_1216 = tpu.memref_slice %arg2[%dma_start3A_1214, %dma_start3A_1215] : memref<1000000x128xf32, #tpu.memory_space<hbm>> -> memref<1000000x128xf32, #tpu.memory_space<hbm>>
      %dma_start3A_1217 = tpu.memref_slice %arg7[%dma_start3A_1208] : memref<10x!tpu.dma_semaphore, #tpu.memory_space<semaphore_mem>> -> memref<1x!tpu.dma_semaphore, #tpu.memory_space<semaphore_mem>>
      %dma_start3A_1218 = tpu.memref_squeeze %dma_start3A_1217 : memref<1x!tpu.dma_semaphore, #tpu.memory_space<semaphore_mem>> -> memref<!tpu.dma_semaphore, #tpu.memory_space<semaphore_mem>>
      tpu.enqueue_indirect_dma source(%dma_start3A_1216 : memref<1000000x128xf32, #tpu.memory_space<hbm>>) target(%dma_start3A_1212 : memref<64x128xf32, #tpu.memory_space<vmem>>) offsets(%dma_start3A_1213 : memref<64xi32, #tpu.memory_space<vmem>>) semaphore(%dma_start3A_1218 : memref<!tpu.dma_semaphore, #tpu.memory_space<semaphore_mem>>)
      %dma_wait3A_1219 = arith.constant 7 : i32
      %dma_wait3A_1220 = arith.constant 7 : i32
      %dma_wait3A_1221 = arith.constant 0 : i32
      %dma_wait3A_1222 = arith.constant 0 : i32
      %dma_wait3A_1223 = tpu.memref_slice %arg6[%dma_wait3A_1219, %dma_wait3A_1221, %dma_wait3A_1222] : memref<10x64x128xf32, #tpu.memory_space<vmem>> -> memref<1x64x128xf32, #tpu.memory_space<vmem>>
      %dma_wait3A_1224 = tpu.memref_squeeze %dma_wait3A_1223 : memref<1x64x128xf32, #tpu.memory_space<vmem>> -> memref<64x128xf32, #tpu.memory_space<vmem>>
      %dma_wait3A_1225 = arith.constant 0 : i32
      %dma_wait3A_1226 = tpu.memref_slice %arg4[%mul3A_2, %dma_wait3A_1225] : memref<819200x128xf32, #tpu.memory_space<hbm>> -> memref<64x128xf32, #tpu.memory_space<hbm>>
      %dma_wait3A_1227 = tpu.memref_slice %arg8[%dma_wait3A_1220] : memref<10x!tpu.dma_semaphore, #tpu.memory_space<semaphore_mem>> -> memref<1x!tpu.dma_semaphore, #tpu.memory_space<semaphore_mem>>
      %dma_wait3A_1228 = tpu.memref_squeeze %dma_wait3A_1227 : memref<1x!tpu.dma_semaphore, #tpu.memory_space<semaphore_mem>> -> memref<!tpu.dma_semaphore, #tpu.memory_space<semaphore_mem>>
      %dma_wait3A_1229 = arith.constant 0 : i32
      %dma_wait3A_1230 = tpu.memref_slice %arg4[%mul3A_2, %dma_wait3A_1229] : memref<819200x128xf32, #tpu.memory_space<hbm>> -> memref<64x128xf32, #tpu.memory_space<hbm>>
      %dma_wait3A_1231 = arith.constant 0 : i32
      %dma_wait3A_1232 = arith.constant 0 : i32
      %dma_wait3A_1233 = tpu.memref_slice %arg6[%dma_wait3A_1219, %dma_wait3A_1231, %dma_wait3A_1232] : memref<10x64x128xf32, #tpu.memory_space<vmem>> -> memref<1x64x128xf32, #tpu.memory_space<vmem>>
      %dma_wait3A_1234 = tpu.memref_squeeze %dma_wait3A_1233 : memref<1x64x128xf32, #tpu.memory_space<vmem>> -> memref<64x128xf32, #tpu.memory_space<vmem>>
      tpu.wait_dma2 semaphore(%dma_wait3A_1228 : memref<!tpu.dma_semaphore, #tpu.memory_space<semaphore_mem>>) src(%dma_wait3A_1234 : memref<64x128xf32, #tpu.memory_space<vmem>>) dst(%dma_wait3A_1230 : memref<64x128xf32, #tpu.memory_space<hbm>>)
      %add3A_1235 = arith.constant 1 : i32
      %add3A_1236 = arith.addi %scan3A_606, %add3A_1235 : i32
      %mul3A_1237 = arith.constant 10 : i32
      %mul3A_1238 = arith.muli %add3A_1236, %mul3A_1237 : i32
      %add3A_1239 = arith.constant 7 : i32
      %add3A_1240 = arith.addi %mul3A_1238, %add3A_1239 : i32
      %mul3A_1241 = arith.constant 64 : i32
      %mul3A_1242 = arith.muli %add3A_1240, %mul3A_1241 : i32
      %dma_start3A_1243 = arith.constant 7 : i32
      %dma_start3A_1244 = arith.constant 7 : i32
      %dma_start3A_1245 = arith.constant 0 : i32
      %dma_start3A_1246 = arith.constant 0 : i32
      %dma_start3A_1247 = tpu.memref_slice %arg6[%dma_start3A_1243, %dma_start3A_1245, %dma_start3A_1246] : memref<10x64x128xf32, #tpu.memory_space<vmem>> -> memref<1x64x128xf32, #tpu.memory_space<vmem>>
      %dma_start3A_1248 = tpu.memref_squeeze %dma_start3A_1247 : memref<1x64x128xf32, #tpu.memory_space<vmem>> -> memref<64x128xf32, #tpu.memory_space<vmem>>
      %dma_start3A_1249 = tpu.memref_slice %arg5[%mul3A_1242] : memref<25600xi32, #tpu.memory_space<vmem>> -> memref<64xi32, #tpu.memory_space<vmem>>
      %dma_start3A_1250 = arith.constant 0 : i32
      %dma_start3A_1251 = arith.constant 0 : i32
      %dma_start3A_1252 = tpu.memref_slice %arg2[%dma_start3A_1250, %dma_start3A_1251] : memref<1000000x128xf32, #tpu.memory_space<hbm>> -> memref<1000000x128xf32, #tpu.memory_space<hbm>>
      %dma_start3A_1253 = tpu.memref_slice %arg7[%dma_start3A_1244] : memref<10x!tpu.dma_semaphore, #tpu.memory_space<semaphore_mem>> -> memref<1x!tpu.dma_semaphore, #tpu.memory_space<semaphore_mem>>
      %dma_start3A_1254 = tpu.memref_squeeze %dma_start3A_1253 : memref<1x!tpu.dma_semaphore, #tpu.memory_space<semaphore_mem>> -> memref<!tpu.dma_semaphore, #tpu.memory_space<semaphore_mem>>
      tpu.enqueue_indirect_dma source(%dma_start3A_1252 : memref<1000000x128xf32, #tpu.memory_space<hbm>>) target(%dma_start3A_1248 : memref<64x128xf32, #tpu.memory_space<vmem>>) offsets(%dma_start3A_1249 : memref<64xi32, #tpu.memory_space<vmem>>) semaphore(%dma_start3A_1254 : memref<!tpu.dma_semaphore, #tpu.memory_space<semaphore_mem>>)
      %dma_wait3A_1255 = arith.constant 8 : i32
      %dma_wait3A_1256 = arith.constant 8 : i32
      %dma_wait3A_1257 = arith.constant 0 : i32
      %dma_wait3A_1258 = arith.constant 0 : i32
      %dma_wait3A_1259 = tpu.memref_slice %arg6[%dma_wait3A_1255, %dma_wait3A_1257, %dma_wait3A_1258] : memref<10x64x128xf32, #tpu.memory_space<vmem>> -> memref<1x64x128xf32, #tpu.memory_space<vmem>>
      %dma_wait3A_1260 = tpu.memref_squeeze %dma_wait3A_1259 : memref<1x64x128xf32, #tpu.memory_space<vmem>> -> memref<64x128xf32, #tpu.memory_space<vmem>>
      %dma_wait3A_1261 = arith.constant 0 : i32
      %dma_wait3A_1262 = tpu.memref_slice %arg4[%mul3A_2, %dma_wait3A_1261] : memref<819200x128xf32, #tpu.memory_space<hbm>> -> memref<64x128xf32, #tpu.memory_space<hbm>>
      %dma_wait3A_1263 = tpu.memref_slice %arg8[%dma_wait3A_1256] : memref<10x!tpu.dma_semaphore, #tpu.memory_space<semaphore_mem>> -> memref<1x!tpu.dma_semaphore, #tpu.memory_space<semaphore_mem>>
      %dma_wait3A_1264 = tpu.memref_squeeze %dma_wait3A_1263 : memref<1x!tpu.dma_semaphore, #tpu.memory_space<semaphore_mem>> -> memref<!tpu.dma_semaphore, #tpu.memory_space<semaphore_mem>>
      %dma_wait3A_1265 = arith.constant 0 : i32
      %dma_wait3A_1266 = tpu.memref_slice %arg4[%mul3A_2, %dma_wait3A_1265] : memref<819200x128xf32, #tpu.memory_space<hbm>> -> memref<64x128xf32, #tpu.memory_space<hbm>>
      %dma_wait3A_1267 = arith.constant 0 : i32
      %dma_wait3A_1268 = arith.constant 0 : i32
      %dma_wait3A_1269 = tpu.memref_slice %arg6[%dma_wait3A_1255, %dma_wait3A_1267, %dma_wait3A_1268] : memref<10x64x128xf32, #tpu.memory_space<vmem>> -> memref<1x64x128xf32, #tpu.memory_space<vmem>>
      %dma_wait3A_1270 = tpu.memref_squeeze %dma_wait3A_1269 : memref<1x64x128xf32, #tpu.memory_space<vmem>> -> memref<64x128xf32, #tpu.memory_space<vmem>>
      tpu.wait_dma2 semaphore(%dma_wait3A_1264 : memref<!tpu.dma_semaphore, #tpu.memory_space<semaphore_mem>>) src(%dma_wait3A_1270 : memref<64x128xf32, #tpu.memory_space<vmem>>) dst(%dma_wait3A_1266 : memref<64x128xf32, #tpu.memory_space<hbm>>)
      %add3A_1271 = arith.constant 1 : i32
      %add3A_1272 = arith.addi %scan3A_606, %add3A_1271 : i32
      %mul3A_1273 = arith.constant 10 : i32
      %mul3A_1274 = arith.muli %add3A_1272, %mul3A_1273 : i32
      %add3A_1275 = arith.constant 8 : i32
      %add3A_1276 = arith.addi %mul3A_1274, %add3A_1275 : i32
      %mul3A_1277 = arith.constant 64 : i32
      %mul3A_1278 = arith.muli %add3A_1276, %mul3A_1277 : i32
      %dma_start3A_1279 = arith.constant 8 : i32
      %dma_start3A_1280 = arith.constant 8 : i32
      %dma_start3A_1281 = arith.constant 0 : i32
      %dma_start3A_1282 = arith.constant 0 : i32
      %dma_start3A_1283 = tpu.memref_slice %arg6[%dma_start3A_1279, %dma_start3A_1281, %dma_start3A_1282] : memref<10x64x128xf32, #tpu.memory_space<vmem>> -> memref<1x64x128xf32, #tpu.memory_space<vmem>>
      %dma_start3A_1284 = tpu.memref_squeeze %dma_start3A_1283 : memref<1x64x128xf32, #tpu.memory_space<vmem>> -> memref<64x128xf32, #tpu.memory_space<vmem>>
      %dma_start3A_1285 = tpu.memref_slice %arg5[%mul3A_1278] : memref<25600xi32, #tpu.memory_space<vmem>> -> memref<64xi32, #tpu.memory_space<vmem>>
      %dma_start3A_1286 = arith.constant 0 : i32
      %dma_start3A_1287 = arith.constant 0 : i32
      %dma_start3A_1288 = tpu.memref_slice %arg2[%dma_start3A_1286, %dma_start3A_1287] : memref<1000000x128xf32, #tpu.memory_space<hbm>> -> memref<1000000x128xf32, #tpu.memory_space<hbm>>
      %dma_start3A_1289 = tpu.memref_slice %arg7[%dma_start3A_1280] : memref<10x!tpu.dma_semaphore, #tpu.memory_space<semaphore_mem>> -> memref<1x!tpu.dma_semaphore, #tpu.memory_space<semaphore_mem>>
      %dma_start3A_1290 = tpu.memref_squeeze %dma_start3A_1289 : memref<1x!tpu.dma_semaphore, #tpu.memory_space<semaphore_mem>> -> memref<!tpu.dma_semaphore, #tpu.memory_space<semaphore_mem>>
      tpu.enqueue_indirect_dma source(%dma_start3A_1288 : memref<1000000x128xf32, #tpu.memory_space<hbm>>) target(%dma_start3A_1284 : memref<64x128xf32, #tpu.memory_space<vmem>>) offsets(%dma_start3A_1285 : memref<64xi32, #tpu.memory_space<vmem>>) semaphore(%dma_start3A_1290 : memref<!tpu.dma_semaphore, #tpu.memory_space<semaphore_mem>>)
      %dma_wait3A_1291 = arith.constant 9 : i32
      %dma_wait3A_1292 = arith.constant 9 : i32
      %dma_wait3A_1293 = arith.constant 0 : i32
      %dma_wait3A_1294 = arith.constant 0 : i32
      %dma_wait3A_1295 = tpu.memref_slice %arg6[%dma_wait3A_1291, %dma_wait3A_1293, %dma_wait3A_1294] : memref<10x64x128xf32, #tpu.memory_space<vmem>> -> memref<1x64x128xf32, #tpu.memory_space<vmem>>
      %dma_wait3A_1296 = tpu.memref_squeeze %dma_wait3A_1295 : memref<1x64x128xf32, #tpu.memory_space<vmem>> -> memref<64x128xf32, #tpu.memory_space<vmem>>
      %dma_wait3A_1297 = arith.constant 0 : i32
      %dma_wait3A_1298 = tpu.memref_slice %arg4[%mul3A_2, %dma_wait3A_1297] : memref<819200x128xf32, #tpu.memory_space<hbm>> -> memref<64x128xf32, #tpu.memory_space<hbm>>
      %dma_wait3A_1299 = tpu.memref_slice %arg8[%dma_wait3A_1292] : memref<10x!tpu.dma_semaphore, #tpu.memory_space<semaphore_mem>> -> memref<1x!tpu.dma_semaphore, #tpu.memory_space<semaphore_mem>>
      %dma_wait3A_1300 = tpu.memref_squeeze %dma_wait3A_1299 : memref<1x!tpu.dma_semaphore, #tpu.memory_space<semaphore_mem>> -> memref<!tpu.dma_semaphore, #tpu.memory_space<semaphore_mem>>
      %dma_wait3A_1301 = arith.constant 0 : i32
      %dma_wait3A_1302 = tpu.memref_slice %arg4[%mul3A_2, %dma_wait3A_1301] : memref<819200x128xf32, #tpu.memory_space<hbm>> -> memref<64x128xf32, #tpu.memory_space<hbm>>
      %dma_wait3A_1303 = arith.constant 0 : i32
      %dma_wait3A_1304 = arith.constant 0 : i32
      %dma_wait3A_1305 = tpu.memref_slice %arg6[%dma_wait3A_1291, %dma_wait3A_1303, %dma_wait3A_1304] : memref<10x64x128xf32, #tpu.memory_space<vmem>> -> memref<1x64x128xf32, #tpu.memory_space<vmem>>
      %dma_wait3A_1306 = tpu.memref_squeeze %dma_wait3A_1305 : memref<1x64x128xf32, #tpu.memory_space<vmem>> -> memref<64x128xf32, #tpu.memory_space<vmem>>
      tpu.wait_dma2 semaphore(%dma_wait3A_1300 : memref<!tpu.dma_semaphore, #tpu.memory_space<semaphore_mem>>) src(%dma_wait3A_1306 : memref<64x128xf32, #tpu.memory_space<vmem>>) dst(%dma_wait3A_1302 : memref<64x128xf32, #tpu.memory_space<hbm>>)
      %add3A_1307 = arith.constant 1 : i32
      %add3A_1308 = arith.addi %scan3A_606, %add3A_1307 : i32
      %mul3A_1309 = arith.constant 10 : i32
      %mul3A_1310 = arith.muli %add3A_1308, %mul3A_1309 : i32
      %add3A_1311 = arith.constant 9 : i32
      %add3A_1312 = arith.addi %mul3A_1310, %add3A_1311 : i32
      %mul3A_1313 = arith.constant 64 : i32
      %mul3A_1314 = arith.muli %add3A_1312, %mul3A_1313 : i32
      %dma_start3A_1315 = arith.constant 9 : i32
      %dma_start3A_1316 = arith.constant 9 : i32
      %dma_start3A_1317 = arith.constant 0 : i32
      %dma_start3A_1318 = arith.constant 0 : i32
      %dma_start3A_1319 = tpu.memref_slice %arg6[%dma_start3A_1315, %dma_start3A_1317, %dma_start3A_1318] : memref<10x64x128xf32, #tpu.memory_space<vmem>> -> memref<1x64x128xf32, #tpu.memory_space<vmem>>
      %dma_start3A_1320 = tpu.memref_squeeze %dma_start3A_1319 : memref<1x64x128xf32, #tpu.memory_space<vmem>> -> memref<64x128xf32, #tpu.memory_space<vmem>>
      %dma_start3A_1321 = tpu.memref_slice %arg5[%mul3A_1314] : memref<25600xi32, #tpu.memory_space<vmem>> -> memref<64xi32, #tpu.memory_space<vmem>>
      %dma_start3A_1322 = arith.constant 0 : i32
      %dma_start3A_1323 = arith.constant 0 : i32
      %dma_start3A_1324 = tpu.memref_slice %arg2[%dma_start3A_1322, %dma_start3A_1323] : memref<1000000x128xf32, #tpu.memory_space<hbm>> -> memref<1000000x128xf32, #tpu.memory_space<hbm>>
      %dma_start3A_1325 = tpu.memref_slice %arg7[%dma_start3A_1316] : memref<10x!tpu.dma_semaphore, #tpu.memory_space<semaphore_mem>> -> memref<1x!tpu.dma_semaphore, #tpu.memory_space<semaphore_mem>>
      %dma_start3A_1326 = tpu.memref_squeeze %dma_start3A_1325 : memref<1x!tpu.dma_semaphore, #tpu.memory_space<semaphore_mem>> -> memref<!tpu.dma_semaphore, #tpu.memory_space<semaphore_mem>>
      tpu.enqueue_indirect_dma source(%dma_start3A_1324 : memref<1000000x128xf32, #tpu.memory_space<hbm>>) target(%dma_start3A_1320 : memref<64x128xf32, #tpu.memory_space<vmem>>) offsets(%dma_start3A_1321 : memref<64xi32, #tpu.memory_space<vmem>>) semaphore(%dma_start3A_1326 : memref<!tpu.dma_semaphore, #tpu.memory_space<semaphore_mem>>)
    }
    %scan3A_136 = arith.constant 39 : i32
    %dma_wait3A = arith.constant 0 : i32
    %dma_wait3A_137 = arith.constant 0 : i32
    %dma_wait3A_138 = arith.constant 0 : i32
    %dma_wait3A_139 = arith.constant 0 : i32
    %dma_wait3A_140 = tpu.memref_slice %arg6[%dma_wait3A, %dma_wait3A_138, %dma_wait3A_139] : memref<10x64x128xf32, #tpu.memory_space<vmem>> -> memref<1x64x128xf32, #tpu.memory_space<vmem>>
    %dma_wait3A_141 = tpu.memref_squeeze %dma_wait3A_140 : memref<1x64x128xf32, #tpu.memory_space<vmem>> -> memref<64x128xf32, #tpu.memory_space<vmem>>
    %dma_wait3A_142 = arith.constant 0 : i32
    %dma_wait3A_143 = tpu.memref_slice %arg5[%dma_wait3A_142] : memref<25600xi32, #tpu.memory_space<vmem>> -> memref<64xi32, #tpu.memory_space<vmem>>
    %dma_wait3A_144 = arith.constant 0 : i32
    %dma_wait3A_145 = arith.constant 0 : i32
    %dma_wait3A_146 = tpu.memref_slice %arg2[%dma_wait3A_144, %dma_wait3A_145] : memref<1000000x128xf32, #tpu.memory_space<hbm>> -> memref<1000000x128xf32, #tpu.memory_space<hbm>>
    %dma_wait3A_147 = tpu.memref_slice %arg7[%dma_wait3A_137] : memref<10x!tpu.dma_semaphore, #tpu.memory_space<semaphore_mem>> -> memref<1x!tpu.dma_semaphore, #tpu.memory_space<semaphore_mem>>
    %dma_wait3A_148 = tpu.memref_squeeze %dma_wait3A_147 : memref<1x!tpu.dma_semaphore, #tpu.memory_space<semaphore_mem>> -> memref<!tpu.dma_semaphore, #tpu.memory_space<semaphore_mem>>
    tpu.wait_indirect_dma semaphore(%dma_wait3A_148 : memref<!tpu.dma_semaphore, #tpu.memory_space<semaphore_mem>>) src(%dma_wait3A_146 : memref<1000000x128xf32, #tpu.memory_space<hbm>>) dst(%dma_wait3A_141 : memref<64x128xf32, #tpu.memory_space<vmem>>)
    %add3A_149 = arith.constant 24960 : i32
    %add3A_150 = arith.addi %mul3A_2, %add3A_149 : i32
    %dma_start3A_151 = arith.constant 0 : i32
    %dma_start3A_152 = arith.constant 0 : i32
    %dma_start3A_153 = arith.constant 0 : i32
    %dma_start3A_154 = arith.constant 0 : i32
    %dma_start3A_155 = tpu.memref_slice %arg6[%dma_start3A_151, %dma_start3A_153, %dma_start3A_154] : memref<10x64x128xf32, #tpu.memory_space<vmem>> -> memref<1x64x128xf32, #tpu.memory_space<vmem>>
    %dma_start3A_156 = tpu.memref_squeeze %dma_start3A_155 : memref<1x64x128xf32, #tpu.memory_space<vmem>> -> memref<64x128xf32, #tpu.memory_space<vmem>>
    %dma_start3A_157 = arith.constant 0 : i32
    %dma_start3A_158 = tpu.memref_slice %arg4[%add3A_150, %dma_start3A_157] : memref<819200x128xf32, #tpu.memory_space<hbm>> -> memref<64x128xf32, #tpu.memory_space<hbm>>
    %dma_start3A_159 = tpu.memref_slice %arg8[%dma_start3A_152] : memref<10x!tpu.dma_semaphore, #tpu.memory_space<semaphore_mem>> -> memref<1x!tpu.dma_semaphore, #tpu.memory_space<semaphore_mem>>
    %dma_start3A_160 = tpu.memref_squeeze %dma_start3A_159 : memref<1x!tpu.dma_semaphore, #tpu.memory_space<semaphore_mem>> -> memref<!tpu.dma_semaphore, #tpu.memory_space<semaphore_mem>>
    %dma_start3A_161 = arith.constant 0 : i32
    %dma_start3A_162 = tpu.memref_slice %arg4[%add3A_150, %dma_start3A_161] : memref<819200x128xf32, #tpu.memory_space<hbm>> -> memref<64x128xf32, #tpu.memory_space<hbm>>
    %dma_start3A_163 = arith.constant 0 : i32
    %dma_start3A_164 = arith.constant 0 : i32
    %dma_start3A_165 = tpu.memref_slice %arg6[%dma_start3A_151, %dma_start3A_163, %dma_start3A_164] : memref<10x64x128xf32, #tpu.memory_space<vmem>> -> memref<1x64x128xf32, #tpu.memory_space<vmem>>
    %dma_start3A_166 = tpu.memref_squeeze %dma_start3A_165 : memref<1x64x128xf32, #tpu.memory_space<vmem>> -> memref<64x128xf32, #tpu.memory_space<vmem>>
    tpu.enqueue_dma source(%dma_start3A_166 : memref<64x128xf32, #tpu.memory_space<vmem>>) target(%dma_start3A_162 : memref<64x128xf32, #tpu.memory_space<hbm>>) target_semaphore(%dma_start3A_160 : memref<!tpu.dma_semaphore, #tpu.memory_space<semaphore_mem>>)
    %dma_wait3A_167 = arith.constant 1 : i32
    %dma_wait3A_168 = arith.constant 1 : i32
    %dma_wait3A_169 = arith.constant 0 : i32
    %dma_wait3A_170 = arith.constant 0 : i32
    %dma_wait3A_171 = tpu.memref_slice %arg6[%dma_wait3A_167, %dma_wait3A_169, %dma_wait3A_170] : memref<10x64x128xf32, #tpu.memory_space<vmem>> -> memref<1x64x128xf32, #tpu.memory_space<vmem>>
    %dma_wait3A_172 = tpu.memref_squeeze %dma_wait3A_171 : memref<1x64x128xf32, #tpu.memory_space<vmem>> -> memref<64x128xf32, #tpu.memory_space<vmem>>
    %dma_wait3A_173 = arith.constant 0 : i32
    %dma_wait3A_174 = tpu.memref_slice %arg5[%dma_wait3A_173] : memref<25600xi32, #tpu.memory_space<vmem>> -> memref<64xi32, #tpu.memory_space<vmem>>
    %dma_wait3A_175 = arith.constant 0 : i32
    %dma_wait3A_176 = arith.constant 0 : i32
    %dma_wait3A_177 = tpu.memref_slice %arg2[%dma_wait3A_175, %dma_wait3A_176] : memref<1000000x128xf32, #tpu.memory_space<hbm>> -> memref<1000000x128xf32, #tpu.memory_space<hbm>>
    %dma_wait3A_178 = tpu.memref_slice %arg7[%dma_wait3A_168] : memref<10x!tpu.dma_semaphore, #tpu.memory_space<semaphore_mem>> -> memref<1x!tpu.dma_semaphore, #tpu.memory_space<semaphore_mem>>
    %dma_wait3A_179 = tpu.memref_squeeze %dma_wait3A_178 : memref<1x!tpu.dma_semaphore, #tpu.memory_space<semaphore_mem>> -> memref<!tpu.dma_semaphore, #tpu.memory_space<semaphore_mem>>
    tpu.wait_indirect_dma semaphore(%dma_wait3A_179 : memref<!tpu.dma_semaphore, #tpu.memory_space<semaphore_mem>>) src(%dma_wait3A_177 : memref<1000000x128xf32, #tpu.memory_space<hbm>>) dst(%dma_wait3A_172 : memref<64x128xf32, #tpu.memory_space<vmem>>)
    %add3A_180 = arith.constant 25024 : i32
    %add3A_181 = arith.addi %mul3A_2, %add3A_180 : i32
    %dma_start3A_182 = arith.constant 1 : i32
    %dma_start3A_183 = arith.constant 1 : i32
    %dma_start3A_184 = arith.constant 0 : i32
    %dma_start3A_185 = arith.constant 0 : i32
    %dma_start3A_186 = tpu.memref_slice %arg6[%dma_start3A_182, %dma_start3A_184, %dma_start3A_185] : memref<10x64x128xf32, #tpu.memory_space<vmem>> -> memref<1x64x128xf32, #tpu.memory_space<vmem>>
    %dma_start3A_187 = tpu.memref_squeeze %dma_start3A_186 : memref<1x64x128xf32, #tpu.memory_space<vmem>> -> memref<64x128xf32, #tpu.memory_space<vmem>>
    %dma_start3A_188 = arith.constant 0 : i32
    %dma_start3A_189 = tpu.memref_slice %arg4[%add3A_181, %dma_start3A_188] : memref<819200x128xf32, #tpu.memory_space<hbm>> -> memref<64x128xf32, #tpu.memory_space<hbm>>
    %dma_start3A_190 = tpu.memref_slice %arg8[%dma_start3A_183] : memref<10x!tpu.dma_semaphore, #tpu.memory_space<semaphore_mem>> -> memref<1x!tpu.dma_semaphore, #tpu.memory_space<semaphore_mem>>
    %dma_start3A_191 = tpu.memref_squeeze %dma_start3A_190 : memref<1x!tpu.dma_semaphore, #tpu.memory_space<semaphore_mem>> -> memref<!tpu.dma_semaphore, #tpu.memory_space<semaphore_mem>>
    %dma_start3A_192 = arith.constant 0 : i32
    %dma_start3A_193 = tpu.memref_slice %arg4[%add3A_181, %dma_start3A_192] : memref<819200x128xf32, #tpu.memory_space<hbm>> -> memref<64x128xf32, #tpu.memory_space<hbm>>
    %dma_start3A_194 = arith.constant 0 : i32
    %dma_start3A_195 = arith.constant 0 : i32
    %dma_start3A_196 = tpu.memref_slice %arg6[%dma_start3A_182, %dma_start3A_194, %dma_start3A_195] : memref<10x64x128xf32, #tpu.memory_space<vmem>> -> memref<1x64x128xf32, #tpu.memory_space<vmem>>
    %dma_start3A_197 = tpu.memref_squeeze %dma_start3A_196 : memref<1x64x128xf32, #tpu.memory_space<vmem>> -> memref<64x128xf32, #tpu.memory_space<vmem>>
    tpu.enqueue_dma source(%dma_start3A_197 : memref<64x128xf32, #tpu.memory_space<vmem>>) target(%dma_start3A_193 : memref<64x128xf32, #tpu.memory_space<hbm>>) target_semaphore(%dma_start3A_191 : memref<!tpu.dma_semaphore, #tpu.memory_space<semaphore_mem>>)
    %dma_wait3A_198 = arith.constant 2 : i32
    %dma_wait3A_199 = arith.constant 2 : i32
    %dma_wait3A_200 = arith.constant 0 : i32
    %dma_wait3A_201 = arith.constant 0 : i32
    %dma_wait3A_202 = tpu.memref_slice %arg6[%dma_wait3A_198, %dma_wait3A_200, %dma_wait3A_201] : memref<10x64x128xf32, #tpu.memory_space<vmem>> -> memref<1x64x128xf32, #tpu.memory_space<vmem>>
    %dma_wait3A_203 = tpu.memref_squeeze %dma_wait3A_202 : memref<1x64x128xf32, #tpu.memory_space<vmem>> -> memref<64x128xf32, #tpu.memory_space<vmem>>
    %dma_wait3A_204 = arith.constant 0 : i32
    %dma_wait3A_205 = tpu.memref_slice %arg5[%dma_wait3A_204] : memref<25600xi32, #tpu.memory_space<vmem>> -> memref<64xi32, #tpu.memory_space<vmem>>
    %dma_wait3A_206 = arith.constant 0 : i32
    %dma_wait3A_207 = arith.constant 0 : i32
    %dma_wait3A_208 = tpu.memref_slice %arg2[%dma_wait3A_206, %dma_wait3A_207] : memref<1000000x128xf32, #tpu.memory_space<hbm>> -> memref<1000000x128xf32, #tpu.memory_space<hbm>>
    %dma_wait3A_209 = tpu.memref_slice %arg7[%dma_wait3A_199] : memref<10x!tpu.dma_semaphore, #tpu.memory_space<semaphore_mem>> -> memref<1x!tpu.dma_semaphore, #tpu.memory_space<semaphore_mem>>
    %dma_wait3A_210 = tpu.memref_squeeze %dma_wait3A_209 : memref<1x!tpu.dma_semaphore, #tpu.memory_space<semaphore_mem>> -> memref<!tpu.dma_semaphore, #tpu.memory_space<semaphore_mem>>
    tpu.wait_indirect_dma semaphore(%dma_wait3A_210 : memref<!tpu.dma_semaphore, #tpu.memory_space<semaphore_mem>>) src(%dma_wait3A_208 : memref<1000000x128xf32, #tpu.memory_space<hbm>>) dst(%dma_wait3A_203 : memref<64x128xf32, #tpu.memory_space<vmem>>)
    %add3A_211 = arith.constant 25088 : i32
    %add3A_212 = arith.addi %mul3A_2, %add3A_211 : i32
    %dma_start3A_213 = arith.constant 2 : i32
    %dma_start3A_214 = arith.constant 2 : i32
    %dma_start3A_215 = arith.constant 0 : i32
    %dma_start3A_216 = arith.constant 0 : i32
    %dma_start3A_217 = tpu.memref_slice %arg6[%dma_start3A_213, %dma_start3A_215, %dma_start3A_216] : memref<10x64x128xf32, #tpu.memory_space<vmem>> -> memref<1x64x128xf32, #tpu.memory_space<vmem>>
    %dma_start3A_218 = tpu.memref_squeeze %dma_start3A_217 : memref<1x64x128xf32, #tpu.memory_space<vmem>> -> memref<64x128xf32, #tpu.memory_space<vmem>>
    %dma_start3A_219 = arith.constant 0 : i32
    %dma_start3A_220 = tpu.memref_slice %arg4[%add3A_212, %dma_start3A_219] : memref<819200x128xf32, #tpu.memory_space<hbm>> -> memref<64x128xf32, #tpu.memory_space<hbm>>
    %dma_start3A_221 = tpu.memref_slice %arg8[%dma_start3A_214] : memref<10x!tpu.dma_semaphore, #tpu.memory_space<semaphore_mem>> -> memref<1x!tpu.dma_semaphore, #tpu.memory_space<semaphore_mem>>
    %dma_start3A_222 = tpu.memref_squeeze %dma_start3A_221 : memref<1x!tpu.dma_semaphore, #tpu.memory_space<semaphore_mem>> -> memref<!tpu.dma_semaphore, #tpu.memory_space<semaphore_mem>>
    %dma_start3A_223 = arith.constant 0 : i32
    %dma_start3A_224 = tpu.memref_slice %arg4[%add3A_212, %dma_start3A_223] : memref<819200x128xf32, #tpu.memory_space<hbm>> -> memref<64x128xf32, #tpu.memory_space<hbm>>
    %dma_start3A_225 = arith.constant 0 : i32
    %dma_start3A_226 = arith.constant 0 : i32
    %dma_start3A_227 = tpu.memref_slice %arg6[%dma_start3A_213, %dma_start3A_225, %dma_start3A_226] : memref<10x64x128xf32, #tpu.memory_space<vmem>> -> memref<1x64x128xf32, #tpu.memory_space<vmem>>
    %dma_start3A_228 = tpu.memref_squeeze %dma_start3A_227 : memref<1x64x128xf32, #tpu.memory_space<vmem>> -> memref<64x128xf32, #tpu.memory_space<vmem>>
    tpu.enqueue_dma source(%dma_start3A_228 : memref<64x128xf32, #tpu.memory_space<vmem>>) target(%dma_start3A_224 : memref<64x128xf32, #tpu.memory_space<hbm>>) target_semaphore(%dma_start3A_222 : memref<!tpu.dma_semaphore, #tpu.memory_space<semaphore_mem>>)
    %dma_wait3A_229 = arith.constant 3 : i32
    %dma_wait3A_230 = arith.constant 3 : i32
    %dma_wait3A_231 = arith.constant 0 : i32
    %dma_wait3A_232 = arith.constant 0 : i32
    %dma_wait3A_233 = tpu.memref_slice %arg6[%dma_wait3A_229, %dma_wait3A_231, %dma_wait3A_232] : memref<10x64x128xf32, #tpu.memory_space<vmem>> -> memref<1x64x128xf32, #tpu.memory_space<vmem>>
    %dma_wait3A_234 = tpu.memref_squeeze %dma_wait3A_233 : memref<1x64x128xf32, #tpu.memory_space<vmem>> -> memref<64x128xf32, #tpu.memory_space<vmem>>
    %dma_wait3A_235 = arith.constant 0 : i32
    %dma_wait3A_236 = tpu.memref_slice %arg5[%dma_wait3A_235] : memref<25600xi32, #tpu.memory_space<vmem>> -> memref<64xi32, #tpu.memory_space<vmem>>
    %dma_wait3A_237 = arith.constant 0 : i32
    %dma_wait3A_238 = arith.constant 0 : i32
    %dma_wait3A_239 = tpu.memref_slice %arg2[%dma_wait3A_237, %dma_wait3A_238] : memref<1000000x128xf32, #tpu.memory_space<hbm>> -> memref<1000000x128xf32, #tpu.memory_space<hbm>>
    %dma_wait3A_240 = tpu.memref_slice %arg7[%dma_wait3A_230] : memref<10x!tpu.dma_semaphore, #tpu.memory_space<semaphore_mem>> -> memref<1x!tpu.dma_semaphore, #tpu.memory_space<semaphore_mem>>
    %dma_wait3A_241 = tpu.memref_squeeze %dma_wait3A_240 : memref<1x!tpu.dma_semaphore, #tpu.memory_space<semaphore_mem>> -> memref<!tpu.dma_semaphore, #tpu.memory_space<semaphore_mem>>
    tpu.wait_indirect_dma semaphore(%dma_wait3A_241 : memref<!tpu.dma_semaphore, #tpu.memory_space<semaphore_mem>>) src(%dma_wait3A_239 : memref<1000000x128xf32, #tpu.memory_space<hbm>>) dst(%dma_wait3A_234 : memref<64x128xf32, #tpu.memory_space<vmem>>)
    %add3A_242 = arith.constant 25152 : i32
    %add3A_243 = arith.addi %mul3A_2, %add3A_242 : i32
    %dma_start3A_244 = arith.constant 3 : i32
    %dma_start3A_245 = arith.constant 3 : i32
    %dma_start3A_246 = arith.constant 0 : i32
    %dma_start3A_247 = arith.constant 0 : i32
    %dma_start3A_248 = tpu.memref_slice %arg6[%dma_start3A_244, %dma_start3A_246, %dma_start3A_247] : memref<10x64x128xf32, #tpu.memory_space<vmem>> -> memref<1x64x128xf32, #tpu.memory_space<vmem>>
    %dma_start3A_249 = tpu.memref_squeeze %dma_start3A_248 : memref<1x64x128xf32, #tpu.memory_space<vmem>> -> memref<64x128xf32, #tpu.memory_space<vmem>>
    %dma_start3A_250 = arith.constant 0 : i32
    %dma_start3A_251 = tpu.memref_slice %arg4[%add3A_243, %dma_start3A_250] : memref<819200x128xf32, #tpu.memory_space<hbm>> -> memref<64x128xf32, #tpu.memory_space<hbm>>
    %dma_start3A_252 = tpu.memref_slice %arg8[%dma_start3A_245] : memref<10x!tpu.dma_semaphore, #tpu.memory_space<semaphore_mem>> -> memref<1x!tpu.dma_semaphore, #tpu.memory_space<semaphore_mem>>
    %dma_start3A_253 = tpu.memref_squeeze %dma_start3A_252 : memref<1x!tpu.dma_semaphore, #tpu.memory_space<semaphore_mem>> -> memref<!tpu.dma_semaphore, #tpu.memory_space<semaphore_mem>>
    %dma_start3A_254 = arith.constant 0 : i32
    %dma_start3A_255 = tpu.memref_slice %arg4[%add3A_243, %dma_start3A_254] : memref<819200x128xf32, #tpu.memory_space<hbm>> -> memref<64x128xf32, #tpu.memory_space<hbm>>
    %dma_start3A_256 = arith.constant 0 : i32
    %dma_start3A_257 = arith.constant 0 : i32
    %dma_start3A_258 = tpu.memref_slice %arg6[%dma_start3A_244, %dma_start3A_256, %dma_start3A_257] : memref<10x64x128xf32, #tpu.memory_space<vmem>> -> memref<1x64x128xf32, #tpu.memory_space<vmem>>
    %dma_start3A_259 = tpu.memref_squeeze %dma_start3A_258 : memref<1x64x128xf32, #tpu.memory_space<vmem>> -> memref<64x128xf32, #tpu.memory_space<vmem>>
    tpu.enqueue_dma source(%dma_start3A_259 : memref<64x128xf32, #tpu.memory_space<vmem>>) target(%dma_start3A_255 : memref<64x128xf32, #tpu.memory_space<hbm>>) target_semaphore(%dma_start3A_253 : memref<!tpu.dma_semaphore, #tpu.memory_space<semaphore_mem>>)
    %dma_wait3A_260 = arith.constant 4 : i32
    %dma_wait3A_261 = arith.constant 4 : i32
    %dma_wait3A_262 = arith.constant 0 : i32
    %dma_wait3A_263 = arith.constant 0 : i32
    %dma_wait3A_264 = tpu.memref_slice %arg6[%dma_wait3A_260, %dma_wait3A_262, %dma_wait3A_263] : memref<10x64x128xf32, #tpu.memory_space<vmem>> -> memref<1x64x128xf32, #tpu.memory_space<vmem>>
    %dma_wait3A_265 = tpu.memref_squeeze %dma_wait3A_264 : memref<1x64x128xf32, #tpu.memory_space<vmem>> -> memref<64x128xf32, #tpu.memory_space<vmem>>
    %dma_wait3A_266 = arith.constant 0 : i32
    %dma_wait3A_267 = tpu.memref_slice %arg5[%dma_wait3A_266] : memref<25600xi32, #tpu.memory_space<vmem>> -> memref<64xi32, #tpu.memory_space<vmem>>
    %dma_wait3A_268 = arith.constant 0 : i32
    %dma_wait3A_269 = arith.constant 0 : i32
    %dma_wait3A_270 = tpu.memref_slice %arg2[%dma_wait3A_268, %dma_wait3A_269] : memref<1000000x128xf32, #tpu.memory_space<hbm>> -> memref<1000000x128xf32, #tpu.memory_space<hbm>>
    %dma_wait3A_271 = tpu.memref_slice %arg7[%dma_wait3A_261] : memref<10x!tpu.dma_semaphore, #tpu.memory_space<semaphore_mem>> -> memref<1x!tpu.dma_semaphore, #tpu.memory_space<semaphore_mem>>
    %dma_wait3A_272 = tpu.memref_squeeze %dma_wait3A_271 : memref<1x!tpu.dma_semaphore, #tpu.memory_space<semaphore_mem>> -> memref<!tpu.dma_semaphore, #tpu.memory_space<semaphore_mem>>
    tpu.wait_indirect_dma semaphore(%dma_wait3A_272 : memref<!tpu.dma_semaphore, #tpu.memory_space<semaphore_mem>>) src(%dma_wait3A_270 : memref<1000000x128xf32, #tpu.memory_space<hbm>>) dst(%dma_wait3A_265 : memref<64x128xf32, #tpu.memory_space<vmem>>)
    %add3A_273 = arith.constant 25216 : i32
    %add3A_274 = arith.addi %mul3A_2, %add3A_273 : i32
    %dma_start3A_275 = arith.constant 4 : i32
    %dma_start3A_276 = arith.constant 4 : i32
    %dma_start3A_277 = arith.constant 0 : i32
    %dma_start3A_278 = arith.constant 0 : i32
    %dma_start3A_279 = tpu.memref_slice %arg6[%dma_start3A_275, %dma_start3A_277, %dma_start3A_278] : memref<10x64x128xf32, #tpu.memory_space<vmem>> -> memref<1x64x128xf32, #tpu.memory_space<vmem>>
    %dma_start3A_280 = tpu.memref_squeeze %dma_start3A_279 : memref<1x64x128xf32, #tpu.memory_space<vmem>> -> memref<64x128xf32, #tpu.memory_space<vmem>>
    %dma_start3A_281 = arith.constant 0 : i32
    %dma_start3A_282 = tpu.memref_slice %arg4[%add3A_274, %dma_start3A_281] : memref<819200x128xf32, #tpu.memory_space<hbm>> -> memref<64x128xf32, #tpu.memory_space<hbm>>
    %dma_start3A_283 = tpu.memref_slice %arg8[%dma_start3A_276] : memref<10x!tpu.dma_semaphore, #tpu.memory_space<semaphore_mem>> -> memref<1x!tpu.dma_semaphore, #tpu.memory_space<semaphore_mem>>
    %dma_start3A_284 = tpu.memref_squeeze %dma_start3A_283 : memref<1x!tpu.dma_semaphore, #tpu.memory_space<semaphore_mem>> -> memref<!tpu.dma_semaphore, #tpu.memory_space<semaphore_mem>>
    %dma_start3A_285 = arith.constant 0 : i32
    %dma_start3A_286 = tpu.memref_slice %arg4[%add3A_274, %dma_start3A_285] : memref<819200x128xf32, #tpu.memory_space<hbm>> -> memref<64x128xf32, #tpu.memory_space<hbm>>
    %dma_start3A_287 = arith.constant 0 : i32
    %dma_start3A_288 = arith.constant 0 : i32
    %dma_start3A_289 = tpu.memref_slice %arg6[%dma_start3A_275, %dma_start3A_287, %dma_start3A_288] : memref<10x64x128xf32, #tpu.memory_space<vmem>> -> memref<1x64x128xf32, #tpu.memory_space<vmem>>
    %dma_start3A_290 = tpu.memref_squeeze %dma_start3A_289 : memref<1x64x128xf32, #tpu.memory_space<vmem>> -> memref<64x128xf32, #tpu.memory_space<vmem>>
    tpu.enqueue_dma source(%dma_start3A_290 : memref<64x128xf32, #tpu.memory_space<vmem>>) target(%dma_start3A_286 : memref<64x128xf32, #tpu.memory_space<hbm>>) target_semaphore(%dma_start3A_284 : memref<!tpu.dma_semaphore, #tpu.memory_space<semaphore_mem>>)
    %dma_wait3A_291 = arith.constant 5 : i32
    %dma_wait3A_292 = arith.constant 5 : i32
    %dma_wait3A_293 = arith.constant 0 : i32
    %dma_wait3A_294 = arith.constant 0 : i32
    %dma_wait3A_295 = tpu.memref_slice %arg6[%dma_wait3A_291, %dma_wait3A_293, %dma_wait3A_294] : memref<10x64x128xf32, #tpu.memory_space<vmem>> -> memref<1x64x128xf32, #tpu.memory_space<vmem>>
    %dma_wait3A_296 = tpu.memref_squeeze %dma_wait3A_295 : memref<1x64x128xf32, #tpu.memory_space<vmem>> -> memref<64x128xf32, #tpu.memory_space<vmem>>
    %dma_wait3A_297 = arith.constant 0 : i32
    %dma_wait3A_298 = tpu.memref_slice %arg5[%dma_wait3A_297] : memref<25600xi32, #tpu.memory_space<vmem>> -> memref<64xi32, #tpu.memory_space<vmem>>
    %dma_wait3A_299 = arith.constant 0 : i32
    %dma_wait3A_300 = arith.constant 0 : i32
    %dma_wait3A_301 = tpu.memref_slice %arg2[%dma_wait3A_299, %dma_wait3A_300] : memref<1000000x128xf32, #tpu.memory_space<hbm>> -> memref<1000000x128xf32, #tpu.memory_space<hbm>>
    %dma_wait3A_302 = tpu.memref_slice %arg7[%dma_wait3A_292] : memref<10x!tpu.dma_semaphore, #tpu.memory_space<semaphore_mem>> -> memref<1x!tpu.dma_semaphore, #tpu.memory_space<semaphore_mem>>
    %dma_wait3A_303 = tpu.memref_squeeze %dma_wait3A_302 : memref<1x!tpu.dma_semaphore, #tpu.memory_space<semaphore_mem>> -> memref<!tpu.dma_semaphore, #tpu.memory_space<semaphore_mem>>
    tpu.wait_indirect_dma semaphore(%dma_wait3A_303 : memref<!tpu.dma_semaphore, #tpu.memory_space<semaphore_mem>>) src(%dma_wait3A_301 : memref<1000000x128xf32, #tpu.memory_space<hbm>>) dst(%dma_wait3A_296 : memref<64x128xf32, #tpu.memory_space<vmem>>)
    %add3A_304 = arith.constant 25280 : i32
    %add3A_305 = arith.addi %mul3A_2, %add3A_304 : i32
    %dma_start3A_306 = arith.constant 5 : i32
    %dma_start3A_307 = arith.constant 5 : i32
    %dma_start3A_308 = arith.constant 0 : i32
    %dma_start3A_309 = arith.constant 0 : i32
    %dma_start3A_310 = tpu.memref_slice %arg6[%dma_start3A_306, %dma_start3A_308, %dma_start3A_309] : memref<10x64x128xf32, #tpu.memory_space<vmem>> -> memref<1x64x128xf32, #tpu.memory_space<vmem>>
    %dma_start3A_311 = tpu.memref_squeeze %dma_start3A_310 : memref<1x64x128xf32, #tpu.memory_space<vmem>> -> memref<64x128xf32, #tpu.memory_space<vmem>>
    %dma_start3A_312 = arith.constant 0 : i32
    %dma_start3A_313 = tpu.memref_slice %arg4[%add3A_305, %dma_start3A_312] : memref<819200x128xf32, #tpu.memory_space<hbm>> -> memref<64x128xf32, #tpu.memory_space<hbm>>
    %dma_start3A_314 = tpu.memref_slice %arg8[%dma_start3A_307] : memref<10x!tpu.dma_semaphore, #tpu.memory_space<semaphore_mem>> -> memref<1x!tpu.dma_semaphore, #tpu.memory_space<semaphore_mem>>
    %dma_start3A_315 = tpu.memref_squeeze %dma_start3A_314 : memref<1x!tpu.dma_semaphore, #tpu.memory_space<semaphore_mem>> -> memref<!tpu.dma_semaphore, #tpu.memory_space<semaphore_mem>>
    %dma_start3A_316 = arith.constant 0 : i32
    %dma_start3A_317 = tpu.memref_slice %arg4[%add3A_305, %dma_start3A_316] : memref<819200x128xf32, #tpu.memory_space<hbm>> -> memref<64x128xf32, #tpu.memory_space<hbm>>
    %dma_start3A_318 = arith.constant 0 : i32
    %dma_start3A_319 = arith.constant 0 : i32
    %dma_start3A_320 = tpu.memref_slice %arg6[%dma_start3A_306, %dma_start3A_318, %dma_start3A_319] : memref<10x64x128xf32, #tpu.memory_space<vmem>> -> memref<1x64x128xf32, #tpu.memory_space<vmem>>
    %dma_start3A_321 = tpu.memref_squeeze %dma_start3A_320 : memref<1x64x128xf32, #tpu.memory_space<vmem>> -> memref<64x128xf32, #tpu.memory_space<vmem>>
    tpu.enqueue_dma source(%dma_start3A_321 : memref<64x128xf32, #tpu.memory_space<vmem>>) target(%dma_start3A_317 : memref<64x128xf32, #tpu.memory_space<hbm>>) target_semaphore(%dma_start3A_315 : memref<!tpu.dma_semaphore, #tpu.memory_space<semaphore_mem>>)
    %dma_wait3A_322 = arith.constant 6 : i32
    %dma_wait3A_323 = arith.constant 6 : i32
    %dma_wait3A_324 = arith.constant 0 : i32
    %dma_wait3A_325 = arith.constant 0 : i32
    %dma_wait3A_326 = tpu.memref_slice %arg6[%dma_wait3A_322, %dma_wait3A_324, %dma_wait3A_325] : memref<10x64x128xf32, #tpu.memory_space<vmem>> -> memref<1x64x128xf32, #tpu.memory_space<vmem>>
    %dma_wait3A_327 = tpu.memref_squeeze %dma_wait3A_326 : memref<1x64x128xf32, #tpu.memory_space<vmem>> -> memref<64x128xf32, #tpu.memory_space<vmem>>
    %dma_wait3A_328 = arith.constant 0 : i32
    %dma_wait3A_329 = tpu.memref_slice %arg5[%dma_wait3A_328] : memref<25600xi32, #tpu.memory_space<vmem>> -> memref<64xi32, #tpu.memory_space<vmem>>
    %dma_wait3A_330 = arith.constant 0 : i32
    %dma_wait3A_331 = arith.constant 0 : i32
    %dma_wait3A_332 = tpu.memref_slice %arg2[%dma_wait3A_330, %dma_wait3A_331] : memref<1000000x128xf32, #tpu.memory_space<hbm>> -> memref<1000000x128xf32, #tpu.memory_space<hbm>>
    %dma_wait3A_333 = tpu.memref_slice %arg7[%dma_wait3A_323] : memref<10x!tpu.dma_semaphore, #tpu.memory_space<semaphore_mem>> -> memref<1x!tpu.dma_semaphore, #tpu.memory_space<semaphore_mem>>
    %dma_wait3A_334 = tpu.memref_squeeze %dma_wait3A_333 : memref<1x!tpu.dma_semaphore, #tpu.memory_space<semaphore_mem>> -> memref<!tpu.dma_semaphore, #tpu.memory_space<semaphore_mem>>
    tpu.wait_indirect_dma semaphore(%dma_wait3A_334 : memref<!tpu.dma_semaphore, #tpu.memory_space<semaphore_mem>>) src(%dma_wait3A_332 : memref<1000000x128xf32, #tpu.memory_space<hbm>>) dst(%dma_wait3A_327 : memref<64x128xf32, #tpu.memory_space<vmem>>)
    %add3A_335 = arith.constant 25344 : i32
    %add3A_336 = arith.addi %mul3A_2, %add3A_335 : i32
    %dma_start3A_337 = arith.constant 6 : i32
    %dma_start3A_338 = arith.constant 6 : i32
    %dma_start3A_339 = arith.constant 0 : i32
    %dma_start3A_340 = arith.constant 0 : i32
    %dma_start3A_341 = tpu.memref_slice %arg6[%dma_start3A_337, %dma_start3A_339, %dma_start3A_340] : memref<10x64x128xf32, #tpu.memory_space<vmem>> -> memref<1x64x128xf32, #tpu.memory_space<vmem>>
    %dma_start3A_342 = tpu.memref_squeeze %dma_start3A_341 : memref<1x64x128xf32, #tpu.memory_space<vmem>> -> memref<64x128xf32, #tpu.memory_space<vmem>>
    %dma_start3A_343 = arith.constant 0 : i32
    %dma_start3A_344 = tpu.memref_slice %arg4[%add3A_336, %dma_start3A_343] : memref<819200x128xf32, #tpu.memory_space<hbm>> -> memref<64x128xf32, #tpu.memory_space<hbm>>
    %dma_start3A_345 = tpu.memref_slice %arg8[%dma_start3A_338] : memref<10x!tpu.dma_semaphore, #tpu.memory_space<semaphore_mem>> -> memref<1x!tpu.dma_semaphore, #tpu.memory_space<semaphore_mem>>
    %dma_start3A_346 = tpu.memref_squeeze %dma_start3A_345 : memref<1x!tpu.dma_semaphore, #tpu.memory_space<semaphore_mem>> -> memref<!tpu.dma_semaphore, #tpu.memory_space<semaphore_mem>>
    %dma_start3A_347 = arith.constant 0 : i32
    %dma_start3A_348 = tpu.memref_slice %arg4[%add3A_336, %dma_start3A_347] : memref<819200x128xf32, #tpu.memory_space<hbm>> -> memref<64x128xf32, #tpu.memory_space<hbm>>
    %dma_start3A_349 = arith.constant 0 : i32
    %dma_start3A_350 = arith.constant 0 : i32
    %dma_start3A_351 = tpu.memref_slice %arg6[%dma_start3A_337, %dma_start3A_349, %dma_start3A_350] : memref<10x64x128xf32, #tpu.memory_space<vmem>> -> memref<1x64x128xf32, #tpu.memory_space<vmem>>
    %dma_start3A_352 = tpu.memref_squeeze %dma_start3A_351 : memref<1x64x128xf32, #tpu.memory_space<vmem>> -> memref<64x128xf32, #tpu.memory_space<vmem>>
    tpu.enqueue_dma source(%dma_start3A_352 : memref<64x128xf32, #tpu.memory_space<vmem>>) target(%dma_start3A_348 : memref<64x128xf32, #tpu.memory_space<hbm>>) target_semaphore(%dma_start3A_346 : memref<!tpu.dma_semaphore, #tpu.memory_space<semaphore_mem>>)
    %dma_wait3A_353 = arith.constant 7 : i32
    %dma_wait3A_354 = arith.constant 7 : i32
    %dma_wait3A_355 = arith.constant 0 : i32
    %dma_wait3A_356 = arith.constant 0 : i32
    %dma_wait3A_357 = tpu.memref_slice %arg6[%dma_wait3A_353, %dma_wait3A_355, %dma_wait3A_356] : memref<10x64x128xf32, #tpu.memory_space<vmem>> -> memref<1x64x128xf32, #tpu.memory_space<vmem>>
    %dma_wait3A_358 = tpu.memref_squeeze %dma_wait3A_357 : memref<1x64x128xf32, #tpu.memory_space<vmem>> -> memref<64x128xf32, #tpu.memory_space<vmem>>
    %dma_wait3A_359 = arith.constant 0 : i32
    %dma_wait3A_360 = tpu.memref_slice %arg5[%dma_wait3A_359] : memref<25600xi32, #tpu.memory_space<vmem>> -> memref<64xi32, #tpu.memory_space<vmem>>
    %dma_wait3A_361 = arith.constant 0 : i32
    %dma_wait3A_362 = arith.constant 0 : i32
    %dma_wait3A_363 = tpu.memref_slice %arg2[%dma_wait3A_361, %dma_wait3A_362] : memref<1000000x128xf32, #tpu.memory_space<hbm>> -> memref<1000000x128xf32, #tpu.memory_space<hbm>>
    %dma_wait3A_364 = tpu.memref_slice %arg7[%dma_wait3A_354] : memref<10x!tpu.dma_semaphore, #tpu.memory_space<semaphore_mem>> -> memref<1x!tpu.dma_semaphore, #tpu.memory_space<semaphore_mem>>
    %dma_wait3A_365 = tpu.memref_squeeze %dma_wait3A_364 : memref<1x!tpu.dma_semaphore, #tpu.memory_space<semaphore_mem>> -> memref<!tpu.dma_semaphore, #tpu.memory_space<semaphore_mem>>
    tpu.wait_indirect_dma semaphore(%dma_wait3A_365 : memref<!tpu.dma_semaphore, #tpu.memory_space<semaphore_mem>>) src(%dma_wait3A_363 : memref<1000000x128xf32, #tpu.memory_space<hbm>>) dst(%dma_wait3A_358 : memref<64x128xf32, #tpu.memory_space<vmem>>)
    %add3A_366 = arith.constant 25408 : i32
    %add3A_367 = arith.addi %mul3A_2, %add3A_366 : i32
    %dma_start3A_368 = arith.constant 7 : i32
    %dma_start3A_369 = arith.constant 7 : i32
    %dma_start3A_370 = arith.constant 0 : i32
    %dma_start3A_371 = arith.constant 0 : i32
    %dma_start3A_372 = tpu.memref_slice %arg6[%dma_start3A_368, %dma_start3A_370, %dma_start3A_371] : memref<10x64x128xf32, #tpu.memory_space<vmem>> -> memref<1x64x128xf32, #tpu.memory_space<vmem>>
    %dma_start3A_373 = tpu.memref_squeeze %dma_start3A_372 : memref<1x64x128xf32, #tpu.memory_space<vmem>> -> memref<64x128xf32, #tpu.memory_space<vmem>>
    %dma_start3A_374 = arith.constant 0 : i32
    %dma_start3A_375 = tpu.memref_slice %arg4[%add3A_367, %dma_start3A_374] : memref<819200x128xf32, #tpu.memory_space<hbm>> -> memref<64x128xf32, #tpu.memory_space<hbm>>
    %dma_start3A_376 = tpu.memref_slice %arg8[%dma_start3A_369] : memref<10x!tpu.dma_semaphore, #tpu.memory_space<semaphore_mem>> -> memref<1x!tpu.dma_semaphore, #tpu.memory_space<semaphore_mem>>
    %dma_start3A_377 = tpu.memref_squeeze %dma_start3A_376 : memref<1x!tpu.dma_semaphore, #tpu.memory_space<semaphore_mem>> -> memref<!tpu.dma_semaphore, #tpu.memory_space<semaphore_mem>>
    %dma_start3A_378 = arith.constant 0 : i32
    %dma_start3A_379 = tpu.memref_slice %arg4[%add3A_367, %dma_start3A_378] : memref<819200x128xf32, #tpu.memory_space<hbm>> -> memref<64x128xf32, #tpu.memory_space<hbm>>
    %dma_start3A_380 = arith.constant 0 : i32
    %dma_start3A_381 = arith.constant 0 : i32
    %dma_start3A_382 = tpu.memref_slice %arg6[%dma_start3A_368, %dma_start3A_380, %dma_start3A_381] : memref<10x64x128xf32, #tpu.memory_space<vmem>> -> memref<1x64x128xf32, #tpu.memory_space<vmem>>
    %dma_start3A_383 = tpu.memref_squeeze %dma_start3A_382 : memref<1x64x128xf32, #tpu.memory_space<vmem>> -> memref<64x128xf32, #tpu.memory_space<vmem>>
    tpu.enqueue_dma source(%dma_start3A_383 : memref<64x128xf32, #tpu.memory_space<vmem>>) target(%dma_start3A_379 : memref<64x128xf32, #tpu.memory_space<hbm>>) target_semaphore(%dma_start3A_377 : memref<!tpu.dma_semaphore, #tpu.memory_space<semaphore_mem>>)
    %dma_wait3A_384 = arith.constant 8 : i32
    %dma_wait3A_385 = arith.constant 8 : i32
    %dma_wait3A_386 = arith.constant 0 : i32
    %dma_wait3A_387 = arith.constant 0 : i32
    %dma_wait3A_388 = tpu.memref_slice %arg6[%dma_wait3A_384, %dma_wait3A_386, %dma_wait3A_387] : memref<10x64x128xf32, #tpu.memory_space<vmem>> -> memref<1x64x128xf32, #tpu.memory_space<vmem>>
    %dma_wait3A_389 = tpu.memref_squeeze %dma_wait3A_388 : memref<1x64x128xf32, #tpu.memory_space<vmem>> -> memref<64x128xf32, #tpu.memory_space<vmem>>
    %dma_wait3A_390 = arith.constant 0 : i32
    %dma_wait3A_391 = tpu.memref_slice %arg5[%dma_wait3A_390] : memref<25600xi32, #tpu.memory_space<vmem>> -> memref<64xi32, #tpu.memory_space<vmem>>
    %dma_wait3A_392 = arith.constant 0 : i32
    %dma_wait3A_393 = arith.constant 0 : i32
    %dma_wait3A_394 = tpu.memref_slice %arg2[%dma_wait3A_392, %dma_wait3A_393] : memref<1000000x128xf32, #tpu.memory_space<hbm>> -> memref<1000000x128xf32, #tpu.memory_space<hbm>>
    %dma_wait3A_395 = tpu.memref_slice %arg7[%dma_wait3A_385] : memref<10x!tpu.dma_semaphore, #tpu.memory_space<semaphore_mem>> -> memref<1x!tpu.dma_semaphore, #tpu.memory_space<semaphore_mem>>
    %dma_wait3A_396 = tpu.memref_squeeze %dma_wait3A_395 : memref<1x!tpu.dma_semaphore, #tpu.memory_space<semaphore_mem>> -> memref<!tpu.dma_semaphore, #tpu.memory_space<semaphore_mem>>
    tpu.wait_indirect_dma semaphore(%dma_wait3A_396 : memref<!tpu.dma_semaphore, #tpu.memory_space<semaphore_mem>>) src(%dma_wait3A_394 : memref<1000000x128xf32, #tpu.memory_space<hbm>>) dst(%dma_wait3A_389 : memref<64x128xf32, #tpu.memory_space<vmem>>)
    %add3A_397 = arith.constant 25472 : i32
    %add3A_398 = arith.addi %mul3A_2, %add3A_397 : i32
    %dma_start3A_399 = arith.constant 8 : i32
    %dma_start3A_400 = arith.constant 8 : i32
    %dma_start3A_401 = arith.constant 0 : i32
    %dma_start3A_402 = arith.constant 0 : i32
    %dma_start3A_403 = tpu.memref_slice %arg6[%dma_start3A_399, %dma_start3A_401, %dma_start3A_402] : memref<10x64x128xf32, #tpu.memory_space<vmem>> -> memref<1x64x128xf32, #tpu.memory_space<vmem>>
    %dma_start3A_404 = tpu.memref_squeeze %dma_start3A_403 : memref<1x64x128xf32, #tpu.memory_space<vmem>> -> memref<64x128xf32, #tpu.memory_space<vmem>>
    %dma_start3A_405 = arith.constant 0 : i32
    %dma_start3A_406 = tpu.memref_slice %arg4[%add3A_398, %dma_start3A_405] : memref<819200x128xf32, #tpu.memory_space<hbm>> -> memref<64x128xf32, #tpu.memory_space<hbm>>
    %dma_start3A_407 = tpu.memref_slice %arg8[%dma_start3A_400] : memref<10x!tpu.dma_semaphore, #tpu.memory_space<semaphore_mem>> -> memref<1x!tpu.dma_semaphore, #tpu.memory_space<semaphore_mem>>
    %dma_start3A_408 = tpu.memref_squeeze %dma_start3A_407 : memref<1x!tpu.dma_semaphore, #tpu.memory_space<semaphore_mem>> -> memref<!tpu.dma_semaphore, #tpu.memory_space<semaphore_mem>>
    %dma_start3A_409 = arith.constant 0 : i32
    %dma_start3A_410 = tpu.memref_slice %arg4[%add3A_398, %dma_start3A_409] : memref<819200x128xf32, #tpu.memory_space<hbm>> -> memref<64x128xf32, #tpu.memory_space<hbm>>
    %dma_start3A_411 = arith.constant 0 : i32
    %dma_start3A_412 = arith.constant 0 : i32
    %dma_start3A_413 = tpu.memref_slice %arg6[%dma_start3A_399, %dma_start3A_411, %dma_start3A_412] : memref<10x64x128xf32, #tpu.memory_space<vmem>> -> memref<1x64x128xf32, #tpu.memory_space<vmem>>
    %dma_start3A_414 = tpu.memref_squeeze %dma_start3A_413 : memref<1x64x128xf32, #tpu.memory_space<vmem>> -> memref<64x128xf32, #tpu.memory_space<vmem>>
    tpu.enqueue_dma source(%dma_start3A_414 : memref<64x128xf32, #tpu.memory_space<vmem>>) target(%dma_start3A_410 : memref<64x128xf32, #tpu.memory_space<hbm>>) target_semaphore(%dma_start3A_408 : memref<!tpu.dma_semaphore, #tpu.memory_space<semaphore_mem>>)
    %dma_wait3A_415 = arith.constant 9 : i32
    %dma_wait3A_416 = arith.constant 9 : i32
    %dma_wait3A_417 = arith.constant 0 : i32
    %dma_wait3A_418 = arith.constant 0 : i32
    %dma_wait3A_419 = tpu.memref_slice %arg6[%dma_wait3A_415, %dma_wait3A_417, %dma_wait3A_418] : memref<10x64x128xf32, #tpu.memory_space<vmem>> -> memref<1x64x128xf32, #tpu.memory_space<vmem>>
    %dma_wait3A_420 = tpu.memref_squeeze %dma_wait3A_419 : memref<1x64x128xf32, #tpu.memory_space<vmem>> -> memref<64x128xf32, #tpu.memory_space<vmem>>
    %dma_wait3A_421 = arith.constant 0 : i32
    %dma_wait3A_422 = tpu.memref_slice %arg5[%dma_wait3A_421] : memref<25600xi32, #tpu.memory_space<vmem>> -> memref<64xi32, #tpu.memory_space<vmem>>
    %dma_wait3A_423 = arith.constant 0 : i32
    %dma_wait3A_424 = arith.constant 0 : i32
    %dma_wait3A_425 = tpu.memref_slice %arg2[%dma_wait3A_423, %dma_wait3A_424] : memref<1000000x128xf32, #tpu.memory_space<hbm>> -> memref<1000000x128xf32, #tpu.memory_space<hbm>>
    %dma_wait3A_426 = tpu.memref_slice %arg7[%dma_wait3A_416] : memref<10x!tpu.dma_semaphore, #tpu.memory_space<semaphore_mem>> -> memref<1x!tpu.dma_semaphore, #tpu.memory_space<semaphore_mem>>
    %dma_wait3A_427 = tpu.memref_squeeze %dma_wait3A_426 : memref<1x!tpu.dma_semaphore, #tpu.memory_space<semaphore_mem>> -> memref<!tpu.dma_semaphore, #tpu.memory_space<semaphore_mem>>
    tpu.wait_indirect_dma semaphore(%dma_wait3A_427 : memref<!tpu.dma_semaphore, #tpu.memory_space<semaphore_mem>>) src(%dma_wait3A_425 : memref<1000000x128xf32, #tpu.memory_space<hbm>>) dst(%dma_wait3A_420 : memref<64x128xf32, #tpu.memory_space<vmem>>)
    %add3A_428 = arith.constant 25536 : i32
    %add3A_429 = arith.addi %mul3A_2, %add3A_428 : i32
    %dma_start3A_430 = arith.constant 9 : i32
    %dma_start3A_431 = arith.constant 9 : i32
    %dma_start3A_432 = arith.constant 0 : i32
    %dma_start3A_433 = arith.constant 0 : i32
    %dma_start3A_434 = tpu.memref_slice %arg6[%dma_start3A_430, %dma_start3A_432, %dma_start3A_433] : memref<10x64x128xf32, #tpu.memory_space<vmem>> -> memref<1x64x128xf32, #tpu.memory_space<vmem>>
    %dma_start3A_435 = tpu.memref_squeeze %dma_start3A_434 : memref<1x64x128xf32, #tpu.memory_space<vmem>> -> memref<64x128xf32, #tpu.memory_space<vmem>>
    %dma_start3A_436 = arith.constant 0 : i32
    %dma_start3A_437 = tpu.memref_slice %arg4[%add3A_429, %dma_start3A_436] : memref<819200x128xf32, #tpu.memory_space<hbm>> -> memref<64x128xf32, #tpu.memory_space<hbm>>
    %dma_start3A_438 = tpu.memref_slice %arg8[%dma_start3A_431] : memref<10x!tpu.dma_semaphore, #tpu.memory_space<semaphore_mem>> -> memref<1x!tpu.dma_semaphore, #tpu.memory_space<semaphore_mem>>
    %dma_start3A_439 = tpu.memref_squeeze %dma_start3A_438 : memref<1x!tpu.dma_semaphore, #tpu.memory_space<semaphore_mem>> -> memref<!tpu.dma_semaphore, #tpu.memory_space<semaphore_mem>>
    %dma_start3A_440 = arith.constant 0 : i32
    %dma_start3A_441 = tpu.memref_slice %arg4[%add3A_429, %dma_start3A_440] : memref<819200x128xf32, #tpu.memory_space<hbm>> -> memref<64x128xf32, #tpu.memory_space<hbm>>
    %dma_start3A_442 = arith.constant 0 : i32
    %dma_start3A_443 = arith.constant 0 : i32
    %dma_start3A_444 = tpu.memref_slice %arg6[%dma_start3A_430, %dma_start3A_442, %dma_start3A_443] : memref<10x64x128xf32, #tpu.memory_space<vmem>> -> memref<1x64x128xf32, #tpu.memory_space<vmem>>
    %dma_start3A_445 = tpu.memref_squeeze %dma_start3A_444 : memref<1x64x128xf32, #tpu.memory_space<vmem>> -> memref<64x128xf32, #tpu.memory_space<vmem>>
    tpu.enqueue_dma source(%dma_start3A_445 : memref<64x128xf32, #tpu.memory_space<vmem>>) target(%dma_start3A_441 : memref<64x128xf32, #tpu.memory_space<hbm>>) target_semaphore(%dma_start3A_439 : memref<!tpu.dma_semaphore, #tpu.memory_space<semaphore_mem>>)
    %dma_wait3A_446 = arith.constant 0 : i32
    %dma_wait3A_447 = arith.constant 0 : i32
    %dma_wait3A_448 = arith.constant 0 : i32
    %dma_wait3A_449 = arith.constant 0 : i32
    %dma_wait3A_450 = tpu.memref_slice %arg6[%dma_wait3A_446, %dma_wait3A_448, %dma_wait3A_449] : memref<10x64x128xf32, #tpu.memory_space<vmem>> -> memref<1x64x128xf32, #tpu.memory_space<vmem>>
    %dma_wait3A_451 = tpu.memref_squeeze %dma_wait3A_450 : memref<1x64x128xf32, #tpu.memory_space<vmem>> -> memref<64x128xf32, #tpu.memory_space<vmem>>
    %dma_wait3A_452 = arith.constant 0 : i32
    %dma_wait3A_453 = tpu.memref_slice %arg4[%mul3A_2, %dma_wait3A_452] : memref<819200x128xf32, #tpu.memory_space<hbm>> -> memref<64x128xf32, #tpu.memory_space<hbm>>
    %dma_wait3A_454 = tpu.memref_slice %arg8[%dma_wait3A_447] : memref<10x!tpu.dma_semaphore, #tpu.memory_space<semaphore_mem>> -> memref<1x!tpu.dma_semaphore, #tpu.memory_space<semaphore_mem>>
    %dma_wait3A_455 = tpu.memref_squeeze %dma_wait3A_454 : memref<1x!tpu.dma_semaphore, #tpu.memory_space<semaphore_mem>> -> memref<!tpu.dma_semaphore, #tpu.memory_space<semaphore_mem>>
    %dma_wait3A_456 = arith.constant 0 : i32
    %dma_wait3A_457 = tpu.memref_slice %arg4[%mul3A_2, %dma_wait3A_456] : memref<819200x128xf32, #tpu.memory_space<hbm>> -> memref<64x128xf32, #tpu.memory_space<hbm>>
    %dma_wait3A_458 = arith.constant 0 : i32
    %dma_wait3A_459 = arith.constant 0 : i32
    %dma_wait3A_460 = tpu.memref_slice %arg6[%dma_wait3A_446, %dma_wait3A_458, %dma_wait3A_459] : memref<10x64x128xf32, #tpu.memory_space<vmem>> -> memref<1x64x128xf32, #tpu.memory_space<vmem>>
    %dma_wait3A_461 = tpu.memref_squeeze %dma_wait3A_460 : memref<1x64x128xf32, #tpu.memory_space<vmem>> -> memref<64x128xf32, #tpu.memory_space<vmem>>
    tpu.wait_dma2 semaphore(%dma_wait3A_455 : memref<!tpu.dma_semaphore, #tpu.memory_space<semaphore_mem>>) src(%dma_wait3A_461 : memref<64x128xf32, #tpu.memory_space<vmem>>) dst(%dma_wait3A_457 : memref<64x128xf32, #tpu.memory_space<hbm>>)
    %dma_wait3A_462 = arith.constant 1 : i32
    %dma_wait3A_463 = arith.constant 1 : i32
    %dma_wait3A_464 = arith.constant 0 : i32
    %dma_wait3A_465 = arith.constant 0 : i32
    %dma_wait3A_466 = tpu.memref_slice %arg6[%dma_wait3A_462, %dma_wait3A_464, %dma_wait3A_465] : memref<10x64x128xf32, #tpu.memory_space<vmem>> -> memref<1x64x128xf32, #tpu.memory_space<vmem>>
    %dma_wait3A_467 = tpu.memref_squeeze %dma_wait3A_466 : memref<1x64x128xf32, #tpu.memory_space<vmem>> -> memref<64x128xf32, #tpu.memory_space<vmem>>
    %dma_wait3A_468 = arith.constant 0 : i32
    %dma_wait3A_469 = tpu.memref_slice %arg4[%mul3A_2, %dma_wait3A_468] : memref<819200x128xf32, #tpu.memory_space<hbm>> -> memref<64x128xf32, #tpu.memory_space<hbm>>
    %dma_wait3A_470 = tpu.memref_slice %arg8[%dma_wait3A_463] : memref<10x!tpu.dma_semaphore, #tpu.memory_space<semaphore_mem>> -> memref<1x!tpu.dma_semaphore, #tpu.memory_space<semaphore_mem>>
    %dma_wait3A_471 = tpu.memref_squeeze %dma_wait3A_470 : memref<1x!tpu.dma_semaphore, #tpu.memory_space<semaphore_mem>> -> memref<!tpu.dma_semaphore, #tpu.memory_space<semaphore_mem>>
    %dma_wait3A_472 = arith.constant 0 : i32
    %dma_wait3A_473 = tpu.memref_slice %arg4[%mul3A_2, %dma_wait3A_472] : memref<819200x128xf32, #tpu.memory_space<hbm>> -> memref<64x128xf32, #tpu.memory_space<hbm>>
    %dma_wait3A_474 = arith.constant 0 : i32
    %dma_wait3A_475 = arith.constant 0 : i32
    %dma_wait3A_476 = tpu.memref_slice %arg6[%dma_wait3A_462, %dma_wait3A_474, %dma_wait3A_475] : memref<10x64x128xf32, #tpu.memory_space<vmem>> -> memref<1x64x128xf32, #tpu.memory_space<vmem>>
    %dma_wait3A_477 = tpu.memref_squeeze %dma_wait3A_476 : memref<1x64x128xf32, #tpu.memory_space<vmem>> -> memref<64x128xf32, #tpu.memory_space<vmem>>
    tpu.wait_dma2 semaphore(%dma_wait3A_471 : memref<!tpu.dma_semaphore, #tpu.memory_space<semaphore_mem>>) src(%dma_wait3A_477 : memref<64x128xf32, #tpu.memory_space<vmem>>) dst(%dma_wait3A_473 : memref<64x128xf32, #tpu.memory_space<hbm>>)
    %dma_wait3A_478 = arith.constant 2 : i32
    %dma_wait3A_479 = arith.constant 2 : i32
    %dma_wait3A_480 = arith.constant 0 : i32
    %dma_wait3A_481 = arith.constant 0 : i32
    %dma_wait3A_482 = tpu.memref_slice %arg6[%dma_wait3A_478, %dma_wait3A_480, %dma_wait3A_481] : memref<10x64x128xf32, #tpu.memory_space<vmem>> -> memref<1x64x128xf32, #tpu.memory_space<vmem>>
    %dma_wait3A_483 = tpu.memref_squeeze %dma_wait3A_482 : memref<1x64x128xf32, #tpu.memory_space<vmem>> -> memref<64x128xf32, #tpu.memory_space<vmem>>
    %dma_wait3A_484 = arith.constant 0 : i32
    %dma_wait3A_485 = tpu.memref_slice %arg4[%mul3A_2, %dma_wait3A_484] : memref<819200x128xf32, #tpu.memory_space<hbm>> -> memref<64x128xf32, #tpu.memory_space<hbm>>
    %dma_wait3A_486 = tpu.memref_slice %arg8[%dma_wait3A_479] : memref<10x!tpu.dma_semaphore, #tpu.memory_space<semaphore_mem>> -> memref<1x!tpu.dma_semaphore, #tpu.memory_space<semaphore_mem>>
    %dma_wait3A_487 = tpu.memref_squeeze %dma_wait3A_486 : memref<1x!tpu.dma_semaphore, #tpu.memory_space<semaphore_mem>> -> memref<!tpu.dma_semaphore, #tpu.memory_space<semaphore_mem>>
    %dma_wait3A_488 = arith.constant 0 : i32
    %dma_wait3A_489 = tpu.memref_slice %arg4[%mul3A_2, %dma_wait3A_488] : memref<819200x128xf32, #tpu.memory_space<hbm>> -> memref<64x128xf32, #tpu.memory_space<hbm>>
    %dma_wait3A_490 = arith.constant 0 : i32
    %dma_wait3A_491 = arith.constant 0 : i32
    %dma_wait3A_492 = tpu.memref_slice %arg6[%dma_wait3A_478, %dma_wait3A_490, %dma_wait3A_491] : memref<10x64x128xf32, #tpu.memory_space<vmem>> -> memref<1x64x128xf32, #tpu.memory_space<vmem>>
    %dma_wait3A_493 = tpu.memref_squeeze %dma_wait3A_492 : memref<1x64x128xf32, #tpu.memory_space<vmem>> -> memref<64x128xf32, #tpu.memory_space<vmem>>
    tpu.wait_dma2 semaphore(%dma_wait3A_487 : memref<!tpu.dma_semaphore, #tpu.memory_space<semaphore_mem>>) src(%dma_wait3A_493 : memref<64x128xf32, #tpu.memory_space<vmem>>) dst(%dma_wait3A_489 : memref<64x128xf32, #tpu.memory_space<hbm>>)
    %dma_wait3A_494 = arith.constant 3 : i32
    %dma_wait3A_495 = arith.constant 3 : i32
    %dma_wait3A_496 = arith.constant 0 : i32
    %dma_wait3A_497 = arith.constant 0 : i32
    %dma_wait3A_498 = tpu.memref_slice %arg6[%dma_wait3A_494, %dma_wait3A_496, %dma_wait3A_497] : memref<10x64x128xf32, #tpu.memory_space<vmem>> -> memref<1x64x128xf32, #tpu.memory_space<vmem>>
    %dma_wait3A_499 = tpu.memref_squeeze %dma_wait3A_498 : memref<1x64x128xf32, #tpu.memory_space<vmem>> -> memref<64x128xf32, #tpu.memory_space<vmem>>
    %dma_wait3A_500 = arith.constant 0 : i32
    %dma_wait3A_501 = tpu.memref_slice %arg4[%mul3A_2, %dma_wait3A_500] : memref<819200x128xf32, #tpu.memory_space<hbm>> -> memref<64x128xf32, #tpu.memory_space<hbm>>
    %dma_wait3A_502 = tpu.memref_slice %arg8[%dma_wait3A_495] : memref<10x!tpu.dma_semaphore, #tpu.memory_space<semaphore_mem>> -> memref<1x!tpu.dma_semaphore, #tpu.memory_space<semaphore_mem>>
    %dma_wait3A_503 = tpu.memref_squeeze %dma_wait3A_502 : memref<1x!tpu.dma_semaphore, #tpu.memory_space<semaphore_mem>> -> memref<!tpu.dma_semaphore, #tpu.memory_space<semaphore_mem>>
    %dma_wait3A_504 = arith.constant 0 : i32
    %dma_wait3A_505 = tpu.memref_slice %arg4[%mul3A_2, %dma_wait3A_504] : memref<819200x128xf32, #tpu.memory_space<hbm>> -> memref<64x128xf32, #tpu.memory_space<hbm>>
    %dma_wait3A_506 = arith.constant 0 : i32
    %dma_wait3A_507 = arith.constant 0 : i32
    %dma_wait3A_508 = tpu.memref_slice %arg6[%dma_wait3A_494, %dma_wait3A_506, %dma_wait3A_507] : memref<10x64x128xf32, #tpu.memory_space<vmem>> -> memref<1x64x128xf32, #tpu.memory_space<vmem>>
    %dma_wait3A_509 = tpu.memref_squeeze %dma_wait3A_508 : memref<1x64x128xf32, #tpu.memory_space<vmem>> -> memref<64x128xf32, #tpu.memory_space<vmem>>
    tpu.wait_dma2 semaphore(%dma_wait3A_503 : memref<!tpu.dma_semaphore, #tpu.memory_space<semaphore_mem>>) src(%dma_wait3A_509 : memref<64x128xf32, #tpu.memory_space<vmem>>) dst(%dma_wait3A_505 : memref<64x128xf32, #tpu.memory_space<hbm>>)
    %dma_wait3A_510 = arith.constant 4 : i32
    %dma_wait3A_511 = arith.constant 4 : i32
    %dma_wait3A_512 = arith.constant 0 : i32
    %dma_wait3A_513 = arith.constant 0 : i32
    %dma_wait3A_514 = tpu.memref_slice %arg6[%dma_wait3A_510, %dma_wait3A_512, %dma_wait3A_513] : memref<10x64x128xf32, #tpu.memory_space<vmem>> -> memref<1x64x128xf32, #tpu.memory_space<vmem>>
    %dma_wait3A_515 = tpu.memref_squeeze %dma_wait3A_514 : memref<1x64x128xf32, #tpu.memory_space<vmem>> -> memref<64x128xf32, #tpu.memory_space<vmem>>
    %dma_wait3A_516 = arith.constant 0 : i32
    %dma_wait3A_517 = tpu.memref_slice %arg4[%mul3A_2, %dma_wait3A_516] : memref<819200x128xf32, #tpu.memory_space<hbm>> -> memref<64x128xf32, #tpu.memory_space<hbm>>
    %dma_wait3A_518 = tpu.memref_slice %arg8[%dma_wait3A_511] : memref<10x!tpu.dma_semaphore, #tpu.memory_space<semaphore_mem>> -> memref<1x!tpu.dma_semaphore, #tpu.memory_space<semaphore_mem>>
    %dma_wait3A_519 = tpu.memref_squeeze %dma_wait3A_518 : memref<1x!tpu.dma_semaphore, #tpu.memory_space<semaphore_mem>> -> memref<!tpu.dma_semaphore, #tpu.memory_space<semaphore_mem>>
    %dma_wait3A_520 = arith.constant 0 : i32
    %dma_wait3A_521 = tpu.memref_slice %arg4[%mul3A_2, %dma_wait3A_520] : memref<819200x128xf32, #tpu.memory_space<hbm>> -> memref<64x128xf32, #tpu.memory_space<hbm>>
    %dma_wait3A_522 = arith.constant 0 : i32
    %dma_wait3A_523 = arith.constant 0 : i32
    %dma_wait3A_524 = tpu.memref_slice %arg6[%dma_wait3A_510, %dma_wait3A_522, %dma_wait3A_523] : memref<10x64x128xf32, #tpu.memory_space<vmem>> -> memref<1x64x128xf32, #tpu.memory_space<vmem>>
    %dma_wait3A_525 = tpu.memref_squeeze %dma_wait3A_524 : memref<1x64x128xf32, #tpu.memory_space<vmem>> -> memref<64x128xf32, #tpu.memory_space<vmem>>
    tpu.wait_dma2 semaphore(%dma_wait3A_519 : memref<!tpu.dma_semaphore, #tpu.memory_space<semaphore_mem>>) src(%dma_wait3A_525 : memref<64x128xf32, #tpu.memory_space<vmem>>) dst(%dma_wait3A_521 : memref<64x128xf32, #tpu.memory_space<hbm>>)
    %dma_wait3A_526 = arith.constant 5 : i32
    %dma_wait3A_527 = arith.constant 5 : i32
    %dma_wait3A_528 = arith.constant 0 : i32
    %dma_wait3A_529 = arith.constant 0 : i32
    %dma_wait3A_530 = tpu.memref_slice %arg6[%dma_wait3A_526, %dma_wait3A_528, %dma_wait3A_529] : memref<10x64x128xf32, #tpu.memory_space<vmem>> -> memref<1x64x128xf32, #tpu.memory_space<vmem>>
    %dma_wait3A_531 = tpu.memref_squeeze %dma_wait3A_530 : memref<1x64x128xf32, #tpu.memory_space<vmem>> -> memref<64x128xf32, #tpu.memory_space<vmem>>
    %dma_wait3A_532 = arith.constant 0 : i32
    %dma_wait3A_533 = tpu.memref_slice %arg4[%mul3A_2, %dma_wait3A_532] : memref<819200x128xf32, #tpu.memory_space<hbm>> -> memref<64x128xf32, #tpu.memory_space<hbm>>
    %dma_wait3A_534 = tpu.memref_slice %arg8[%dma_wait3A_527] : memref<10x!tpu.dma_semaphore, #tpu.memory_space<semaphore_mem>> -> memref<1x!tpu.dma_semaphore, #tpu.memory_space<semaphore_mem>>
    %dma_wait3A_535 = tpu.memref_squeeze %dma_wait3A_534 : memref<1x!tpu.dma_semaphore, #tpu.memory_space<semaphore_mem>> -> memref<!tpu.dma_semaphore, #tpu.memory_space<semaphore_mem>>
    %dma_wait3A_536 = arith.constant 0 : i32
    %dma_wait3A_537 = tpu.memref_slice %arg4[%mul3A_2, %dma_wait3A_536] : memref<819200x128xf32, #tpu.memory_space<hbm>> -> memref<64x128xf32, #tpu.memory_space<hbm>>
    %dma_wait3A_538 = arith.constant 0 : i32
    %dma_wait3A_539 = arith.constant 0 : i32
    %dma_wait3A_540 = tpu.memref_slice %arg6[%dma_wait3A_526, %dma_wait3A_538, %dma_wait3A_539] : memref<10x64x128xf32, #tpu.memory_space<vmem>> -> memref<1x64x128xf32, #tpu.memory_space<vmem>>
    %dma_wait3A_541 = tpu.memref_squeeze %dma_wait3A_540 : memref<1x64x128xf32, #tpu.memory_space<vmem>> -> memref<64x128xf32, #tpu.memory_space<vmem>>
    tpu.wait_dma2 semaphore(%dma_wait3A_535 : memref<!tpu.dma_semaphore, #tpu.memory_space<semaphore_mem>>) src(%dma_wait3A_541 : memref<64x128xf32, #tpu.memory_space<vmem>>) dst(%dma_wait3A_537 : memref<64x128xf32, #tpu.memory_space<hbm>>)
    %dma_wait3A_542 = arith.constant 6 : i32
    %dma_wait3A_543 = arith.constant 6 : i32
    %dma_wait3A_544 = arith.constant 0 : i32
    %dma_wait3A_545 = arith.constant 0 : i32
    %dma_wait3A_546 = tpu.memref_slice %arg6[%dma_wait3A_542, %dma_wait3A_544, %dma_wait3A_545] : memref<10x64x128xf32, #tpu.memory_space<vmem>> -> memref<1x64x128xf32, #tpu.memory_space<vmem>>
    %dma_wait3A_547 = tpu.memref_squeeze %dma_wait3A_546 : memref<1x64x128xf32, #tpu.memory_space<vmem>> -> memref<64x128xf32, #tpu.memory_space<vmem>>
    %dma_wait3A_548 = arith.constant 0 : i32
    %dma_wait3A_549 = tpu.memref_slice %arg4[%mul3A_2, %dma_wait3A_548] : memref<819200x128xf32, #tpu.memory_space<hbm>> -> memref<64x128xf32, #tpu.memory_space<hbm>>
    %dma_wait3A_550 = tpu.memref_slice %arg8[%dma_wait3A_543] : memref<10x!tpu.dma_semaphore, #tpu.memory_space<semaphore_mem>> -> memref<1x!tpu.dma_semaphore, #tpu.memory_space<semaphore_mem>>
    %dma_wait3A_551 = tpu.memref_squeeze %dma_wait3A_550 : memref<1x!tpu.dma_semaphore, #tpu.memory_space<semaphore_mem>> -> memref<!tpu.dma_semaphore, #tpu.memory_space<semaphore_mem>>
    %dma_wait3A_552 = arith.constant 0 : i32
    %dma_wait3A_553 = tpu.memref_slice %arg4[%mul3A_2, %dma_wait3A_552] : memref<819200x128xf32, #tpu.memory_space<hbm>> -> memref<64x128xf32, #tpu.memory_space<hbm>>
    %dma_wait3A_554 = arith.constant 0 : i32
    %dma_wait3A_555 = arith.constant 0 : i32
    %dma_wait3A_556 = tpu.memref_slice %arg6[%dma_wait3A_542, %dma_wait3A_554, %dma_wait3A_555] : memref<10x64x128xf32, #tpu.memory_space<vmem>> -> memref<1x64x128xf32, #tpu.memory_space<vmem>>
    %dma_wait3A_557 = tpu.memref_squeeze %dma_wait3A_556 : memref<1x64x128xf32, #tpu.memory_space<vmem>> -> memref<64x128xf32, #tpu.memory_space<vmem>>
    tpu.wait_dma2 semaphore(%dma_wait3A_551 : memref<!tpu.dma_semaphore, #tpu.memory_space<semaphore_mem>>) src(%dma_wait3A_557 : memref<64x128xf32, #tpu.memory_space<vmem>>) dst(%dma_wait3A_553 : memref<64x128xf32, #tpu.memory_space<hbm>>)
    %dma_wait3A_558 = arith.constant 7 : i32
    %dma_wait3A_559 = arith.constant 7 : i32
    %dma_wait3A_560 = arith.constant 0 : i32
    %dma_wait3A_561 = arith.constant 0 : i32
    %dma_wait3A_562 = tpu.memref_slice %arg6[%dma_wait3A_558, %dma_wait3A_560, %dma_wait3A_561] : memref<10x64x128xf32, #tpu.memory_space<vmem>> -> memref<1x64x128xf32, #tpu.memory_space<vmem>>
    %dma_wait3A_563 = tpu.memref_squeeze %dma_wait3A_562 : memref<1x64x128xf32, #tpu.memory_space<vmem>> -> memref<64x128xf32, #tpu.memory_space<vmem>>
    %dma_wait3A_564 = arith.constant 0 : i32
    %dma_wait3A_565 = tpu.memref_slice %arg4[%mul3A_2, %dma_wait3A_564] : memref<819200x128xf32, #tpu.memory_space<hbm>> -> memref<64x128xf32, #tpu.memory_space<hbm>>
    %dma_wait3A_566 = tpu.memref_slice %arg8[%dma_wait3A_559] : memref<10x!tpu.dma_semaphore, #tpu.memory_space<semaphore_mem>> -> memref<1x!tpu.dma_semaphore, #tpu.memory_space<semaphore_mem>>
    %dma_wait3A_567 = tpu.memref_squeeze %dma_wait3A_566 : memref<1x!tpu.dma_semaphore, #tpu.memory_space<semaphore_mem>> -> memref<!tpu.dma_semaphore, #tpu.memory_space<semaphore_mem>>
    %dma_wait3A_568 = arith.constant 0 : i32
    %dma_wait3A_569 = tpu.memref_slice %arg4[%mul3A_2, %dma_wait3A_568] : memref<819200x128xf32, #tpu.memory_space<hbm>> -> memref<64x128xf32, #tpu.memory_space<hbm>>
    %dma_wait3A_570 = arith.constant 0 : i32
    %dma_wait3A_571 = arith.constant 0 : i32
    %dma_wait3A_572 = tpu.memref_slice %arg6[%dma_wait3A_558, %dma_wait3A_570, %dma_wait3A_571] : memref<10x64x128xf32, #tpu.memory_space<vmem>> -> memref<1x64x128xf32, #tpu.memory_space<vmem>>
    %dma_wait3A_573 = tpu.memref_squeeze %dma_wait3A_572 : memref<1x64x128xf32, #tpu.memory_space<vmem>> -> memref<64x128xf32, #tpu.memory_space<vmem>>
    tpu.wait_dma2 semaphore(%dma_wait3A_567 : memref<!tpu.dma_semaphore, #tpu.memory_space<semaphore_mem>>) src(%dma_wait3A_573 : memref<64x128xf32, #tpu.memory_space<vmem>>) dst(%dma_wait3A_569 : memref<64x128xf32, #tpu.memory_space<hbm>>)
    %dma_wait3A_574 = arith.constant 8 : i32
    %dma_wait3A_575 = arith.constant 8 : i32
    %dma_wait3A_576 = arith.constant 0 : i32
    %dma_wait3A_577 = arith.constant 0 : i32
    %dma_wait3A_578 = tpu.memref_slice %arg6[%dma_wait3A_574, %dma_wait3A_576, %dma_wait3A_577] : memref<10x64x128xf32, #tpu.memory_space<vmem>> -> memref<1x64x128xf32, #tpu.memory_space<vmem>>
    %dma_wait3A_579 = tpu.memref_squeeze %dma_wait3A_578 : memref<1x64x128xf32, #tpu.memory_space<vmem>> -> memref<64x128xf32, #tpu.memory_space<vmem>>
    %dma_wait3A_580 = arith.constant 0 : i32
    %dma_wait3A_581 = tpu.memref_slice %arg4[%mul3A_2, %dma_wait3A_580] : memref<819200x128xf32, #tpu.memory_space<hbm>> -> memref<64x128xf32, #tpu.memory_space<hbm>>
    %dma_wait3A_582 = tpu.memref_slice %arg8[%dma_wait3A_575] : memref<10x!tpu.dma_semaphore, #tpu.memory_space<semaphore_mem>> -> memref<1x!tpu.dma_semaphore, #tpu.memory_space<semaphore_mem>>
    %dma_wait3A_583 = tpu.memref_squeeze %dma_wait3A_582 : memref<1x!tpu.dma_semaphore, #tpu.memory_space<semaphore_mem>> -> memref<!tpu.dma_semaphore, #tpu.memory_space<semaphore_mem>>
    %dma_wait3A_584 = arith.constant 0 : i32
    %dma_wait3A_585 = tpu.memref_slice %arg4[%mul3A_2, %dma_wait3A_584] : memref<819200x128xf32, #tpu.memory_space<hbm>> -> memref<64x128xf32, #tpu.memory_space<hbm>>
    %dma_wait3A_586 = arith.constant 0 : i32
    %dma_wait3A_587 = arith.constant 0 : i32
    %dma_wait3A_588 = tpu.memref_slice %arg6[%dma_wait3A_574, %dma_wait3A_586, %dma_wait3A_587] : memref<10x64x128xf32, #tpu.memory_space<vmem>> -> memref<1x64x128xf32, #tpu.memory_space<vmem>>
    %dma_wait3A_589 = tpu.memref_squeeze %dma_wait3A_588 : memref<1x64x128xf32, #tpu.memory_space<vmem>> -> memref<64x128xf32, #tpu.memory_space<vmem>>
    tpu.wait_dma2 semaphore(%dma_wait3A_583 : memref<!tpu.dma_semaphore, #tpu.memory_space<semaphore_mem>>) src(%dma_wait3A_589 : memref<64x128xf32, #tpu.memory_space<vmem>>) dst(%dma_wait3A_585 : memref<64x128xf32, #tpu.memory_space<hbm>>)
    %dma_wait3A_590 = arith.constant 9 : i32
    %dma_wait3A_591 = arith.constant 9 : i32
    %dma_wait3A_592 = arith.constant 0 : i32
    %dma_wait3A_593 = arith.constant 0 : i32
    %dma_wait3A_594 = tpu.memref_slice %arg6[%dma_wait3A_590, %dma_wait3A_592, %dma_wait3A_593] : memref<10x64x128xf32, #tpu.memory_space<vmem>> -> memref<1x64x128xf32, #tpu.memory_space<vmem>>
    %dma_wait3A_595 = tpu.memref_squeeze %dma_wait3A_594 : memref<1x64x128xf32, #tpu.memory_space<vmem>> -> memref<64x128xf32, #tpu.memory_space<vmem>>
    %dma_wait3A_596 = arith.constant 0 : i32
    %dma_wait3A_597 = tpu.memref_slice %arg4[%mul3A_2, %dma_wait3A_596] : memref<819200x128xf32, #tpu.memory_space<hbm>> -> memref<64x128xf32, #tpu.memory_space<hbm>>
    %dma_wait3A_598 = tpu.memref_slice %arg8[%dma_wait3A_591] : memref<10x!tpu.dma_semaphore, #tpu.memory_space<semaphore_mem>> -> memref<1x!tpu.dma_semaphore, #tpu.memory_space<semaphore_mem>>
    %dma_wait3A_599 = tpu.memref_squeeze %dma_wait3A_598 : memref<1x!tpu.dma_semaphore, #tpu.memory_space<semaphore_mem>> -> memref<!tpu.dma_semaphore, #tpu.memory_space<semaphore_mem>>
    %dma_wait3A_600 = arith.constant 0 : i32
    %dma_wait3A_601 = tpu.memref_slice %arg4[%mul3A_2, %dma_wait3A_600] : memref<819200x128xf32, #tpu.memory_space<hbm>> -> memref<64x128xf32, #tpu.memory_space<hbm>>
    %dma_wait3A_602 = arith.constant 0 : i32
    %dma_wait3A_603 = arith.constant 0 : i32
    %dma_wait3A_604 = tpu.memref_slice %arg6[%dma_wait3A_590, %dma_wait3A_602, %dma_wait3A_603] : memref<10x64x128xf32, #tpu.memory_space<vmem>> -> memref<1x64x128xf32, #tpu.memory_space<vmem>>
    %dma_wait3A_605 = tpu.memref_squeeze %dma_wait3A_604 : memref<1x64x128xf32, #tpu.memory_space<vmem>> -> memref<64x128xf32, #tpu.memory_space<vmem>>
    tpu.wait_dma2 semaphore(%dma_wait3A_599 : memref<!tpu.dma_semaphore, #tpu.memory_space<semaphore_mem>>) src(%dma_wait3A_605 : memref<64x128xf32, #tpu.memory_space<vmem>>) dst(%dma_wait3A_601 : memref<64x128xf32, #tpu.memory_space<hbm>>)
    return
  }
}

</mosaic_0001>

<sc_bundles>
// kernel: kernel.3.cloned.1.call-start
scs
__scs_entry_jumppad:
0x0: {  	(pc) =	sbr.rel $0x88, $3  }
0x1: {  	(tag) =	ssettag $0x0;
	lr =	simm.s32 $0x1  }
0x2: {  	[smem:$0x3F9F] =	sst lr;
	_ =	strace $0xD0000000  }
0x3: {  	_ = 	snop  }
0x4: {  	_ = 	snop  }
0x5: {  	_ = 	snop  }
0x6: {  	_ = 	snop  }
0x7: {  	_ = 	snop  }
__scs_overlays_trampoline_lowered:
0x8: {  	[smem:$0x3FAE] =	sst s0  }
0x9: {  	[smem:$0x3FAF] =	sst s1  }
0xa: {  	[smem:$0x3FB0] =	sst s2  }
0xb: {  	[smem:$0x3FB1] =	sst s3  }
0xc: {  	[smem:$0x3FB2] =	sst s4  }
0xd: {  	[smem:$0x3FB3] =	sst s5  }
0xe: {  	[smem:$0x3FB4] =	sst s6  }
0xf: {  	[smem:$0x3FB5] =	sst s7  }
0x10: {  	[smem:$0x3FB6] =	sst s8  }
0x11: {  	[smem:$0x3FB7] =	sst s9;
	s0 =	simm.s32 @!p0 $0x0  }
0x12: {  	s1 =	sld [smem:$0x3F9D];
	s0 =	simm.s32 @p0 $0x1  }
0x13: {  	[smem:$0x3FB8] =	sst s0;
	s0 =	simm.s32 @!p1 $0x0  }
0x14: {  	s2 =	sld [smem:$0x3F9C];
	s0 =	simm.s32 @p1 $0x1  }
0x15: {  	[smem:$0x3FB9] =	sst s0;
	s0 =	simm.s32 @!p2 $0x0  }
0x16: {  	s3 =	sld [smem:$0x3FDB];
	s0 =	simm.s32 @p2 $0x1  }
0x17: {  	s4 =	simm.s32 $0x1BF5;
	[smem:$0x3FBB] =	sst s0  }
0x18: {  	s0 =	sld [smem:$0x3F9E];
	_ =	swait.ge [sflag:s4], $0x0  }
0x19: {  	s7 =	sld [smem:$0x3F9F]  }
0x1a: {  	s8 =	sadd.s32 $0xFFFFE003, lr  }
0x1b: {  	s9 =	sadd.s32 $0xFFFFFEF7, lr;
	s5 =	simm.s32 $0xFFFFFFFF;
	p2 =	slt.u32 s8, $0xFFFFF086  }
0x1c: {  	p1 =	slt.u32 s9, $0xF7A;
	s5 =	simm.s32 @!p2 $0x0  }
0x1d: {  	s5 =	simm.s32 @p1 $0x1;
	p0 =	seq.s32 s7, s2  }
0x1e: {  	s7 =	smul.u32 @!p0 $0xF7A, s2;
	p2 =	seq.s32 @!p0 s5, $0x0  }
0x1f: {  	s9 =	smul.u32 $0xF7A, s1;
	s8 =	simm.s32 @!p0 $0x1BF5;
	p2 =	por !p2, p0  }
0x20: {  	[sflag:s8] =	ssyncset.s32 @!p0 $0xFFFFF086;
	s6 =	sadd.s32 @!p0 s3, s7;
	s7 =	simm.s32 @!p0 $0x108  }
0x21: {  	s3 =	sadd.s32 s3, s9;
	s6 =	sadd.s32 @!p0 $0x88, s6;
	s7 =	simm.s32 @p2 $0x1082  }
0x22: {  	[simem:s7], [sflag:s8] =	dma.local @!p0 [hbm:s6], $0xF7A  }
0x23: {  	s9 =	sor.u32 $0xD0000000, s2;
	s6 =	simm.s32 $0x108;
	_ =	swait.ge @!p0 [sflag:s8], $0x0  }
0x24: {  	s3 =	sadd.s32 $0x88, s3;
	s6 =	simm.s32 @!p1 $0x1082;
	[sflag:s4] =	ssyncset.s32 $0xFFFFF086  }
0x25: {  	[simem:s6], [sflag:s4] =	dma.local [hbm:s3], $0xF7A  }
0x26: {  	[smem:$0x3F9F] =	sst s1;
	(tag) =	ssettag s2;
	_ =	strace s9  }
0x27: {  	s1 =	sld [smem:$0x3FAF]  }
0x28: {  	s2 =	sld [smem:$0x3FB0]  }
0x29: {  	s4 =	sld [smem:$0x3FB2]  }
0x2a: {  	p0 =	seq.s32 s5, $0x0;
	s5 =	sld [smem:$0x3FB3]  }
0x2b: {  	s6 =	sld [smem:$0x3FB4]  }
0x2c: {  	s7 =	sld [smem:$0x3FB5]  }
0x2d: {  	s3 =	simm.s32 $0x108;
	s8 =	sld [smem:$0x3FB6]  }
0x2e: {  	s3 =	simm.s32 @!p0 $0x1082;
	s9 =	sld [smem:$0x3FB7]  }
0x2f: {  	lr =	sadd.s32 s0, s3;
	s0 =	sld [smem:$0x3FAE]  }
0x30: {  	s3 =	sld [smem:$0x3FB1]  }
0x31: {  	[smem:$0x3FBA] =	sst s10  }
0x32: {  	s10 =	sld [smem:$0x3FB8];
	_ =	sdelay $0x3  }
0x33: {  	p0 =	seq.s32 s10, $0x1;
	s10 =	sld [smem:$0x3FBA];
	_ =	sdelay $0x3  }
0x34: {  	[smem:$0x3FBA] =	sst s10  }
0x35: {  	s10 =	sld [smem:$0x3FB9];
	_ =	sdelay $0x3  }
0x36: {  	p1 =	seq.s32 s10, $0x1;
	s10 =	sld [smem:$0x3FBA];
	_ =	sdelay $0x3  }
0x37: {  	[smem:$0x3FBA] =	sst s10  }
0x38: {  	s10 =	sld [smem:$0x3FBB]  }
0x39: {  	_ = 	snop;
	(pc) =	sbr.ind lr, $3  }
0x3a: {  	_ = 	snop  }
0x3b: {  	_ = 	snop  }
0x3c: {  	p2 =	seq.s32 s10, $0x1;
	s10 =	sld [smem:$0x3FBA]  }
0x3d: {  	_ =	shalt  }
0x3e: {  	_ =	shalt  }
0x3f: {  	_ =	shalt  }
0x40: {  	_ =	shalt  }
0x41: {  	_ =	shalt  }
0x42: {  	_ =	shalt  }
0x43: {  	_ =	shalt  }
0x44: {  	_ =	shalt  }
0x45: {  	_ =	shalt  }
0x46: {  	_ =	shalt  }
0x47: {  	_ =	shalt  }
0x48: {  	_ =	shalt  }
0x49: {  	_ =	shalt  }
0x4a: {  	_ =	shalt  }
0x4b: {  	_ =	shalt  }
0x4c: {  	_ =	shalt  }
0x4d: {  	_ =	shalt  }
0x4e: {  	_ =	shalt  }
0x4f: {  	_ =	shalt  }
0x50: {  	_ =	shalt  }
0x51: {  	_ =	shalt  }
0x52: {  	_ =	shalt  }
0x53: {  	_ =	shalt  }
0x54: {  	_ =	shalt  }
0x55: {  	_ =	shalt  }
0x56: {  	_ =	shalt  }
0x57: {  	_ =	shalt  }
0x58: {  	_ =	shalt  }
0x59: {  	_ =	shalt  }
0x5a: {  	_ =	shalt  }
0x5b: {  	_ =	shalt  }
0x5c: {  	_ =	shalt  }
0x5d: {  	_ =	shalt  }
0x5e: {  	_ =	shalt  }
0x5f: {  	_ =	shalt  }
0x60: {  	_ =	shalt  }
0x61: {  	_ =	shalt  }
0x62: {  	_ =	shalt  }
0x63: {  	_ =	shalt  }
0x64: {  	_ =	shalt  }
0x65: {  	_ =	shalt  }
0x66: {  	_ =	shalt  }
0x67: {  	_ =	shalt  }
0x68: {  	_ =	shalt  }
0x69: {  	_ =	shalt  }
0x6a: {  	_ =	shalt  }
0x6b: {  	_ =	shalt  }
0x6c: {  	_ =	shalt  }
0x6d: {  	_ =	shalt  }
0x6e: {  	_ =	shalt  }
0x6f: {  	_ =	shalt  }
0x70: {  	_ =	shalt  }
0x71: {  	_ =	shalt  }
0x72: {  	_ =	shalt  }
0x73: {  	_ =	shalt  }
0x74: {  	_ =	shalt  }
0x75: {  	_ =	shalt  }
0x76: {  	_ =	shalt  }
0x77: {  	_ =	shalt  }
0x78: {  	_ =	shalt  }
0x79: {  	_ =	shalt  }
0x7a: {  	_ =	shalt  }
0x7b: {  	_ =	shalt  }
0x7c: {  	_ =	shalt  }
0x7d: {  	_ =	shalt  }
0x7e: {  	_ =	shalt  }
0x7f: {  	_ =	shalt  }
0x80: {  	_ =	shalt  }
0x81: {  	_ =	shalt  }
0x82: {  	_ =	shalt  }
0x83: {  	_ =	shalt  }
0x84: {  	_ =	shalt  }
0x85: {  	_ =	shalt  }
0x86: {  	_ =	shalt  }
0x87: {  	_ =	shalt  }
.Lfunc_end0:
.L_simem_size_0:
called_computation.1_lowered:
.L_overlay_start_0:
0x88: {  	s2 =	sld [smem:$0x3FD9]  }
0x89: {  	s3 =	sld [smem:$0x3FFE];
	_ =	sdelay $0x1  }
0x8a: {  	s1 =	srdreg.scid  }
0x8b: {  	s0 =	sand.u32 $0x1, s1  }
0x8c: {  	s17 =	sshll.u32 s0, $0xA;
	s2 =	sadd.s32 s3, s2  }
0x8d: {  	s2 =	sadd.s32 s2, s17  }
0x8e: {  	[smem:$0x3FC6] =	sst s2  }
0x8f: {  	_ = 	snop  }
0x90: {  	s2 =	sld [smem:$0x3FD0];
	(tm) =	ssettm $0x1  }
0x91: {  	s18 =	sld [smem:$0x3FFB];
	_ =	sdelay $0x3  }
0x92: {  	_ =	strace s18  }
0x93: {  	s3 =	sld [smem:$0x3FFC];
	_ =	sdelay $0x3  }
0x94: {  	_ =	strace s3  }
0x95: {  	s3 =	sld [smem:$0x3FFD];
	_ =	sdelay $0x3  }
0x96: {  	_ =	strace s3  }
0x97: {  	_ =	strace $0x8FFFFFFF  }
0x98: {  	s19 =	sld [smem:$0x3FDB];
	_ =	sdelay $0x1  }
0x99: {  	s4 =	simm.s32 $_scs_section_size  }
0x9a: {  	s5 =	simm.s32 $_size__tile_overlayer_lowered;
	s6 =	simm.s32 $_tile_overlayer_lowered  }
0x9b: {  	s22 =	simm.s32 $0x1BFF;
	s21 =	sshll.u32 s6, $0x1;
	s3 =	sadd.s32 s4, s19  }
0x9c: {  	s7 =	simm.s32 $0x0;
	s20 =	sshll.u32 s5, $0x1;
	s5 =	sadd.s32 s21, s3  }
0x9d: {  	[timem:s7], [sflag:s22] =	dma.local [hbm:s5], s20  }
0x9e: {  	_ =	swait.ge [sflag:s22], s20  }
0x9f: {  	s4 =	ssub.s32 $0x0, s20;
	[sflag:s22] =	ssyncset.done $0x0  }
0xa0: {  	[sflag:s22] =	ssyncadd.s32 s4;
	_ =	sdelay $0x1  }
0xa1: {  	s23 =	simm.s32 $0x1B8B  }
0xa2: {  	_ =	swait.ge [sflag:s23], $0x1  }
0xa3: {  	[sflag:s23] =	ssyncset.done $0x0  }
0xa4: {  	s25 =	simm.s32 $0x1B8E;
	s24 =	sld [smem:$0x3FFE];
	[sflag:s23] =	ssyncadd.s32 $0xFFFFFFFF  }
0xa5: {  	s26 =	simm.s32 $execute0_lowered;
	[smem:$0x3FD2] =	sst s25  }
0xa6: {  	s5 =	sshll.u32 s26, $0x1;
	_ =	strace $0x80000046;
	[dreg:$0x1] =	wrdreg $0xFFFFFFFF  }
0xa7: {  	s28 =	simm.s32 $_size_execute0_lowered;
	s3 =	sadd.s32 s3, s5;
	[dreg:$0x0] =	wrdreg $0x0  }
0xa8: {  	s5 =	sshll.u32 s28, $0x1;
	[dreg:$0x2] =	wrdreg s3  }
0xa9: {  	[dreg:$0x3] =	wrdreg s5  }
0xaa: {  	[dreg:$0x4] =	wrdreg $0xC0  }
0xab: {  	_ =	task [dreg:s7], $0x5FFFF  }
0xac: {  	[dreg:$0x1] =	wrdreg $0xFFFFFFFF  }
0xad: {  	[dreg:$0x0] =	wrdreg $0x60  }
0xae: {  	[dreg:$0x2] =	wrdreg s24  }
0xaf: {  	[dreg:$0x3] =	wrdreg s2  }
0xb0: {  	[dreg:$0x4] =	wrdreg $0x9  }
0xb1: {  	_ =	task.clear_ibuf [dreg:s7], $0x5FFFF;
	_ =	strace $0x90000046  }
0xb2: {  	s29 =	simm.s32 $0x9;
	_ =	strace $0x80000048  }
0xb3: {  	_ =	swait.ge [sflag:s29], $0x1  }
0xb4: {  	[sflag:s29] =	ssyncadd.s32 $0xFFFFFFFF  }
0xb5: {  	_ =	strace $0x90000048  }
0xb6: {  	_ =	sfence  }
0xb7: {  	s30 =	sld [smem:$0x0];
	_ =	sdelay $0x2  }
0xb8: {  	s31 =	sshll.u32 s1, $0xD;
	s1 =	sshrl.u32 s1, $0x2  }
0xb9: {  	s3 =	sand.u32 $0x4000, s31;
	s1 =	sadd.s32 s1, s30  }
0xba: {  	s0 =	sor.u32 s3, s0;
	s1 =	sshll.u32 s1, $0x11  }
0xbb: {  	s0 =	sor.u32 s1, s0  }
0xbc: {  	s0 =	sadd.s32 $0x8F2B, s0  }
0xbd: {  	[sflag:s0] =	ssyncadd.remote.s32 $0x1  }
0xbe: {  	_ =	sfence.sel $0xFFFF  }
0xbf: {  	[dreg:$0x0] =	wrdreg $0xFFFFFFFF;
	(pc) =	sbr.abs _section_cstart, $3  }
0xc0: {  	[dreg:$0x1] =	wrdreg $0xFFFFFFFF  }
0xc1: {  	_ =	task.clear_ibuf [dreg:s7], $0x2FFFF;
	_ =	strace $0x9FFFFFFF  }
0xc2: {  	(tm) =	ssettm $0x7FFFFFFF  }
0xc3: {  	_ =	shalt  }
tec
execute0_lowered:
.L_overlay_start_1:
0x0: {  	(tag) =	ssettag $0x1  }
0x1: {  	s0 =	rddreg [dreg:$0x0]  }
0x2: {  	s1 =	srdreg.scid;
	s9 =	stileid.u32  }
0x3: {  	s4 =	rddreg [dreg:$0x1];
	s2 =	simm.s32 $0x0;
	s18 =	simm.s32 $0x40  }
0x4: {  	s10 =	simm.s32 $0xB;
	s11 =	simm.s32 $0xC;
	s12 =	simm.s32 $0xD  }
0x5: {  	s13 =	simm.s32 $0xE;
	s1 =	sand.u32 $0x1, s1;
	s3 =	sshll.u32 s9, $0x1  }
0x6: {  	s14 =	simm.s32 $0xF;
	s15 =	simm.s32 $0x10;
	s3 =	sor.u32 s1, s3  }
0x7: {  	[smem:$0x7FF] =	sst s2;
	s7 =	ssub.s32 $0x2, s1;
	s5 =	smul.u32 $0x6400, s3  }
0x8: {  	_ =	strace $0x80000047;
	s6 =	smul.u32 $0x320000, s3;
	s8 =	sshrl.u32 s7, $0x1  }
0x9: {  	s3 =	sadd.s32 $0xF42E00, s0;
	s0 =	sadd.s32 $0xA00, s0;
	s7 =	ssub.s32 s7, s8  }
0xa: {  	s5 =	sshrl.u32 s5, $0x3;
	s6 =	sshrl.u32 s6, $0x3;
	s31 =	smax.u32 s7, $0x1  }
0xb: {  	s4 =	sadd.s32 s4, s5;
	s20 =	sadd.s32 s0, s6;
	[dreg:$0xe] =	wrdreg s31  }
0xc: {  	s17 =	simm.s32 $0x11;
	[dreg:$0x3] =	wrdreg s4;
	s21 =	sadd.s32 $0x61800, s20  }
0xd: {  	s16 =	simm.s32 $0x12;
	s22 =	sadd.s32 $0x61C00, s20;
	[dreg:$0x4] =	wrdreg s21  }
0xe: {  	s19 =	simm.s32 $0x13;
	s23 =	sadd.s32 $0x62000, s20;
	[dreg:$0x5] =	wrdreg s22  }
0xf: {  	s26 =	smul.u32 $0xC8000, s9;
	s24 =	sadd.s32 $0x62400, s20;
	[dreg:$0x6] =	wrdreg s23  }
0x10: {  	s9 =	simm.s32 $0xA;
	s25 =	sadd.s32 $0x62800, s20;
	[dreg:$0x7] =	wrdreg s24  }
0x11: {  	s1 =	smul.u32 $0x64000, s1;
	s6 =	sadd.s32 $0x62C00, s20;
	[dreg:$0x8] =	wrdreg s25  }
0x12: {  	s8 =	simm.s32 $0x9;
	s28 =	sadd.s32 $0x63000, s20;
	[dreg:$0x9] =	wrdreg s6  }
0x13: {  	s7 =	simm.s32 $0x8;
	s29 =	sadd.s32 $0x63400, s20;
	[dreg:$0xa] =	wrdreg s28  }
0x14: {  	s0 =	sadd.s32 s26, s0;
	s30 =	sadd.s32 $0x63800, s20;
	[dreg:$0xb] =	wrdreg s29  }
0x15: {  	s4 =	sadd.s32 $0x63C00, s20;
	s0 =	sadd.s32 s1, s0;
	[dreg:$0xc] =	wrdreg s30  }
0x16: {  	s20 =	simm.s32 $0x14;
	[dreg:$0xd] =	wrdreg s4;
	s0 =	sadd.s32 $0x2400, s0  }
0x17: {  	s6 =	simm.s32 $0x7;
	[dreg:$0xf] =	wrdreg s0;
	s0 =	simm.s32 $0x0  }
.LBB2_1:
0x18: {  	[dreg:$0x10] =	wrdreg s0  }
0x19: {  	s22 =	rddreg [dreg:$0x3];
	s26 =	simm.s32 $0x15  }
0x1a: {  	[tilespmem:s2], [sflag:$0x15] =	stream.linear.gather [hbm4b:s22+s2], $0x6400, $0x38;
	[tilespmem:$0x1A400] =	vst v63  }
0x1b: {  	_ =	swait.ge [sflag:s26], $0x6400  }
0x1c: {  	[sflag:s26] =	ssyncset.done $0x0  }
0x1d: {  	s0 =	simm.s32 $0x6400;
	[sflag:s26] =	ssyncadd.s32 $0xFFFF9C00  }
0x1e: {  	[tilespmem:s0], [sflag:$0x1] =	stream.indirect.gather [hbm4b:s3+s18], $0x80, s2, s18, $0xb8;
	[tilespmem:$0x1A400] =	vst v63  }
0x1f: {  	s23 =	simm.s32 $0x8400  }
0x20: {  	[tilespmem:s23], [sflag:$0x2] =	stream.indirect.gather [hbm4b:s3+s18], $0x80, s18, s18, $0xb8;
	[tilespmem:$0x1A400] =	vst v63  }
0x21: {  	s28 =	simm.s32 $0x80;
	s26 =	simm.s32 $0xA400  }
0x22: {  	[tilespmem:s26], [sflag:$0x3] =	stream.indirect.gather [hbm4b:s3+s18], $0x80, s28, s18, $0xb8;
	[tilespmem:$0x1A400] =	vst v63  }
0x23: {  	s29 =	simm.s32 $0xC0;
	s28 =	simm.s32 $0xC400  }
0x24: {  	[tilespmem:s28], [sflag:$0x4] =	stream.indirect.gather [hbm4b:s3+s18], $0x80, s29, s18, $0xb8;
	[tilespmem:$0x1A400] =	vst v63  }
0x25: {  	s30 =	simm.s32 $0x100;
	s1 =	simm.s32 $0xE400  }
0x26: {  	[tilespmem:s1], [sflag:$0x5] =	stream.indirect.gather [hbm4b:s3+s18], $0x80, s30, s18, $0xb8;
	[tilespmem:$0x1A400] =	vst v63  }
0x27: {  	s31 =	simm.s32 $0x140;
	s21 =	simm.s32 $0x10400  }
0x28: {  	[tilespmem:s21], [sflag:$0x6] =	stream.indirect.gather [hbm4b:s3+s18], $0x80, s31, s18, $0xb8;
	[tilespmem:$0x1A400] =	vst v63  }
0x29: {  	s4 =	simm.s32 $0x180;
	s25 =	simm.s32 $0x12400  }
0x2a: {  	[tilespmem:s25], [sflag:$0x7] =	stream.indirect.gather [hbm4b:s3+s18], $0x80, s4, s18, $0xb8;
	[tilespmem:$0x1A400] =	vst v63  }
0x2b: {  	s5 =	simm.s32 $0x1C0;
	s29 =	simm.s32 $0x14400  }
0x2c: {  	[tilespmem:s29], [sflag:$0x8] =	stream.indirect.gather [hbm4b:s3+s18], $0x80, s5, s18, $0xb8;
	[tilespmem:$0x1A400] =	vst v63  }
0x2d: {  	s30 =	simm.s32 $0x16400;
	s4 =	simm.s32 $0x200  }
0x2e: {  	[tilespmem:s30], [sflag:$0x9] =	stream.indirect.gather [hbm4b:s3+s18], $0x80, s4, s18, $0xb8;
	[tilespmem:$0x1A400] =	vst v63  }
0x2f: {  	s24 =	simm.s32 $0x240;
	s31 =	simm.s32 $0x1;
	s5 =	simm.s32 $0x18400  }
0x30: {  	[tilespmem:s5], [sflag:$0xA] =	stream.indirect.gather [hbm4b:s3+s18], $0x80, s24, s18, $0xb8;
	[tilespmem:$0x1A400] =	vst v63  }
0x31: {  	_ =	swait.ge [sflag:s31], $0x2000  }
0x32: {  	[sflag:s31] =	ssyncset.done $0x0;
	s24 =	rddreg [dreg:$0xf]  }
0x33: {  	[sflag:s31] =	ssyncadd.s32 $0xFFFFE000;
	s4 =	sadd.s32 $0xFFFFDC00, s24;
	s31 =	simm.s32 $0x2  }
0x34: {  	[hbm4b:s4+s2] =	stream.linear.scatter [tilespmem:s0], [sflag:$0xB], $0x2000, $0x38;
	[tilespmem:$0x1A400] =	vst v63  }
0x35: {  	_ =	swait.ge [sflag:s31], $0x2000  }
0x36: {  	[sflag:s31] =	ssyncset.done $0x0  }
0x37: {  	s4 =	sadd.s32 $0xFFFFE000, s24;
	[sflag:s31] =	ssyncadd.s32 $0xFFFFE000;
	s31 =	simm.s32 $0x3  }
0x38: {  	[hbm4b:s4+s2] =	stream.linear.scatter [tilespmem:s23], [sflag:$0xC], $0x2000, $0x38;
	[tilespmem:$0x1A400] =	vst v63  }
0x39: {  	_ =	swait.ge [sflag:s31], $0x2000  }
0x3a: {  	[sflag:s31] =	ssyncset.done $0x0  }
0x3b: {  	s4 =	sadd.s32 $0xFFFFE400, s24;
	[sflag:s31] =	ssyncadd.s32 $0xFFFFE000;
	s31 =	simm.s32 $0x4  }
0x3c: {  	[hbm4b:s4+s2] =	stream.linear.scatter [tilespmem:s26], [sflag:$0xD], $0x2000, $0x38;
	[tilespmem:$0x1A400] =	vst v63  }
0x3d: {  	_ =	swait.ge [sflag:s31], $0x2000  }
0x3e: {  	[sflag:s31] =	ssyncset.done $0x0  }
0x3f: {  	s4 =	sadd.s32 $0xFFFFE800, s24;
	[sflag:s31] =	ssyncadd.s32 $0xFFFFE000;
	s31 =	simm.s32 $0x5  }
0x40: {  	[hbm4b:s4+s2] =	stream.linear.scatter [tilespmem:s28], [sflag:$0xE], $0x2000, $0x38;
	[tilespmem:$0x1A400] =	vst v63  }
0x41: {  	_ =	swait.ge [sflag:s31], $0x2000  }
0x42: {  	[sflag:s31] =	ssyncset.done $0x0  }
0x43: {  	s22 =	simm.s32 $0x6;
	s4 =	sadd.s32 $0xFFFFEC00, s24;
	[sflag:s31] =	ssyncadd.s32 $0xFFFFE000  }
0x44: {  	[hbm4b:s4+s2] =	stream.linear.scatter [tilespmem:s1], [sflag:$0xF], $0x2000, $0x38;
	[tilespmem:$0x1A400] =	vst v63  }
0x45: {  	_ =	swait.ge [sflag:s22], $0x2000  }
0x46: {  	[sflag:s22] =	ssyncset.done $0x0  }
0x47: {  	s31 =	sadd.s32 $0xFFFFF000, s24;
	[sflag:s22] =	ssyncadd.s32 $0xFFFFE000  }
0x48: {  	[hbm4b:s31+s2] =	stream.linear.scatter [tilespmem:s21], [sflag:$0x10], $0x2000, $0x38;
	[tilespmem:$0x1A400] =	vst v63  }
0x49: {  	_ =	swait.ge [sflag:s6], $0x2000  }
0x4a: {  	[sflag:s6] =	ssyncset.done $0x0  }
0x4b: {  	s4 =	sadd.s32 $0xFFFFF400, s24;
	[sflag:s6] =	ssyncadd.s32 $0xFFFFE000  }
0x4c: {  	[hbm4b:s4+s2] =	stream.linear.scatter [tilespmem:s25], [sflag:$0x11], $0x2000, $0x38;
	[tilespmem:$0x1A400] =	vst v63  }
0x4d: {  	_ =	swait.ge [sflag:s7], $0x2000  }
0x4e: {  	[sflag:s7] =	ssyncset.done $0x0  }
0x4f: {  	s31 =	sadd.s32 $0xFFFFF800, s24;
	[sflag:s7] =	ssyncadd.s32 $0xFFFFE000  }
0x50: {  	[hbm4b:s31+s2] =	stream.linear.scatter [tilespmem:s29], [sflag:$0x12], $0x2000, $0x38;
	[tilespmem:$0x1A400] =	vst v63  }
0x51: {  	_ =	swait.ge [sflag:s8], $0x2000  }
0x52: {  	[sflag:s8] =	ssyncset.done $0x0  }
0x53: {  	s4 =	sadd.s32 $0xFFFFFC00, s24;
	[sflag:s8] =	ssyncadd.s32 $0xFFFFE000  }
0x54: {  	[hbm4b:s4+s2] =	stream.linear.scatter [tilespmem:s30], [sflag:$0x13], $0x2000, $0x38;
	[tilespmem:$0x1A400] =	vst v63  }
0x55: {  	_ =	swait.ge [sflag:s9], $0x2000  }
0x56: {  	[sflag:s9] =	ssyncset.done $0x0  }
0x57: {  	[sflag:s9] =	ssyncadd.s32 $0xFFFFE000  }
0x58: {  	[hbm4b:s24+s2] =	stream.linear.scatter [tilespmem:s5], [sflag:$0x14], $0x2000, $0x38;
	[tilespmem:$0x1A400] =	vst v63  }
0x59: {  	_ =	swait.ge [sflag:s10], $0x2000  }
0x5a: {  	[sflag:s10] =	ssyncset.done $0x0  }
0x5b: {  	s5 =	simm.s32 $0x280;
	[sflag:s10] =	ssyncadd.s32 $0xFFFFE000  }
0x5c: {  	[tilespmem:s0], [sflag:$0x1] =	stream.indirect.gather [hbm4b:s3+s18], $0x80, s5, s18, $0xb8;
	[tilespmem:$0x1A400] =	vst v63  }
0x5d: {  	_ =	swait.ge [sflag:s11], $0x2000  }
0x5e: {  	[sflag:s11] =	ssyncset.done $0x0  }
0x5f: {  	s31 =	simm.s32 $0x2C0;
	[sflag:s11] =	ssyncadd.s32 $0xFFFFE000  }
0x60: {  	[tilespmem:s23], [sflag:$0x2] =	stream.indirect.gather [hbm4b:s3+s18], $0x80, s31, s18, $0xb8;
	[tilespmem:$0x1A400] =	vst v63  }
0x61: {  	_ =	swait.ge [sflag:s12], $0x2000  }
0x62: {  	[sflag:s12] =	ssyncset.done $0x0  }
0x63: {  	s0 =	simm.s32 $0x300;
	[sflag:s12] =	ssyncadd.s32 $0xFFFFE000  }
0x64: {  	[tilespmem:s26], [sflag:$0x3] =	stream.indirect.gather [hbm4b:s3+s18], $0x80, s0, s18, $0xb8;
	[tilespmem:$0x1A400] =	vst v63  }
0x65: {  	_ =	swait.ge [sflag:s13], $0x2000  }
0x66: {  	[sflag:s13] =	ssyncset.done $0x0  }
0x67: {  	s4 =	simm.s32 $0x340;
	[sflag:s13] =	ssyncadd.s32 $0xFFFFE000  }
0x68: {  	[tilespmem:s28], [sflag:$0x4] =	stream.indirect.gather [hbm4b:s3+s18], $0x80, s4, s18, $0xb8;
	[tilespmem:$0x1A400] =	vst v63  }
0x69: {  	_ =	swait.ge [sflag:s14], $0x2000  }
0x6a: {  	[sflag:s14] =	ssyncset.done $0x0  }
0x6b: {  	s5 =	simm.s32 $0x380;
	[sflag:s14] =	ssyncadd.s32 $0xFFFFE000  }
0x6c: {  	[tilespmem:s1], [sflag:$0x5] =	stream.indirect.gather [hbm4b:s3+s18], $0x80, s5, s18, $0xb8;
	[tilespmem:$0x1A400] =	vst v63  }
0x6d: {  	_ =	swait.ge [sflag:s15], $0x2000  }
0x6e: {  	[sflag:s15] =	ssyncset.done $0x0  }
0x6f: {  	s23 =	simm.s32 $0x3C0;
	[sflag:s15] =	ssyncadd.s32 $0xFFFFE000  }
0x70: {  	[tilespmem:s21], [sflag:$0x6] =	stream.indirect.gather [hbm4b:s3+s18], $0x80, s23, s18, $0xb8;
	[tilespmem:$0x1A400] =	vst v63  }
0x71: {  	_ =	swait.ge [sflag:s17], $0x2000  }
0x72: {  	[sflag:s17] =	ssyncset.done $0x0  }
0x73: {  	s26 =	simm.s32 $0x400;
	[sflag:s17] =	ssyncadd.s32 $0xFFFFE000  }
0x74: {  	[tilespmem:s25], [sflag:$0x7] =	stream.indirect.gather [hbm4b:s3+s18], $0x80, s26, s18, $0xb8;
	[tilespmem:$0x1A400] =	vst v63  }
0x75: {  	_ =	swait.ge [sflag:s16], $0x2000  }
0x76: {  	[sflag:s16] =	ssyncset.done $0x0  }
0x77: {  	s28 =	simm.s32 $0x440;
	[sflag:s16] =	ssyncadd.s32 $0xFFFFE000  }
0x78: {  	[tilespmem:s29], [sflag:$0x8] =	stream.indirect.gather [hbm4b:s3+s18], $0x80, s28, s18, $0xb8;
	[tilespmem:$0x1A400] =	vst v63  }
0x79: {  	_ =	swait.ge [sflag:s19], $0x2000  }
0x7a: {  	[sflag:s19] =	ssyncset.done $0x0  }
0x7b: {  	s31 =	simm.s32 $0x480;
	[sflag:s19] =	ssyncadd.s32 $0xFFFFE000  }
0x7c: {  	[tilespmem:s30], [sflag:$0x9] =	stream.indirect.gather [hbm4b:s3+s18], $0x80, s31, s18, $0xb8;
	[tilespmem:$0x1A400] =	vst v63  }
0x7d: {  	_ =	swait.ge [sflag:s20], $0x2000  }
0x7e: {  	s22 =	simm.s32 $0xA00;
	[sflag:s20] =	ssyncset.done $0x0  }
0x7f: {  	s24 =	sadd.s32 $0x2800, s24;
	s26 =	simm.s32 $0x4C0;
	[sflag:s20] =	ssyncadd.s32 $0xFFFFE000  }
.LBB2_2:
0x80: {  	s0 =	simm.s32 $0x18400  }
0x81: {  	[tilespmem:s0], [sflag:$0xA] =	stream.indirect.gather [hbm4b:s3+s18], $0x80, s26, s18, $0xb8;
	[tilespmem:$0x1A400] =	vst v63  }
0x82: {  	s1 =	simm.s32 $0x1;
	s26 =	smov.u32 s22  }
0x83: {  	p0 =	sne.s32 s22, $0x17C00;
	s22 =	sadd.s32 $0xA00, s22;
	_ =	swait.ge [sflag:s1], $0x2000  }
0x84: {  	s29 =	sadd.s32 $0xFFFFDC00, s24;
	[sflag:s1] =	ssyncset.done $0x0  }
0x85: {  	s31 =	simm.s32 $0x6400;
	[sflag:s1] =	ssyncadd.s32 $0xFFFFE000;
	s1 =	simm.s32 $0x2  }
0x86: {  	[hbm4b:s29+s2] =	stream.linear.scatter [tilespmem:s31], [sflag:$0xB], $0x2000, $0x38;
	[tilespmem:$0x1A400] =	vst v63  }
0x87: {  	_ =	swait.ge [sflag:s1], $0x2000  }
0x88: {  	s23 =	simm.s32 $0x8400;
	[sflag:s1] =	ssyncset.done $0x0  }
0x89: {  	s29 =	sadd.s32 $0xFFFFE000, s24;
	[sflag:s1] =	ssyncadd.s32 $0xFFFFE000;
	s1 =	simm.s32 $0x3  }
0x8a: {  	[hbm4b:s29+s2] =	stream.linear.scatter [tilespmem:s23], [sflag:$0xC], $0x2000, $0x38;
	[tilespmem:$0x1A400] =	vst v63  }
0x8b: {  	_ =	swait.ge [sflag:s1], $0x2000  }
0x8c: {  	s28 =	simm.s32 $0xA400;
	[sflag:s1] =	ssyncset.done $0x0  }
0x8d: {  	s29 =	sadd.s32 $0xFFFFE400, s24;
	[sflag:s1] =	ssyncadd.s32 $0xFFFFE000;
	s1 =	simm.s32 $0x4  }
0x8e: {  	[hbm4b:s29+s2] =	stream.linear.scatter [tilespmem:s28], [sflag:$0xD], $0x2000, $0x38;
	[tilespmem:$0x1A400] =	vst v63  }
0x8f: {  	_ =	swait.ge [sflag:s1], $0x2000  }
0x90: {  	s30 =	simm.s32 $0xC400;
	[sflag:s1] =	ssyncset.done $0x0  }
0x91: {  	s29 =	sadd.s32 $0xFFFFE800, s24;
	[sflag:s1] =	ssyncadd.s32 $0xFFFFE000;
	s1 =	simm.s32 $0x5  }
0x92: {  	[hbm4b:s29+s2] =	stream.linear.scatter [tilespmem:s30], [sflag:$0xE], $0x2000, $0x38;
	[tilespmem:$0x1A400] =	vst v63  }
0x93: {  	_ =	swait.ge [sflag:s1], $0x2000  }
0x94: {  	s4 =	simm.s32 $0x6;
	[sflag:s1] =	ssyncset.done $0x0  }
0x95: {  	s29 =	sadd.s32 $0xFFFFEC00, s24;
	[sflag:s1] =	ssyncadd.s32 $0xFFFFE000;
	s1 =	simm.s32 $0xE400  }
0x96: {  	[hbm4b:s29+s2] =	stream.linear.scatter [tilespmem:s1], [sflag:$0xF], $0x2000, $0x38;
	[tilespmem:$0x1A400] =	vst v63  }
0x97: {  	_ =	swait.ge [sflag:s4], $0x2000  }
0x98: {  	[sflag:s4] =	ssyncset.done $0x0  }
0x99: {  	s21 =	simm.s32 $0x10400;
	s29 =	sadd.s32 $0xFFFFF000, s24;
	[sflag:s4] =	ssyncadd.s32 $0xFFFFE000  }
0x9a: {  	[hbm4b:s29+s2] =	stream.linear.scatter [tilespmem:s21], [sflag:$0x10], $0x2000, $0x38;
	[tilespmem:$0x1A400] =	vst v63  }
0x9b: {  	_ =	swait.ge [sflag:s6], $0x2000  }
0x9c: {  	[sflag:s6] =	ssyncset.done $0x0  }
0x9d: {  	s25 =	simm.s32 $0x12400;
	s29 =	sadd.s32 $0xFFFFF400, s24;
	[sflag:s6] =	ssyncadd.s32 $0xFFFFE000  }
0x9e: {  	[hbm4b:s29+s2] =	stream.linear.scatter [tilespmem:s25], [sflag:$0x11], $0x2000, $0x38;
	[tilespmem:$0x1A400] =	vst v63  }
0x9f: {  	_ =	swait.ge [sflag:s7], $0x2000  }
0xa0: {  	[sflag:s7] =	ssyncset.done $0x0  }
0xa1: {  	s4 =	simm.s32 $0x14400;
	s29 =	sadd.s32 $0xFFFFF800, s24;
	[sflag:s7] =	ssyncadd.s32 $0xFFFFE000  }
0xa2: {  	[hbm4b:s29+s2] =	stream.linear.scatter [tilespmem:s4], [sflag:$0x12], $0x2000, $0x38;
	[tilespmem:$0x1A400] =	vst v63  }
0xa3: {  	_ =	swait.ge [sflag:s8], $0x2000  }
0xa4: {  	[sflag:s8] =	ssyncset.done $0x0  }
0xa5: {  	s5 =	simm.s32 $0x16400;
	s29 =	sadd.s32 $0xFFFFFC00, s24;
	[sflag:s8] =	ssyncadd.s32 $0xFFFFE000  }
0xa6: {  	[hbm4b:s29+s2] =	stream.linear.scatter [tilespmem:s5], [sflag:$0x13], $0x2000, $0x38;
	[tilespmem:$0x1A400] =	vst v63  }
0xa7: {  	_ =	swait.ge [sflag:s9], $0x2000  }
0xa8: {  	[sflag:s9] =	ssyncset.done $0x0  }
0xa9: {  	[sflag:s9] =	ssyncadd.s32 $0xFFFFE000  }
0xaa: {  	[hbm4b:s24+s2] =	stream.linear.scatter [tilespmem:s0], [sflag:$0x14], $0x2000, $0x38;
	[tilespmem:$0x1A400] =	vst v63  }
0xab: {  	_ =	swait.ge [sflag:s10], $0x2000  }
0xac: {  	s26 =	sshra.s32 s26, $0x2;
	[sflag:s10] =	ssyncset.done $0x0  }
0xad: {  	s29 =	sadd.s32 $0x280, s26;
	s0 =	simm.s32 $0x6400;
	[sflag:s10] =	ssyncadd.s32 $0xFFFFE000  }
0xae: {  	[tilespmem:s31], [sflag:$0x1] =	stream.indirect.gather [hbm4b:s3+s18], $0x80, s29, s18, $0xb8;
	[tilespmem:$0x1A400] =	vst v63  }
0xaf: {  	_ =	swait.ge [sflag:s11], $0x2000  }
0xb0: {  	[sflag:s11] =	ssyncset.done $0x0  }
0xb1: {  	s29 =	sadd.s32 $0x2C0, s26;
	s31 =	simm.s32 $0x8400;
	[sflag:s11] =	ssyncadd.s32 $0xFFFFE000  }
0xb2: {  	[tilespmem:s23], [sflag:$0x2] =	stream.indirect.gather [hbm4b:s3+s18], $0x80, s29, s18, $0xb8;
	[tilespmem:$0x1A400] =	vst v63  }
0xb3: {  	_ =	swait.ge [sflag:s12], $0x2000  }
0xb4: {  	[sflag:s12] =	ssyncset.done $0x0  }
0xb5: {  	s29 =	sadd.s32 $0x300, s26;
	s23 =	simm.s32 $0xA400;
	[sflag:s12] =	ssyncadd.s32 $0xFFFFE000  }
0xb6: {  	[tilespmem:s28], [sflag:$0x3] =	stream.indirect.gather [hbm4b:s3+s18], $0x80, s29, s18, $0xb8;
	[tilespmem:$0x1A400] =	vst v63  }
0xb7: {  	_ =	swait.ge [sflag:s13], $0x2000  }
0xb8: {  	[sflag:s13] =	ssyncset.done $0x0  }
0xb9: {  	s29 =	sadd.s32 $0x340, s26;
	s28 =	simm.s32 $0xC400;
	[sflag:s13] =	ssyncadd.s32 $0xFFFFE000  }
0xba: {  	[tilespmem:s30], [sflag:$0x4] =	stream.indirect.gather [hbm4b:s3+s18], $0x80, s29, s18, $0xb8;
	[tilespmem:$0x1A400] =	vst v63  }
0xbb: {  	_ =	swait.ge [sflag:s14], $0x2000  }
0xbc: {  	[sflag:s14] =	ssyncset.done $0x0  }
0xbd: {  	s29 =	sadd.s32 $0x380, s26;
	s30 =	simm.s32 $0xE400;
	[sflag:s14] =	ssyncadd.s32 $0xFFFFE000  }
0xbe: {  	[tilespmem:s1], [sflag:$0x5] =	stream.indirect.gather [hbm4b:s3+s18], $0x80, s29, s18, $0xb8;
	[tilespmem:$0x1A400] =	vst v63  }
0xbf: {  	_ =	swait.ge [sflag:s15], $0x2000  }
0xc0: {  	[sflag:s15] =	ssyncset.done $0x0  }
0xc1: {  	s29 =	sadd.s32 $0x3C0, s26;
	s1 =	simm.s32 $0x10400;
	[sflag:s15] =	ssyncadd.s32 $0xFFFFE000  }
0xc2: {  	[tilespmem:s21], [sflag:$0x6] =	stream.indirect.gather [hbm4b:s3+s18], $0x80, s29, s18, $0xb8;
	[tilespmem:$0x1A400] =	vst v63  }
0xc3: {  	_ =	swait.ge [sflag:s17], $0x2000  }
0xc4: {  	[sflag:s17] =	ssyncset.done $0x0  }
0xc5: {  	s29 =	sadd.s32 $0x400, s26;
	s21 =	simm.s32 $0x12400;
	[sflag:s17] =	ssyncadd.s32 $0xFFFFE000  }
0xc6: {  	[tilespmem:s25], [sflag:$0x7] =	stream.indirect.gather [hbm4b:s3+s18], $0x80, s29, s18, $0xb8;
	[tilespmem:$0x1A400] =	vst v63  }
0xc7: {  	_ =	swait.ge [sflag:s16], $0x2000  }
0xc8: {  	[sflag:s16] =	ssyncset.done $0x0  }
0xc9: {  	s29 =	sadd.s32 $0x440, s26;
	s25 =	simm.s32 $0x14400;
	[sflag:s16] =	ssyncadd.s32 $0xFFFFE000  }
0xca: {  	[tilespmem:s4], [sflag:$0x8] =	stream.indirect.gather [hbm4b:s3+s18], $0x80, s29, s18, $0xb8;
	[tilespmem:$0x1A400] =	vst v63  }
0xcb: {  	_ =	swait.ge [sflag:s19], $0x2000  }
0xcc: {  	s29 =	sadd.s32 $0x480, s26;
	[sflag:s19] =	ssyncset.done $0x0  }
.Ltmp0:
0xcd: {  	s4 =	simm.s32 $0x16400;
	[sflag:s19] =	ssyncadd.s32 $0xFFFFE000;
	(pc) =	sbr.rel @p0 .LBB2_2-.Ltmp0, $4  }
0xce: {  	[tilespmem:s5], [sflag:$0x9] =	stream.indirect.gather [hbm4b:s3+s18], $0x80, s29, s18, $0xb8;
	[tilespmem:$0x1A400] =	vst v63  }
0xcf: {  	_ =	swait.ge [sflag:s20], $0x2000  }
0xd0: {  	[sflag:s20] =	ssyncset.done $0x0  }
0xd1: {  	s24 =	sadd.s32 $0x2800, s24;
	s26 =	sadd.s32 $0x4C0, s26;
	[sflag:s20] =	ssyncadd.s32 $0xFFFFE000  }
0xd2: {  	s5 =	simm.s32 $0x18400;
	s22 =	simm.s32 $0x1  }
0xd3: {  	[tilespmem:s5], [sflag:$0xA] =	stream.indirect.gather [hbm4b:s3+s18], $0x80, s26, s18, $0xb8;
	[tilespmem:$0x1A400] =	vst v63  }
0xd4: {  	_ =	swait.ge [sflag:s22], $0x2000  }
0xd5: {  	[sflag:s22] =	ssyncset.done $0x0  }
0xd6: {  	s29 =	simm.s32 $0x2;
	s26 =	rddreg [dreg:$0x4];
	[sflag:s22] =	ssyncadd.s32 $0xFFFFE000  }
0xd7: {  	[hbm4b:s26+s2] =	stream.linear.scatter [tilespmem:s0], [sflag:$0xB], $0x2000, $0x38;
	[tilespmem:$0x1A400] =	vst v63  }
0xd8: {  	_ =	swait.ge [sflag:s29], $0x2000  }
0xd9: {  	[sflag:s29] =	ssyncset.done $0x0  }
0xda: {  	s22 =	simm.s32 $0x3;
	s0 =	rddreg [dreg:$0x5];
	[sflag:s29] =	ssyncadd.s32 $0xFFFFE000  }
0xdb: {  	[hbm4b:s0+s2] =	stream.linear.scatter [tilespmem:s31], [sflag:$0xC], $0x2000, $0x38;
	[tilespmem:$0x1A400] =	vst v63  }
0xdc: {  	_ =	swait.ge [sflag:s22], $0x2000  }
0xdd: {  	[sflag:s22] =	ssyncset.done $0x0  }
0xde: {  	s26 =	simm.s32 $0x4;
	s24 =	rddreg [dreg:$0x6];
	[sflag:s22] =	ssyncadd.s32 $0xFFFFE000  }
0xdf: {  	[hbm4b:s24+s2] =	stream.linear.scatter [tilespmem:s23], [sflag:$0xD], $0x2000, $0x38;
	[tilespmem:$0x1A400] =	vst v63  }
0xe0: {  	_ =	swait.ge [sflag:s26], $0x2000  }
0xe1: {  	[sflag:s26] =	ssyncset.done $0x0  }
0xe2: {  	s31 =	simm.s32 $0x5;
	s29 =	rddreg [dreg:$0x7];
	[sflag:s26] =	ssyncadd.s32 $0xFFFFE000  }
0xe3: {  	[hbm4b:s29+s2] =	stream.linear.scatter [tilespmem:s28], [sflag:$0xE], $0x2000, $0x38;
	[tilespmem:$0x1A400] =	vst v63  }
0xe4: {  	_ =	swait.ge [sflag:s31], $0x2000  }
0xe5: {  	[sflag:s31] =	ssyncset.done $0x0  }
0xe6: {  	s22 =	simm.s32 $0x6;
	s0 =	rddreg [dreg:$0x8];
	[sflag:s31] =	ssyncadd.s32 $0xFFFFE000  }
0xe7: {  	[hbm4b:s0+s2] =	stream.linear.scatter [tilespmem:s30], [sflag:$0xF], $0x2000, $0x38;
	[tilespmem:$0x1A400] =	vst v63  }
0xe8: {  	_ =	swait.ge [sflag:s22], $0x2000  }
0xe9: {  	[sflag:s22] =	ssyncset.done $0x0  }
0xea: {  	s23 =	rddreg [dreg:$0x9];
	[sflag:s22] =	ssyncadd.s32 $0xFFFFE000  }
0xeb: {  	[hbm4b:s23+s2] =	stream.linear.scatter [tilespmem:s1], [sflag:$0x10], $0x2000, $0x38;
	[tilespmem:$0x1A400] =	vst v63  }
0xec: {  	_ =	swait.ge [sflag:s6], $0x2000  }
0xed: {  	[sflag:s6] =	ssyncset.done $0x0  }
0xee: {  	s24 =	rddreg [dreg:$0xa];
	[sflag:s6] =	ssyncadd.s32 $0xFFFFE000  }
0xef: {  	[hbm4b:s24+s2] =	stream.linear.scatter [tilespmem:s21], [sflag:$0x11], $0x2000, $0x38;
	[tilespmem:$0x1A400] =	vst v63  }
0xf0: {  	_ =	swait.ge [sflag:s7], $0x2000  }
0xf1: {  	[sflag:s7] =	ssyncset.done $0x0  }
0xf2: {  	s26 =	rddreg [dreg:$0xb];
	[sflag:s7] =	ssyncadd.s32 $0xFFFFE000  }
0xf3: {  	[hbm4b:s26+s2] =	stream.linear.scatter [tilespmem:s25], [sflag:$0x12], $0x2000, $0x38;
	[tilespmem:$0x1A400] =	vst v63  }
0xf4: {  	_ =	swait.ge [sflag:s8], $0x2000  }
0xf5: {  	[sflag:s8] =	ssyncset.done $0x0  }
0xf6: {  	s28 =	rddreg [dreg:$0xc];
	[sflag:s8] =	ssyncadd.s32 $0xFFFFE000  }
0xf7: {  	[hbm4b:s28+s2] =	stream.linear.scatter [tilespmem:s4], [sflag:$0x13], $0x2000, $0x38;
	[tilespmem:$0x1A400] =	vst v63  }
0xf8: {  	_ =	swait.ge [sflag:s9], $0x2000  }
0xf9: {  	[sflag:s9] =	ssyncset.done $0x0  }
0xfa: {  	s29 =	rddreg [dreg:$0xd];
	[sflag:s9] =	ssyncadd.s32 $0xFFFFE000  }
0xfb: {  	[hbm4b:s29+s2] =	stream.linear.scatter [tilespmem:s5], [sflag:$0x14], $0x2000, $0x38;
	[tilespmem:$0x1A400] =	vst v63  }
0xfc: {  	_ =	swait.ge [sflag:s10], $0x2000  }
0xfd: {  	[sflag:s10] =	ssyncset.done $0x0  }
0xfe: {  	[sflag:s10] =	ssyncadd.s32 $0xFFFFE000  }
0xff: {  	_ =	swait.ge [sflag:s11], $0x2000  }
0x100: {  	[sflag:s11] =	ssyncset.done $0x0  }
0x101: {  	[sflag:s11] =	ssyncadd.s32 $0xFFFFE000  }
0x102: {  	_ =	swait.ge [sflag:s12], $0x2000  }
0x103: {  	[sflag:s12] =	ssyncset.done $0x0  }
0x104: {  	[sflag:s12] =	ssyncadd.s32 $0xFFFFE000  }
0x105: {  	_ =	swait.ge [sflag:s13], $0x2000  }
0x106: {  	[sflag:s13] =	ssyncset.done $0x0  }
0x107: {  	[sflag:s13] =	ssyncadd.s32 $0xFFFFE000  }
0x108: {  	_ =	swait.ge [sflag:s14], $0x2000  }
0x109: {  	[sflag:s14] =	ssyncset.done $0x0  }
0x10a: {  	[sflag:s14] =	ssyncadd.s32 $0xFFFFE000  }
0x10b: {  	_ =	swait.ge [sflag:s15], $0x2000  }
0x10c: {  	[sflag:s15] =	ssyncset.done $0x0  }
0x10d: {  	[sflag:s15] =	ssyncadd.s32 $0xFFFFE000  }
0x10e: {  	_ =	swait.ge [sflag:s17], $0x2000  }
0x10f: {  	[sflag:s17] =	ssyncset.done $0x0  }
0x110: {  	[sflag:s17] =	ssyncadd.s32 $0xFFFFE000  }
0x111: {  	_ =	swait.ge [sflag:s16], $0x2000  }
0x112: {  	[sflag:s16] =	ssyncset.done $0x0  }
0x113: {  	[sflag:s16] =	ssyncadd.s32 $0xFFFFE000  }
0x114: {  	_ =	swait.ge [sflag:s19], $0x2000  }
0x115: {  	[sflag:s19] =	ssyncset.done $0x0  }
0x116: {  	[sflag:s19] =	ssyncadd.s32 $0xFFFFE000  }
0x117: {  	_ =	swait.ge [sflag:s20], $0x2000  }
0x118: {  	s30 =	rddreg [dreg:$0x10]  }
0x119: {  	s31 =	rddreg [dreg:$0xe];
	s0 =	sadd.s32 $0x1, s30  }
0x11a: {  	p0 =	sne.s32 s0, s31  }
.Ltmp1:
0x11b: {  	_ = 	snop;
	(pc) =	sbr.rel @p0 .LBB2_1-.Ltmp1, $3  }
0x11c: {  	_ =	sdelay $0x1  }
0x11d: {  	[sflag:s20] =	ssyncset.done $0x0  }
0x11e: {  	[sflag:s20] =	ssyncadd.s32 $0xFFFFE000  }
0x11f: {  	_ =	sfence.sel $0x180000  }
0x120: {  	[bflag:$0x0] =	sbarrier.arrive $0xFFFF  }
0x121: {  	_ =	strace $0x90000047  }
0x122: {  	s0 =	stileid.u32;
	[bflag:$0x2] =	sbarrier.arrive $0xFFFF  }
0x123: {  	p0 =	sne.s32 s0, $0x0;
	s0 =	rddreg [dreg:$0x2]  }
0x124: {  	s0 =	sadd.s32 @!p0 $0x100000, s0  }
0x125: {  	[sflag:s0] =	ssyncadd.tile.s32 @!p0 $0x1;
	_ =	shalt  }
.Lfunc_end2:
_tile_overlayer_lowered:
.L_overlay_start_2:
0x126: {  	(tag) =	ssettag $0x2  }
0x127: {  	s0 =	rddreg [dreg:$0x0];
	s2 =	stileid.u32  }
0x128: {  	s1 =	rddreg [dreg:$0x1];
	p0 =	sne.s32 s2, $0x0  }
0x129: {  	s3 =	rddreg [dreg:$0x2];
	[bflag:$0x3] =	sbarrier.arrive $0xFFFF;
	s2 =	simm.s32 @!p0 $0x1C15  }
0x12a: {  	[timem:s3], [sflag:s2] =	dma.local @!p0 [hbm:s0], s1  }
0x12b: {  	s0 =	simm.s32 @!p0 $0x15  }
0x12c: {  	_ =	swait.ge @!p0 [sflag:s0], s1  }
0x12d: {  	s1 =	ssub.s32 @!p0 $0x0, s1;
	[sflag:s0] =	ssyncset.done @!p0 $0x0  }
0x12e: {  	[sflag:s0] =	ssyncadd.s32 @!p0 s1  }
0x12f: {  	[bflag:$0x3] =	sbarrier.arrive $0xFFFF  }
0x130: {  	_ =	shalt  }

// kernel: sparse-core-data-format-call.cloned.1.call-start
scs
called_computation_lowered:
.L_overlay_start_0:
0x0: {  	s2 =	sld [smem:$0x3FD9]  }
0x1: {  	s3 =	sld [smem:$0x3FFE];
	_ =	sdelay $0x1  }
0x2: {  	s1 =	srdreg.scid  }
0x3: {  	s0 =	sand.u32 $0x1, s1  }
0x4: {  	s18 =	sshll.u32 s0, $0xA;
	s2 =	sadd.s32 s3, s2  }
0x5: {  	s2 =	sadd.s32 s2, s18  }
0x6: {  	[smem:$0x3FC6] =	sst s2  }
0x7: {  	_ = 	snop  }
0x8: {  	s2 =	sld [smem:$0x3FD0];
	(tm) =	ssettm $0x1  }
0x9: {  	s19 =	sld [smem:$0x3FFB];
	_ =	sdelay $0x3  }
0xa: {  	_ =	strace s19  }
0xb: {  	s3 =	sld [smem:$0x3FFC];
	_ =	sdelay $0x3  }
0xc: {  	_ =	strace s3  }
0xd: {  	s3 =	sld [smem:$0x3FFD];
	_ =	sdelay $0x3  }
0xe: {  	_ =	strace s3  }
0xf: {  	_ =	strace $0x8FFFFFFF  }
0x10: {  	s20 =	sld [smem:$0x3FDB];
	_ =	sdelay $0x1  }
0x11: {  	s4 =	simm.s32 $_scs_section_size  }
0x12: {  	s5 =	simm.s32 $_size__tile_overlayer_lowered;
	s6 =	simm.s32 $_tile_overlayer_lowered  }
0x13: {  	s23 =	simm.s32 $0x1BFF;
	s22 =	sshll.u32 s6, $0x1;
	s3 =	sadd.s32 s4, s20  }
0x14: {  	s7 =	simm.s32 $0x0;
	s21 =	sshll.u32 s5, $0x1;
	s5 =	sadd.s32 s22, s3  }
0x15: {  	[timem:s7], [sflag:s23] =	dma.local [hbm:s5], s21  }
0x16: {  	_ =	swait.ge [sflag:s23], s21  }
0x17: {  	s4 =	ssub.s32 $0x0, s21;
	[sflag:s23] =	ssyncset.done $0x0  }
0x18: {  	[sflag:s23] =	ssyncadd.s32 s4;
	_ =	sdelay $0x1  }
0x19: {  	s24 =	simm.s32 $0x1B8B  }
0x1a: {  	_ =	swait.ge [sflag:s24], $0x1  }
0x1b: {  	[sflag:s24] =	ssyncset.done $0x0  }
0x1c: {  	s26 =	simm.s32 $0x1B8E;
	s25 =	sld [smem:$0x3FFE];
	[sflag:s24] =	ssyncadd.s32 $0xFFFFFFFF  }
0x1d: {  	s27 =	simm.s32 $execute0_lowered;
	[smem:$0x3FD2] =	sst s26  }
0x1e: {  	s5 =	sshll.u32 s27, $0x1;
	_ =	strace $0x80000049;
	[dreg:$0x1] =	wrdreg $0xFFFFFFFF  }
0x1f: {  	s28 =	simm.s32 $_size_execute0_lowered;
	s3 =	sadd.s32 s3, s5;
	[dreg:$0x0] =	wrdreg $0x0  }
0x20: {  	s5 =	sshll.u32 s28, $0x1;
	[dreg:$0x2] =	wrdreg s3  }
0x21: {  	[dreg:$0x3] =	wrdreg s5  }
0x22: {  	[dreg:$0x4] =	wrdreg $0xC0  }
0x23: {  	_ =	task [dreg:s7], $0x5FFFF  }
0x24: {  	[dreg:$0x1] =	wrdreg $0xFFFFFFFF  }
0x25: {  	[dreg:$0x0] =	wrdreg $0x60  }
0x26: {  	[dreg:$0x2] =	wrdreg s25  }
0x27: {  	[dreg:$0x3] =	wrdreg s2  }
0x28: {  	[dreg:$0x4] =	wrdreg $0x9  }
0x29: {  	_ =	task.clear_ibuf [dreg:s7], $0x5FFFF;
	_ =	strace $0x90000049  }
0x2a: {  	s29 =	simm.s32 $0x9;
	_ =	strace $0x8000004B  }
0x2b: {  	_ =	swait.ge [sflag:s29], $0x1  }
0x2c: {  	[sflag:s29] =	ssyncadd.s32 $0xFFFFFFFF  }
0x2d: {  	_ =	strace $0x9000004B  }
0x2e: {  	_ =	sfence  }
0x2f: {  	s30 =	sld [smem:$0x0];
	_ =	sdelay $0x2  }
0x30: {  	s31 =	sshll.u32 s1, $0xD;
	s1 =	sshrl.u32 s1, $0x2  }
0x31: {  	s3 =	sand.u32 $0x4000, s31;
	s1 =	sadd.s32 s1, s30  }
0x32: {  	s0 =	sor.u32 s3, s0;
	s1 =	sshll.u32 s1, $0x11  }
0x33: {  	s0 =	sor.u32 s1, s0  }
0x34: {  	s0 =	sadd.s32 $0x8F2B, s0  }
0x35: {  	[sflag:s0] =	ssyncadd.remote.s32 $0x1  }
0x36: {  	_ =	sfence.sel $0xFFFF  }
0x37: {  	[dreg:$0x0] =	wrdreg $0xFFFFFFFF;
	(pc) =	sbr.abs _section_cstart, $3  }
0x38: {  	[dreg:$0x1] =	wrdreg $0xFFFFFFFF  }
0x39: {  	_ =	task.clear_ibuf [dreg:s7], $0x2FFFF;
	_ =	strace $0x9FFFFFFF  }
0x3a: {  	(tm) =	ssettm $0x7FFFFFFF  }
0x3b: {  	_ =	shalt  }
tec
execute0_lowered:
.L_overlay_start_1:
0x0: {  	(tag) =	ssettag $0x1  }
0x1: {  	s0 =	srdreg.scid  }
0x2: {  	s1 =	sshll.u32 s0, $0x4  }
0x3: {  	s0 =	stileid.u32;
	s1 =	sand.u32 $0x10, s1  }
0x4: {  	s1 =	sor.u32 s0, s1  }
0x5: {  	s6 =	rddreg [dreg:$0x0];
	s4 =	simm.s32 $0x1;
	s2 =	sshll.u32 s1, $0x7  }
0x6: {  	s7 =	simm.s32 $0x2;
	s12 =	simm.s32 $0x0;
	s1 =	ssub.s32 $0x1000, s2  }
0x7: {  	s8 =	simm.s32 $0x8000;
	s13 =	simm.s32 $0x0;
	s3 =	sand.u32 $0xF80, s1  }
0x8: {  	s9 =	simm.s32 $0x0;
	s5 =	sshrl.u32 s1, $0xC;
	p0 =	sne.s32 s3, $0x0  }
.Ltmp0:
0x9: {  	s1 =	rddreg [dreg:$0x2];
	s4 =	simm.s32 @!p0 $0x0;
	(pc) =	sbr.rel .LBB1_1-.Ltmp0, $4  }
0xa: {  	s11 =	simm.s32 $0x0;
	s3 =	rddreg [dreg:$0x1];
	s5 =	sadd.s32 s4, s5  }
0xb: {  	_ =	strace $0x8000004A;
	s4 =	simm.s32 $0x1;
	s5 =	smul.u32 $0xC8, s5  }
0xc: {  	s6 =	sadd.s32 $0xA00, s6;
	s10 =	smov.u32 s2;
	[sflag:s4] =	ssyncpa.u1 $0x0  }
0xd: {  	p0 =	por $0x0, $0x0;
	[sflag:s7] =	ssyncpa.u1 $0x0;
	s7 =	sor.u32 $0x1, s5  }
.LBB1_4:
0xe: {  	s16 =	sshll.u32 s13, $0x3;
	s17 =	sand.u32 $0x78, s13  }
0xf: {  	s30 =	sand.u32 $0x7E00, s13;
	s12 =	sshll.u32 s12, $0xF;
	s16 =	sand.u32 $0xC00, s16  }
0x10: {  	[tilespmem:s15+$0x810 ss:$0x81] =	vst.msk $0xffff, v2;
	s31 =	sand.u32 $0x7, s13;
	s16 =	sor.u32 s17, s16;
	s17 =	sadd.s32 s3, s30  }
0x11: {  	[tilespmem:s15+$0x1020 ss:$0x81] =	vst.msk $0xffff, v0;
	s13 =	sshll.u32 s31, $0x12;
	s12 =	sadd.s32 s12, s17;
	s16 =	sshrl.u32 s16, $0x3  }
0x12: {  	[tilespmem:s15+$0x0 ss:$0x81] =	vst.msk $0xffff, v1;
	s13 =	sor.u32 $0x400, s13;
	s12 =	sadd.s32 s16, s12  }
0x13: {  	[hbm4b:s12+s13] =	stream.strided.scatter [tilespmem:s14], [sflag:$0x2], $0x2000, s8, s13, $0x20;
	[tilespmem:$0x8080] =	vst v63  }
.LBB1_5:
0x14: {  	s14 =	sadd.s32 $0x1, s9  }
0x15: {  	s12 =	sadd.s32 $0x1000, s10;
	s16 =	smov.u32 s10;
	p2 =	sgt.s32 s14, $0xC7  }
0x16: {  	s16 =	smov.u32 @p2 s12  }
0x17: {  	s14 =	simm.s32 @p2 $0x0;
	p2 =	sgt.s32 s16, $0xFFF  }
0x18: {  	s16 =	smov.u32 @p2 s2;
	p2 =	sne.s32 s11, s7  }
.Ltmp1:
0x19: {  	p1 =	slt.u32 s11, $0x2;
	(pc) =	sbr.rel @!p2 .LBB1_6-.Ltmp1, $4  }
0x1a: {  	s15 =	simm.s32 @!p1 $0x2  }
0x1b: {  	s13 =	smov.u32 s10;
	p0 =	por !p0, !p0;
	_ =	swait.ge @!p1 [sflag:s15], $0x2000  }
0x1c: {  	s12 =	smov.u32 s9;
	[sflag:s15] =	ssyncset.done @!p1 $0x0;
	s9 =	smov.u32 s14  }
0x1d: {  	s11 =	sadd.s32 $0x1, s11;
	[sflag:s15] =	ssyncadd.s32 @!p1 $0xFFFFE000;
	s10 =	smov.u32 s16  }
.LBB1_1:
0x1e: {  	p1 =	sge.u32 s11, s5  }
0x1f: {  	s14 =	sand.u32 @!p1 $0x1FFFFFF, s9  }
0x20: {  	s15 =	smulhi.u32 @!p1 $0x147AE15, s14;
	_ =	sdelay $0x1  }
0x21: {  	s15 =	smul.u32 @!p1 $0xC8, s15  }
0x22: {  	s16 =	sxor.u32 @!p1 $0xFFFFFFFF, s11;
	s17 =	smul.u32 @!p1 $0xC80, s10  }
0x23: {  	s31 =	sadd.s32 $0xFFFFFFFF, s11;
	s16 =	sshll.u32 @!p1 s16, $0xD;
	s14 =	ssub.s32 @!p1 s14, s15  }
0x24: {  	s15 =	sand.u32 @!p1 $0x2000, s16;
	s16 =	sadd.s32 @!p1 s6, s17;
	s14 =	sshll.u32 @!p1 s14, $0x4  }
0x25: {  	s17 =	simm.s32 @!p1 $0x6400;
	s14 =	sadd.s32 @!p1 s14, s16;
	s16 =	simm.s32 @!p1 $0x40  }
0x26: {  	[tilespmem:s15], [sflag:$0x1] =	stream.strided.gather @!p1 [hbm4b:s14+s16], $0x2000, s17, s16, $0x38;
	[tilespmem:$0x8080] =	vst v63  }
0x27: {  	p1 =	sge.u32 s31, s5  }
.Ltmp2:
0x28: {  	_ = 	snop;
	(pc) =	sbr.rel @p1 .LBB1_5-.Ltmp2, $1  }
0x29: {  	_ =	sdelay $0x3  }
0x2a: {  	s14 =	simm.s32 $0x1  }
0x2b: {  	_ =	swait.ge [sflag:s4], $0x2000;
	s14 =	simm.s32 @!p0 $0x0  }
0x2c: {  	[sflag:s4] =	ssyncset.done $0x0;
	s15 =	sshll.u32 s14, $0xD  }
0x2d: {  	[sflag:s4] =	ssyncadd.s32 $0xFFFFE000;
	s18 =	sor.u32 $0x20, s15  }
0x2e: {  	s14 =	smul.u32 $0x8100, s14;
	v3 =	vld [tilespmem:s18+$0x10]  }
0x2f: {  	s30 =	sand.u32 $0x1, s11;
	v2 =	vld [tilespmem:s18+$0xFFFFFFF0]  }
0x30: {  	s15 =	smul.u32 $0x8100, s30;
	s14 =	sshrl.u32 s14, $0x2;
	v0 =	vld [tilespmem:s18+$0x0]  }
0x31: {  	v1 =	vld [tilespmem:s18+$0xFFFFFFE0];
	s16 =	sor.u32 $0x4000, s14  }
0x32: {  	s31 =	sshrl.u32 s15, $0x2;
	s15 =	sadd.s32 $0x0, s16  }
0x33: {  	s17 =	simm.s32 $0x4;
	s18 =	sadd.s32 $0x40, s18;
	s14 =	sor.u32 $0x4000, s31;
	[tilespmem:s15+$0x1830 ss:$0x81] =	vst.msk $0xffff, v3  }
.LBB1_3:
0x34: {  	v3 =	vld [tilespmem:s18+$0x10];
	p1 =	sne.s32 s17, $0x1FC;
	[tilespmem:s15+$0x810 ss:$0x81] =	vst.msk $0xffff, v2;
	s19 =	smov.u32 s17;
	s17 =	sadd.s32 $0x4, s17  }
.Ltmp3:
0x35: {  	v2 =	vld [tilespmem:s18+$0xFFFFFFF0];
	[tilespmem:s15+$0x1020 ss:$0x81] =	vst.msk $0xffff, v0;
	(pc) =	sbr.rel @p1 .LBB1_3-.Ltmp3, $4  }
0x36: {  	v0 =	vld [tilespmem:s18+$0x0];
	[tilespmem:s15+$0x0 ss:$0x81] =	vst.msk $0xffff, v1  }
0x37: {  	s15 =	sshra.s32 s19, $0x2;
	v1 =	vld [tilespmem:s18+$0xFFFFFFE0]  }
0x38: {  	s15 =	sadd.s32 s15, s16  }
0x39: {  	s18 =	sadd.s32 $0x40, s18;
	[tilespmem:s15+$0x1830 ss:$0x81] =	vst.msk $0xffff, v3  }
.Ltmp4:
0x3a: {  	_ = 	snop;
	(pc) =	sbr.rel .LBB1_4-.Ltmp4, $1  }
0x3b: {  	_ =	sdelay $0x3  }
.LBB1_6:
0x3c: {  	_ =	sfence.sel $0x180000  }
0x3d: {  	s2 =	simm.s32 $0x1;
	[bflag:$0x0] =	sbarrier.arrive $0xFFFF  }
0x3e: {  	s31 =	simm.s32 $0x2;
	[sflag:s2] =	ssyncpa.u1 $0x1  }
0x3f: {  	[sflag:s31] =	ssyncpa.u1 $0x1  }
0x40: {  	p0 =	sne.s32 s0, $0x0;
	_ =	strace $0x9000004A  }
0x41: {  	s0 =	sadd.s32 @!p0 $0x100000, s1;
	[bflag:$0x2] =	sbarrier.arrive $0xFFFF  }
0x42: {  	[sflag:s0] =	ssyncadd.tile.s32 @!p0 $0x1;
	_ =	shalt  }
.Lfunc_end1:
_tile_overlayer_lowered:
.L_overlay_start_2:
0x43: {  	(tag) =	ssettag $0x2  }
0x44: {  	s0 =	rddreg [dreg:$0x0];
	s2 =	stileid.u32  }
0x45: {  	s1 =	rddreg [dreg:$0x1];
	p0 =	sne.s32 s2, $0x0  }
0x46: {  	s3 =	rddreg [dreg:$0x2];
	[bflag:$0x3] =	sbarrier.arrive $0xFFFF;
	s2 =	simm.s32 @!p0 $0x1C01  }
0x47: {  	[timem:s3], [sflag:s2] =	dma.local @!p0 [hbm:s0], s1  }
0x48: {  	s0 =	simm.s32 @!p0 $0x1  }
0x49: {  	_ =	swait.ge @!p0 [sflag:s0], s1  }
0x4a: {  	s1 =	ssub.s32 @!p0 $0x0, s1;
	[sflag:s0] =	ssyncset.done @!p0 $0x0  }
0x4b: {  	[sflag:s0] =	ssyncadd.s32 @!p0 s1  }
0x4c: {  	[bflag:$0x3] =	sbarrier.arrive $0xFFFF  }
0x4d: {  	_ =	shalt  }

</sc_bundles>
